<compile_context>
chip_gen: v7x
topology: tpu7x:2x2x1
jax: 0.10.2.dev20260603
libtpu: 0.0.44.dev20260713+nightly
codegen_flags: <defaults>
</compile_context>

<pallas_src>
import functools

import jax
import jax.numpy as jnp
from jax import lax
from jax.experimental import pallas as pl
from jax.experimental.pallas import tpu as pltpu
from jax.experimental.pallas import tpu_sc as plsc

N = 10000
E = 320000
EL = 100000
D = 128

NC = 2
NS = 16
NW = NC * NS
L = 16

NPAD = 10240
RPS = NPAD // NS
DUMMY = N

EB = 128
TOTB = 2560
EPAD = TOTB * EB
NB0 = 80
NB1 = 80
CHB = 8
NCH0 = NB0 // CHB
NCH1 = NB1 // CHB
NB_DEG = TOTB // NW

TOTBL = 896
ELPAD = TOTBL * 128
NBL0 = 32
NBL1 = 24


def _mesh():
    return plsc.VectorSubcoreMesh(
        core_axis_name="c", subcore_axis_name="s", num_cores=NC, num_subcores=NS
    )


def _deg_call(dst2, z16):
    @functools.partial(
        pl.kernel,
        out_type=jax.ShapeDtypeStruct((NC, NPAD, L), jnp.float32),
        mesh=_mesh(),
        scratch_types=[
            pltpu.VMEM((NB_DEG, EB), jnp.int32),
            pltpu.VMEM((EB, L), jnp.float32),
            pltpu.VMEM_SHARED((NPAD, L), jnp.float32),
            pltpu.SemaphoreType.DMA,
        ],
        name="sc_deg",
    )
    def deg_kernel(dst_hbm, z_hbm, out_hbm, dstv, onesv, acc, semz):
        cid = lax.axis_index("c")
        sid = lax.axis_index("s")
        wid = sid * NC + cid

        zc = pltpu.async_copy(
            z_hbm.at[pl.ds(sid * RPS, RPS)], acc.at[pl.ds(sid * RPS, RPS)], semz
        )
        pltpu.sync_copy(dst_hbm.at[pl.ds(wid * NB_DEG, NB_DEG)], dstv)

        @pl.loop(0, EB)
        def _(i):
            onesv[pl.ds(i, 1), :] = jnp.ones((1, L), jnp.float32)

        zc.wait()
        plsc.subcore_barrier()

        @pl.loop(0, NB_DEG)
        def _(j):
            pltpu.sync_copy(onesv, acc.at[dstv.at[j]], add=True)

        plsc.subcore_barrier()
        pltpu.sync_copy(
            acc.at[pl.ds(sid * RPS, RPS)], out_hbm.at[cid].at[pl.ds(sid * RPS, RPS)]
        )

    return deg_kernel(dst2, z16)


def _prop_call(xp, src2, dst2, z128):
    @functools.partial(
        pl.kernel,
        out_type=jax.ShapeDtypeStruct((NC, NPAD, D), jnp.float32),
        mesh=_mesh(),
        scratch_types=[
            pltpu.VMEM((2 * CHB, EB), jnp.int32),
            pltpu.VMEM((2 * CHB, EB), jnp.int32),
            pltpu.VMEM((EB, D), jnp.float32),
            pltpu.VMEM((EB, D), jnp.float32),
            pltpu.VMEM_SHARED((NPAD, D), jnp.float32),
            pltpu.SemaphoreType.DMA,
            pltpu.SemaphoreType.DMA,
            pltpu.SemaphoreType.DMA,
            pltpu.SemaphoreType.DMA,
            pltpu.SemaphoreType.DMA,
        ],
        name="sc_prop",
    )
    def prop_kernel(
        xp_hbm, src_hbm, dst_hbm, z_hbm, out_hbm,
        srcv, dstv, bufa, bufb, acc, semz, sema, semb, semis, semid,
    ):
        cid = lax.axis_index("c")
        sid = lax.axis_index("s")

        nch = jnp.where(cid == 0, NCH0, NCH1)
        wb = jnp.where(cid == 0, sid * NB0, NS * NB0 + sid * NB1)

        zc = pltpu.async_copy(
            z_hbm.at[pl.ds(sid * RPS, RPS)], acc.at[pl.ds(sid * RPS, RPS)], semz
        )
        pltpu.sync_copy(src_hbm.at[pl.ds(wb, CHB)], srcv.at[pl.ds(0, CHB)])
        pltpu.sync_copy(dst_hbm.at[pl.ds(wb, CHB)], dstv.at[pl.ds(0, CHB)])
        zc.wait()
        plsc.subcore_barrier()

        pltpu.async_copy(xp_hbm.at[srcv.at[0]], bufa, sema)

        @pl.loop(0, nch)
        def _(c):
            par = lax.rem(c, 2)
            base = par * CHB
            nbase = (1 - par) * CHB

            @pl.when(c + 1 < nch)
            def _():
                pltpu.async_copy(
                    src_hbm.at[pl.ds(wb + (c + 1) * CHB, CHB)],
                    srcv.at[pl.ds(nbase, CHB)], semis,
                )
                pltpu.async_copy(
                    dst_hbm.at[pl.ds(wb + (c + 1) * CHB, CHB)],
                    dstv.at[pl.ds(nbase, CHB)], semid,
                )

            @pl.loop(0, CHB, step=2)
            def _(jj):
                pltpu.make_async_copy(
                    xp_hbm.at[srcv.at[base + jj]], bufa, sema
                ).wait()
                pltpu.async_copy(xp_hbm.at[srcv.at[base + jj + 1]], bufb, semb)
                pltpu.sync_copy(bufa, acc.at[dstv.at[base + jj]], add=True)
                pltpu.make_async_copy(
                    xp_hbm.at[srcv.at[base + jj + 1]], bufb, semb
                ).wait()

                @pl.when(jj + 2 < CHB)
                def _():
                    pltpu.async_copy(
                        xp_hbm.at[srcv.at[base + jj + 2]], bufa, sema
                    )

                pltpu.sync_copy(bufb, acc.at[dstv.at[base + jj + 1]], add=True)

            @pl.when(c + 1 < nch)
            def _():
                pltpu.make_async_copy(
                    src_hbm.at[pl.ds(wb + (c + 1) * CHB, CHB)],
                    srcv.at[pl.ds(nbase, CHB)], semis,
                ).wait()
                pltpu.make_async_copy(
                    dst_hbm.at[pl.ds(wb + (c + 1) * CHB, CHB)],
                    dstv.at[pl.ds(nbase, CHB)], semid,
                ).wait()
                pltpu.async_copy(xp_hbm.at[srcv.at[nbase]], bufa, sema)

        plsc.subcore_barrier()
        pltpu.sync_copy(
            acc.at[pl.ds(sid * RPS, RPS)], out_hbm.at[cid].at[pl.ds(sid * RPS, RPS)]
        )

    return prop_kernel(xp, src2, dst2, z128)


def _decode_call(agg2, a0, a1, b0, b1):
    @functools.partial(
        pl.kernel,
        out_type=[
            jax.ShapeDtypeStruct((NS * NBL0 * 16, 128), jnp.float32),
            jax.ShapeDtypeStruct((NS * NBL1 * 16, 128), jnp.float32),
        ],
        mesh=_mesh(),
        scratch_types=[
            pltpu.VMEM((NBL0, 128), jnp.int32),
            pltpu.VMEM((NBL0, 128), jnp.int32),
            pltpu.VMEM((NBL1, 128), jnp.int32),
            pltpu.VMEM((NBL1, 128), jnp.int32),
            pltpu.VMEM((128, D), jnp.float32),
            pltpu.VMEM((128, D), jnp.float32),
            pltpu.VMEM((2 * 16, 128), jnp.float32),
            pltpu.SemaphoreType.DMA,
            pltpu.SemaphoreType.DMA,
            pltpu.SemaphoreType.DMA,
        ],
        name="sc_decode",
    )
    def dec_kernel(emb_hbm, a0_hbm, a1_hbm, b0_hbm, b1_hbm, d0_hbm, d1_hbm,
                   av0, bv0, av1, bv1, bufa, bufb, outv, sema, semb, semo):
        cid = lax.axis_index("c")
        sid = lax.axis_index("s")

        def work(avx, bvx, nblx, dx_hbm):
            obase = sid * (nblx * 16)

            @pl.loop(0, nblx)
            def _(j):
                ca = pltpu.async_copy(emb_hbm.at[avx.at[j]], bufa, sema)
                cb = pltpu.async_copy(emb_hbm.at[bvx.at[j]], bufb, semb)
                ca.wait()
                cb.wait()
                par16 = lax.rem(j, 2) * 16

                @pl.when(j >= 2)
                def _():
                    pltpu.make_async_copy(
                        outv.at[pl.ds(par16, 16)],
                        dx_hbm.at[pl.ds(obase, 16)], semo,
                    ).wait()

                @pl.loop(0, 128)
                def _(i):
                    acc = (
                        bufa[pl.ds(i, 1), pl.ds(0, L)]
                        * bufb[pl.ds(i, 1), pl.ds(0, L)]
                    )
                    for c in range(1, D // L):
                        acc = acc + (
                            bufa[pl.ds(i, 1), pl.ds(c * L, L)]
                            * bufb[pl.ds(i, 1), pl.ds(c * L, L)]
                        )
                    outv[pl.ds(par16 + i // 8, 1), pl.ds((i % 8) * L, L)] = acc

                pltpu.async_copy(
                    outv.at[pl.ds(par16, 16)],
                    dx_hbm.at[pl.ds(obase + j * 16, 16)], semo,
                )

            @pl.loop(0, 2)
            def _(k):
                pltpu.make_async_copy(
                    outv.at[pl.ds(0, 16)], dx_hbm.at[pl.ds(obase, 16)], semo
                ).wait()

        @pl.when(cid == 0)
        def _():
            pltpu.sync_copy(a0_hbm.at[sid], av0)
            pltpu.sync_copy(b0_hbm.at[sid], bv0)
            work(av0, bv0, NBL0, d0_hbm)

        @pl.when(cid == 1)
        def _():
            pltpu.sync_copy(a1_hbm.at[sid], av1)
            pltpu.sync_copy(b1_hbm.at[sid], bv1)
            work(av1, bv1, NBL1, d1_hbm)

    return dec_kernel(agg2, a0, a1, b0, b1)


_DGRID = 4
_DROWS = ELPAD // 128 // _DGRID


def _decode_finish_call(dots3):
    def body(d_ref, o_ref):
        o_ref[...] = jax.nn.sigmoid(jnp.sum(d_ref[...], axis=-1))

    return pl.pallas_call(
        body,
        grid=(_DGRID,),
        in_specs=[pl.BlockSpec((_DROWS, 128, L), lambda i: (i, 0, 0))],
        out_specs=pl.BlockSpec((_DROWS, 128), lambda i: (i, 0)),
        out_shape=jax.ShapeDtypeStruct((ELPAD // 128, 128), jnp.float32),
    )(dots3)


_GRID = 4
_BLK = NPAD // _GRID


def _row_spec(w):
    return pl.BlockSpec((_BLK, w), lambda i: (i, 0))


def _full_spec(h, w):
    return pl.BlockSpec((h, w), lambda i: (0, 0))


def _dinv(dga_ref, dgb_ref):
    deg = dga_ref[:, :1] + dgb_ref[:, :1] + 1.0
    return lax.rsqrt(deg)


def _xp_call(dga, dgb, x_pad):
    def body(dga_ref, dgb_ref, x_ref, o_ref):
        o_ref[...] = x_ref[...] * _dinv(dga_ref, dgb_ref)

    return pl.pallas_call(
        body,
        grid=(_GRID,),
        in_specs=[_row_spec(L), _row_spec(L), _row_spec(D)],
        out_specs=_row_spec(D),
        out_shape=jax.ShapeDtypeStruct((NPAD, D), jnp.float32),
    )(dga, dgb, x_pad)


def _layer1_call(p0, p1, xp, dga, dgb, W1, b1):
    def body(p0_ref, p1_ref, xp_ref, dga_ref, dgb_ref, w_ref, b_ref, o_ref):
        dinv = _dinv(dga_ref, dgb_ref)
        agg = (p0_ref[...] + p1_ref[...] + xp_ref[...]) * dinv
        h = jnp.dot(agg, w_ref[...], precision=lax.Precision.HIGHEST) + b_ref[...]
        o_ref[...] = jnp.maximum(h, 0.0) * dinv

    return pl.pallas_call(
        body,
        grid=(_GRID,),
        in_specs=[
            _row_spec(D), _row_spec(D), _row_spec(D),
            _row_spec(L), _row_spec(L),
            _full_spec(D, D), _full_spec(1, D),
        ],
        out_specs=_row_spec(D),
        out_shape=jax.ShapeDtypeStruct((NPAD, D), jnp.float32),
    )(p0, p1, xp, dga, dgb, W1, b1)


def _layer2_call(q0, q1, h1p, dga, dgb, W2, b2):
    def body(q0_ref, q1_ref, h1p_ref, dga_ref, dgb_ref, w_ref, b_ref,
             agg_ref, h_ref):
        dinv = _dinv(dga_ref, dgb_ref)
        agg = (q0_ref[...] + q1_ref[...] + h1p_ref[...]) * dinv
        agg_ref[...] = agg
        h_ref[...] = (
            jnp.dot(agg, w_ref[...], precision=lax.Precision.HIGHEST) + b_ref[...]
        )

    return pl.pallas_call(
        body,
        grid=(_GRID,),
        in_specs=[
            _row_spec(D), _row_spec(D), _row_spec(D),
            _row_spec(L), _row_spec(L),
            _full_spec(D, D), _full_spec(1, D),
        ],
        out_specs=[_row_spec(D), _row_spec(D)],
        out_shape=[
            jax.ShapeDtypeStruct((NPAD, D), jnp.float32),
            jax.ShapeDtypeStruct((NPAD, D), jnp.float32),
        ],
    )(q0, q1, h1p, dga, dgb, W2, b2)


def _pad_idx(idx, total, fill_base, fill_mod):
    npad = total - idx.shape[0]
    pad = fill_base + (jnp.arange(npad, dtype=jnp.int32) % fill_mod)
    return jnp.concatenate([idx.astype(jnp.int32), pad])


def kernel(x, edge_index, edge_label_index, W1, b1, W2, b2):
    src2 = _pad_idx(edge_index[0], EPAD, DUMMY, NPAD - N).reshape(TOTB, EB)
    dst2 = _pad_idx(edge_index[1], EPAD, DUMMY, NPAD - N).reshape(TOTB, EB)
    a2 = _pad_idx(edge_label_index[0], ELPAD, 0, N).reshape(TOTBL, 128)
    b2_idx = _pad_idx(edge_label_index[1], ELPAD, 0, N).reshape(TOTBL, 128)
    split = NS * NBL0
    ai0 = a2[:split].reshape(NS, NBL0, 128)
    ai1 = a2[split:].reshape(NS, NBL1, 128)
    bi0 = b2_idx[:split].reshape(NS, NBL0, 128)
    bi1 = b2_idx[split:].reshape(NS, NBL1, 128)

    x_pad = jnp.pad(x, ((0, NPAD - N), (0, 0)))
    z16 = jnp.zeros((NPAD, L), jnp.float32)
    z128 = jnp.zeros((NPAD, D), jnp.float32)

    degp = _deg_call(dst2, z16)
    dga, dgb = degp[0], degp[1]

    xp = _xp_call(dga, dgb, x_pad)
    p = _prop_call(xp, src2, dst2, z128)
    h1p = _layer1_call(p[0], p[1], xp, dga, dgb, W1, b1.reshape(1, D))
    q = _prop_call(h1p, src2, dst2, z128)
    agg2, h2 = _layer2_call(q[0], q[1], h1p, dga, dgb, W2, b2.reshape(1, D))
    d0, d1 = _decode_call(agg2, ai0, ai1, bi0, bi1)
    dots = jnp.concatenate([d0, d1], axis=0)
    r = _decode_finish_call(dots.reshape(ELPAD // 128, 128, L)).reshape(ELPAD)

    return (h2[:N], r[:EL])

# --- scband reference (transcript-rebuilt; emitter-appended) ---
"""Pipeline reference for scband-prior-22119081574563 (READ-ONLY COPY).

The authoritative reference and input builder live on the scoring server;
editing this copy changes nothing except your own understanding.
"""

import jax, jax.numpy as jnp
import numpy as np

N = 10000
E = 320000
EL = 100000
D_IN = 128
D_HID = 128
D_OUT = 128


def glorot(key, shape):
    fan_in, fan_out = shape[0], shape[1]
    limit = jnp.sqrt(6.0 / (fan_in + fan_out))
    return jax.random.uniform(key, shape, jnp.float32, -limit, limit)


def setup_inputs(seed: int = 0) -> dict:
    key = jax.random.key(seed)
    ks = jax.random.split(key, 8)
    x = jax.random.normal(ks[0], (N, D_IN), dtype=jnp.float32)
    edge_index = jax.random.randint(ks[1], (2, E), 0, N, dtype=jnp.int64)
    edge_label_index = jax.random.randint(ks[2], (2, EL), 0, N, dtype=jnp.int64)
    W1 = glorot(ks[3], (D_IN, D_HID))
    b1 = jnp.zeros((D_HID,), dtype=jnp.float32)
    W2 = glorot(ks[4], (D_HID, D_OUT))
    b2 = jnp.zeros((D_OUT,), dtype=jnp.float32)
    return {"x": x, "edge_index": edge_index, "edge_label_index": edge_label_index,
            "W1": W1, "b1": b1, "W2": W2, "b2": b2}


def gcn_propagate(x, edge_index, n_nodes):
    # GCN backbone: add self loops, symmetric normalization D^{-1/2} A D^{-1/2} x
    src = edge_index[0]
    dst = edge_index[1]
    loop = jnp.arange(n_nodes, dtype=src.dtype)
    src = jnp.concatenate([src, loop])
    dst = jnp.concatenate([dst, loop])
    deg = jnp.zeros((n_nodes,), dtype=x.dtype).at[dst].add(1.0)
    dinv = jnp.where(deg > 0, jax.lax.rsqrt(deg), 0.0)
    norm = dinv[src] * dinv[dst]
    msgs = x[src] * norm[:, None]
    out = jnp.zeros_like(x).at[dst].add(msgs)
    return out


def reference(x, edge_index, edge_label_index, W1, b1, W2, b2):
    # Layer 1: propagate then transform (transform_first=False), bias, relu (is_bns=False, eval: no dropout)
    agg1 = gcn_propagate(x, edge_index, N)
    h1 = agg1 @ W1 + b1
    h1 = jax.nn.relu(h1)
    # Layer 2 (last_layer=True): returns (h, out) where out is pre-transform propagated emb
    agg2 = gcn_propagate(h1, edge_index, N)
    h2 = agg2 @ W2 + b2
    # decode(emb=agg2, edge_label_index)
    z_src = agg2[edge_label_index[0]]
    z_dst = agg2[edge_label_index[1]]
    r = jax.nn.sigmoid(jnp.sum(z_src * z_dst, axis=-1))
    return (h2, r)

if __name__ == "__main__":
    import jax
    _d = setup_inputs()
    print(jax.jit(kernel)(*tuple(_d.values())))

</pallas_src>

<mosaic_0001>
#map = affine_map<(d0, d1) -> (0, 0)>
#map1 = affine_map<(d0, d1) -> (0, 0, 0)>
module attributes {stable_mosaic.version = 14 : i64} {
  func.func @sc_deg(%arg0: i32, %arg1: i32, %arg2: memref<2560x128xi32, #tpu.memory_space<hbm>>, %arg3: memref<10240x16xf32, #tpu.memory_space<hbm>>, %arg4: memref<2x10240x16xf32, #tpu.memory_space<hbm>>, %arg5: memref<80x128xi32, #tpu.memory_space<vmem>>, %arg6: memref<128x16xf32, #tpu.memory_space<vmem>>, %arg7: memref<10240x16xf32, #tpu.memory_space<vmem_shared>>, %arg8: memref<!tpu.dma_semaphore, #tpu.memory_space<semaphore_mem>>) attributes {dimension_semantics = [#tpu.dimension_semantics<core_parallel>, #tpu.dimension_semantics<subcore_parallel>], iteration_bounds = array<i64: 2, 16>, scalar_prefetch = 0 : i64, scratch_operands = 4 : i64, tpu.core_type = #tpu.core_type<sc_vector_subcore>, window_params = [{transform_indices = #map}, {transform_indices = #map}, {transform_indices = #map1}]} {
    %mul3A = arith.constant 2 : i32
    %mul3A_0 = arith.muli %arg1, %mul3A : i32
    %add3A = arith.addi %mul3A_0, %arg0 : i32
    %mul3A_1 = arith.constant 640 : i32
    %mul3A_2 = arith.muli %arg1, %mul3A_1 : i32
    %mul3A_3 = arith.constant 640 : i32
    %mul3A_4 = arith.muli %arg1, %mul3A_3 : i32
    %dma_start3A = arith.constant 0 : i32
    %dma_start3A_5 = tpu.memref_slice %arg7[%mul3A_4, %dma_start3A] : memref<10240x16xf32, #tpu.memory_space<vmem_shared>> -> memref<640x16xf32, #tpu.memory_space<vmem_shared>>
    %dma_start3A_6 = arith.constant 0 : i32
    %dma_start3A_7 = tpu.memref_slice %arg3[%mul3A_2, %dma_start3A_6] : memref<10240x16xf32, #tpu.memory_space<hbm>> -> memref<640x16xf32, #tpu.memory_space<hbm>>
    tpu.enqueue_dma source(%dma_start3A_7 : memref<640x16xf32, #tpu.memory_space<hbm>>) target(%dma_start3A_5 : memref<640x16xf32, #tpu.memory_space<vmem_shared>>) target_semaphore(%arg8 : memref<!tpu.dma_semaphore, #tpu.memory_space<semaphore_mem>>)
    %mul3A_8 = arith.constant 80 : i32
    %mul3A_9 = arith.muli %add3A, %mul3A_8 : i32
    "tpu.region"() ({
      %run_scoped3A = tpu.sem_alloc : memref<!tpu.dma_semaphore, #tpu.memory_space<semaphore_mem>>
      %dma_start3A_27 = arith.constant 0 : i32
      %dma_start3A_28 = tpu.memref_slice %arg2[%mul3A_9, %dma_start3A_27] : memref<2560x128xi32, #tpu.memory_space<hbm>> -> memref<80x128xi32, #tpu.memory_space<hbm>>
      %dma_start3A_29 = arith.constant 0 : i32
      %dma_start3A_30 = tpu.memref_slice %arg2[%mul3A_9, %dma_start3A_29] : memref<2560x128xi32, #tpu.memory_space<hbm>> -> memref<80x128xi32, #tpu.memory_space<hbm>>
      tpu.enqueue_dma source(%dma_start3A_30 : memref<80x128xi32, #tpu.memory_space<hbm>>) target(%arg5 : memref<80x128xi32, #tpu.memory_space<vmem>>) target_semaphore(%run_scoped3A : memref<!tpu.dma_semaphore, #tpu.memory_space<semaphore_mem>>)
      %dma_wait3A_31 = arith.constant 0 : i32
      %dma_wait3A_32 = tpu.memref_slice %arg2[%mul3A_9, %dma_wait3A_31] : memref<2560x128xi32, #tpu.memory_space<hbm>> -> memref<80x128xi32, #tpu.memory_space<hbm>>
      %dma_wait3A_33 = arith.constant 0 : i32
      %dma_wait3A_34 = tpu.memref_slice %arg2[%mul3A_9, %dma_wait3A_33] : memref<2560x128xi32, #tpu.memory_space<hbm>> -> memref<80x128xi32, #tpu.memory_space<hbm>>
      tpu.wait_dma2 semaphore(%run_scoped3A : memref<!tpu.dma_semaphore, #tpu.memory_space<semaphore_mem>>) src(%dma_wait3A_34 : memref<80x128xi32, #tpu.memory_space<hbm>>) dst(%arg5 : memref<80x128xi32, #tpu.memory_space<vmem>>)
      tpu.yield
    }) : () -> ()
    %scan3A = arith.constant 0 : i32
    %scan3A_10 = arith.constant 128 : i32
    %scan3A_11 = arith.addi %scan3A, %scan3A_10 : i32
    %scan3A_12 = arith.constant 1 : i32
    scf.for %scan3A_27 = %scan3A to %scan3A_11 step %scan3A_12  : i32 {
      %mul3A_28 = arith.constant 1 : i32
      %mul3A_29 = arith.muli %scan3A_27, %mul3A_28 : i32
      %add3A_30 = arith.constant 0 : i32
      %add3A_31 = arith.addi %add3A_30, %mul3A_29 : i32
      %broadcast_in_dim3A = arith.constant 1.000000e+00 : f32
      %broadcast_in_dim3A_32 = vector.broadcast %broadcast_in_dim3A : f32 to vector<1x16xf32>
      %swap3A = arith.index_cast %add3A_31 : i32 to index
      %swap3A_33 = arith.constant 0 : index
      %swap3A_34 = tpu.vector_load %arg6[%swap3A, %swap3A_33] {strides = array<i32>} : memref<128x16xf32, #tpu.memory_space<vmem>>, vector<1x16xf32>,
      %swap3A_35 = vector.shape_cast %swap3A_34 : vector<1x16xf32> to vector<1x16xf32>
      %swap3A_36 = vector.shape_cast %broadcast_in_dim3A_32 : vector<1x16xf32> to vector<1x16xf32>
      tpu.vector_store %arg6[%swap3A, %swap3A_33], %swap3A_36 {strides = array<i32>} : memref<128x16xf32, #tpu.memory_space<vmem>>, vector<1x16xf32>,
    }
    %scan3A_13 = arith.constant 128 : i32
    %dma_wait3A = arith.constant 0 : i32
    %dma_wait3A_14 = tpu.memref_slice %arg7[%mul3A_4, %dma_wait3A] : memref<10240x16xf32, #tpu.memory_space<vmem_shared>> -> memref<640x16xf32, #tpu.memory_space<vmem_shared>>
    %dma_wait3A_15 = arith.constant 0 : i32
    %dma_wait3A_16 = tpu.memref_slice %arg3[%mul3A_2, %dma_wait3A_15] : memref<10240x16xf32, #tpu.memory_space<hbm>> -> memref<640x16xf32, #tpu.memory_space<hbm>>
    tpu.wait_dma2 semaphore(%arg8 : memref<!tpu.dma_semaphore, #tpu.memory_space<semaphore_mem>>) src(%dma_wait3A_16 : memref<640x16xf32, #tpu.memory_space<hbm>>) dst(%dma_wait3A_14 : memref<640x16xf32, #tpu.memory_space<vmem_shared>>)
    %barrier3A = arith.constant 0 : index
    tpu.barrier barrier_id(%barrier3A)
    %scan3A_17 = arith.constant 0 : i32
    %scan3A_18 = arith.constant 80 : i32
    %scan3A_19 = arith.addi %scan3A_17, %scan3A_18 : i32
    %scan3A_20 = arith.constant 1 : i32
    scf.for %scan3A_27 = %scan3A_17 to %scan3A_19 step %scan3A_20  : i32 {
      %mul3A_28 = arith.constant 1 : i32
      %mul3A_29 = arith.muli %scan3A_27, %mul3A_28 : i32
      %add3A_30 = arith.constant 0 : i32
      %add3A_31 = arith.addi %add3A_30, %mul3A_29 : i32
      "tpu.region"() ({
        %run_scoped3A = tpu.sem_alloc : memref<!tpu.dma_semaphore, #tpu.memory_space<semaphore_mem>>
        %dma_start3A_32 = arith.constant 0 : i32
        %dma_start3A_33 = tpu.memref_slice %arg5[%add3A_31, %dma_start3A_32] : memref<80x128xi32, #tpu.memory_space<vmem>> -> memref<1x128xi32, #tpu.memory_space<vmem>>
        %dma_start3A_34 = tpu.memref_squeeze %dma_start3A_33 : memref<1x128xi32, #tpu.memory_space<vmem>> -> memref<128xi32, #tpu.memory_space<vmem>>
        %dma_start3A_35 = arith.constant 0 : i32
        %dma_start3A_36 = arith.constant 0 : i32
        %dma_start3A_37 = tpu.memref_slice %arg7[%dma_start3A_35, %dma_start3A_36] : memref<10240x16xf32, #tpu.memory_space<vmem_shared>> -> memref<10240x16xf32, #tpu.memory_space<vmem_shared>>
        tpu.enqueue_indirect_dma source(%arg6 : memref<128x16xf32, #tpu.memory_space<vmem>>) target(%dma_start3A_37 : memref<10240x16xf32, #tpu.memory_space<vmem_shared>>) offsets(%dma_start3A_34 : memref<128xi32, #tpu.memory_space<vmem>>) semaphore(%run_scoped3A : memref<!tpu.dma_semaphore, #tpu.memory_space<semaphore_mem>>) {add = true}
        %dma_wait3A_38 = arith.constant 0 : i32
        %dma_wait3A_39 = tpu.memref_slice %arg5[%add3A_31, %dma_wait3A_38] : memref<80x128xi32, #tpu.memory_space<vmem>> -> memref<1x128xi32, #tpu.memory_space<vmem>>
        %dma_wait3A_40 = tpu.memref_squeeze %dma_wait3A_39 : memref<1x128xi32, #tpu.memory_space<vmem>> -> memref<128xi32, #tpu.memory_space<vmem>>
        %dma_wait3A_41 = arith.constant 0 : i32
        %dma_wait3A_42 = arith.constant 0 : i32
        %dma_wait3A_43 = tpu.memref_slice %arg7[%dma_wait3A_41, %dma_wait3A_42] : memref<10240x16xf32, #tpu.memory_space<vmem_shared>> -> memref<10240x16xf32, #tpu.memory_space<vmem_shared>>
        tpu.wait_indirect_dma semaphore(%run_scoped3A : memref<!tpu.dma_semaphore, #tpu.memory_space<semaphore_mem>>) src(%arg6 : memref<128x16xf32, #tpu.memory_space<vmem>>) dst(%dma_wait3A_43 : memref<10240x16xf32, #tpu.memory_space<vmem_shared>>)
        tpu.yield
      }) : () -> ()
    }
    %scan3A_21 = arith.constant 80 : i32
    %barrier3A_22 = arith.constant 0 : index
    tpu.barrier barrier_id(%barrier3A_22)
    %mul3A_23 = arith.constant 640 : i32
    %mul3A_24 = arith.muli %arg1, %mul3A_23 : i32
    %mul3A_25 = arith.constant 640 : i32
    %mul3A_26 = arith.muli %arg1, %mul3A_25 : i32
    "tpu.region"() ({
      %run_scoped3A = tpu.sem_alloc : memref<!tpu.dma_semaphore, #tpu.memory_space<semaphore_mem>>
      %dma_start3A_27 = arith.constant 0 : i32
      %dma_start3A_28 = arith.constant 0 : i32
      %dma_start3A_29 = tpu.memref_slice %arg4[%arg0, %dma_start3A_27, %dma_start3A_28] : memref<2x10240x16xf32, #tpu.memory_space<hbm>> -> memref<1x10240x16xf32, #tpu.memory_space<hbm>>
      %dma_start3A_30 = tpu.memref_squeeze %dma_start3A_29 : memref<1x10240x16xf32, #tpu.memory_space<hbm>> -> memref<10240x16xf32, #tpu.memory_space<hbm>>
      %dma_start3A_31 = arith.constant 0 : i32
      %dma_start3A_32 = tpu.memref_slice %dma_start3A_30[%mul3A_26, %dma_start3A_31] : memref<10240x16xf32, #tpu.memory_space<hbm>> -> memref<640x16xf32, #tpu.memory_space<hbm>>
      %dma_start3A_33 = arith.constant 0 : i32
      %dma_start3A_34 = tpu.memref_slice %arg7[%mul3A_24, %dma_start3A_33] : memref<10240x16xf32, #tpu.memory_space<vmem_shared>> -> memref<640x16xf32, #tpu.memory_space<vmem_shared>>
      tpu.enqueue_dma source(%dma_start3A_34 : memref<640x16xf32, #tpu.memory_space<vmem_shared>>) target(%dma_start3A_32 : memref<640x16xf32, #tpu.memory_space<hbm>>) target_semaphore(%run_scoped3A : memref<!tpu.dma_semaphore, #tpu.memory_space<semaphore_mem>>)
      %dma_wait3A_35 = arith.constant 0 : i32
      %dma_wait3A_36 = arith.constant 0 : i32
      %dma_wait3A_37 = tpu.memref_slice %arg4[%arg0, %dma_wait3A_35, %dma_wait3A_36] : memref<2x10240x16xf32, #tpu.memory_space<hbm>> -> memref<1x10240x16xf32, #tpu.memory_space<hbm>>
      %dma_wait3A_38 = tpu.memref_squeeze %dma_wait3A_37 : memref<1x10240x16xf32, #tpu.memory_space<hbm>> -> memref<10240x16xf32, #tpu.memory_space<hbm>>
      %dma_wait3A_39 = arith.constant 0 : i32
      %dma_wait3A_40 = tpu.memref_slice %dma_wait3A_38[%mul3A_26, %dma_wait3A_39] : memref<10240x16xf32, #tpu.memory_space<hbm>> -> memref<640x16xf32, #tpu.memory_space<hbm>>
      %dma_wait3A_41 = arith.constant 0 : i32
      %dma_wait3A_42 = tpu.memref_slice %arg7[%mul3A_24, %dma_wait3A_41] : memref<10240x16xf32, #tpu.memory_space<vmem_shared>> -> memref<640x16xf32, #tpu.memory_space<vmem_shared>>
      tpu.wait_dma2 semaphore(%run_scoped3A : memref<!tpu.dma_semaphore, #tpu.memory_space<semaphore_mem>>) src(%dma_wait3A_42 : memref<640x16xf32, #tpu.memory_space<vmem_shared>>) dst(%dma_wait3A_40 : memref<640x16xf32, #tpu.memory_space<hbm>>)
      tpu.yield
    }) : () -> ()
    return
  }
}

#map = affine_map<(d0, d1) -> (0, 0)>
#map1 = affine_map<(d0, d1) -> (0, 0, 0)>
module attributes {stable_mosaic.version = 14 : i64} {
  func.func @sc_prop(%arg0: i32, %arg1: i32, %arg2: memref<10240x128xf32, #tpu.memory_space<hbm>>, %arg3: memref<2560x128xi32, #tpu.memory_space<hbm>>, %arg4: memref<2560x128xi32, #tpu.memory_space<hbm>>, %arg5: memref<10240x128xf32, #tpu.memory_space<hbm>>, %arg6: memref<2x10240x128xf32, #tpu.memory_space<hbm>>, %arg7: memref<16x128xi32, #tpu.memory_space<vmem>>, %arg8: memref<16x128xi32, #tpu.memory_space<vmem>>, %arg9: memref<128x128xf32, #tpu.memory_space<vmem>>, %arg10: memref<128x128xf32, #tpu.memory_space<vmem>>, %arg11: memref<10240x128xf32, #tpu.memory_space<vmem_shared>>, %arg12: memref<!tpu.dma_semaphore, #tpu.memory_space<semaphore_mem>>, %arg13: memref<!tpu.dma_semaphore, #tpu.memory_space<semaphore_mem>>, %arg14: memref<!tpu.dma_semaphore, #tpu.memory_space<semaphore_mem>>, %arg15: memref<!tpu.dma_semaphore, #tpu.memory_space<semaphore_mem>>, %arg16: memref<!tpu.dma_semaphore, #tpu.memory_space<semaphore_mem>>) attributes {dimension_semantics = [#tpu.dimension_semantics<core_parallel>, #tpu.dimension_semantics<subcore_parallel>], iteration_bounds = array<i64: 2, 16>, scalar_prefetch = 0 : i64, scratch_operands = 10 : i64, tpu.core_type = #tpu.core_type<sc_vector_subcore>, window_params = [{transform_indices = #map}, {transform_indices = #map}, {transform_indices = #map}, {transform_indices = #map}, {transform_indices = #map1}]} {
    %eq3A = arith.constant 0 : i32
    %eq3A_0 = arith.cmpi eq, %arg0, %eq3A : i32
    %jit3A = arith.constant 10 : i32
    %jit3A_1 = arith.constant 10 : i32
    %select_n3A = arith.select %eq3A_0, %jit3A, %jit3A_1 : i32
    %eq3A_2 = arith.constant 0 : i32
    %eq3A_3 = arith.cmpi eq, %arg0, %eq3A_2 : i32
    %mul3A = arith.constant 80 : i32
    %mul3A_4 = arith.muli %arg1, %mul3A : i32
    %mul3A_5 = arith.constant 80 : i32
    %mul3A_6 = arith.muli %arg1, %mul3A_5 : i32
    %add3A = arith.constant 1280 : i32
    %add3A_7 = arith.addi %add3A, %mul3A_6 : i32
    %select_n3A_8 = arith.select %eq3A_3, %mul3A_4, %add3A_7 : i32
    %mul3A_9 = arith.constant 640 : i32
    %mul3A_10 = arith.muli %arg1, %mul3A_9 : i32
    %mul3A_11 = arith.constant 640 : i32
    %mul3A_12 = arith.muli %arg1, %mul3A_11 : i32
    %dma_start3A = arith.constant 0 : i32
    %dma_start3A_13 = tpu.memref_slice %arg11[%mul3A_12, %dma_start3A] : memref<10240x128xf32, #tpu.memory_space<vmem_shared>> -> memref<640x128xf32, #tpu.memory_space<vmem_shared>>
    %dma_start3A_14 = arith.constant 0 : i32
    %dma_start3A_15 = tpu.memref_slice %arg5[%mul3A_10, %dma_start3A_14] : memref<10240x128xf32, #tpu.memory_space<hbm>> -> memref<640x128xf32, #tpu.memory_space<hbm>>
    tpu.enqueue_dma source(%dma_start3A_15 : memref<640x128xf32, #tpu.memory_space<hbm>>) target(%dma_start3A_13 : memref<640x128xf32, #tpu.memory_space<vmem_shared>>) target_semaphore(%arg12 : memref<!tpu.dma_semaphore, #tpu.memory_space<semaphore_mem>>)
    "tpu.region"() ({
      %run_scoped3A = tpu.sem_alloc : memref<!tpu.dma_semaphore, #tpu.memory_space<semaphore_mem>>
      %dma_start3A_47 = arith.constant 0 : i32
      %dma_start3A_48 = arith.constant 0 : i32
      %dma_start3A_49 = tpu.memref_slice %arg7[%dma_start3A_47, %dma_start3A_48] : memref<16x128xi32, #tpu.memory_space<vmem>> -> memref<8x128xi32, #tpu.memory_space<vmem>>
      %dma_start3A_50 = arith.constant 0 : i32
      %dma_start3A_51 = tpu.memref_slice %arg3[%select_n3A_8, %dma_start3A_50] : memref<2560x128xi32, #tpu.memory_space<hbm>> -> memref<8x128xi32, #tpu.memory_space<hbm>>
      %dma_start3A_52 = arith.constant 0 : i32
      %dma_start3A_53 = arith.constant 0 : i32
      %dma_start3A_54 = tpu.memref_slice %arg7[%dma_start3A_52, %dma_start3A_53] : memref<16x128xi32, #tpu.memory_space<vmem>> -> memref<8x128xi32, #tpu.memory_space<vmem>>
      %dma_start3A_55 = arith.constant 0 : i32
      %dma_start3A_56 = tpu.memref_slice %arg3[%select_n3A_8, %dma_start3A_55] : memref<2560x128xi32, #tpu.memory_space<hbm>> -> memref<8x128xi32, #tpu.memory_space<hbm>>
      tpu.enqueue_dma source(%dma_start3A_56 : memref<8x128xi32, #tpu.memory_space<hbm>>) target(%dma_start3A_54 : memref<8x128xi32, #tpu.memory_space<vmem>>) target_semaphore(%run_scoped3A : memref<!tpu.dma_semaphore, #tpu.memory_space<semaphore_mem>>)
      %dma_wait3A_57 = arith.constant 0 : i32
      %dma_wait3A_58 = arith.constant 0 : i32
      %dma_wait3A_59 = tpu.memref_slice %arg7[%dma_wait3A_57, %dma_wait3A_58] : memref<16x128xi32, #tpu.memory_space<vmem>> -> memref<8x128xi32, #tpu.memory_space<vmem>>
      %dma_wait3A_60 = arith.constant 0 : i32
      %dma_wait3A_61 = tpu.memref_slice %arg3[%select_n3A_8, %dma_wait3A_60] : memref<2560x128xi32, #tpu.memory_space<hbm>> -> memref<8x128xi32, #tpu.memory_space<hbm>>
      %dma_wait3A_62 = arith.constant 0 : i32
      %dma_wait3A_63 = arith.constant 0 : i32
      %dma_wait3A_64 = tpu.memref_slice %arg7[%dma_wait3A_62, %dma_wait3A_63] : memref<16x128xi32, #tpu.memory_space<vmem>> -> memref<8x128xi32, #tpu.memory_space<vmem>>
      %dma_wait3A_65 = arith.constant 0 : i32
      %dma_wait3A_66 = tpu.memref_slice %arg3[%select_n3A_8, %dma_wait3A_65] : memref<2560x128xi32, #tpu.memory_space<hbm>> -> memref<8x128xi32, #tpu.memory_space<hbm>>
      tpu.wait_dma2 semaphore(%run_scoped3A : memref<!tpu.dma_semaphore, #tpu.memory_space<semaphore_mem>>) src(%dma_wait3A_66 : memref<8x128xi32, #tpu.memory_space<hbm>>) dst(%dma_wait3A_64 : memref<8x128xi32, #tpu.memory_space<vmem>>)
      tpu.yield
    }) : () -> ()
    "tpu.region"() ({
      %run_scoped3A = tpu.sem_alloc : memref<!tpu.dma_semaphore, #tpu.memory_space<semaphore_mem>>
      %dma_start3A_47 = arith.constant 0 : i32
      %dma_start3A_48 = arith.constant 0 : i32
      %dma_start3A_49 = tpu.memref_slice %arg8[%dma_start3A_47, %dma_start3A_48] : memref<16x128xi32, #tpu.memory_space<vmem>> -> memref<8x128xi32, #tpu.memory_space<vmem>>
      %dma_start3A_50 = arith.constant 0 : i32
      %dma_start3A_51 = tpu.memref_slice %arg4[%select_n3A_8, %dma_start3A_50] : memref<2560x128xi32, #tpu.memory_space<hbm>> -> memref<8x128xi32, #tpu.memory_space<hbm>>
      %dma_start3A_52 = arith.constant 0 : i32
      %dma_start3A_53 = arith.constant 0 : i32
      %dma_start3A_54 = tpu.memref_slice %arg8[%dma_start3A_52, %dma_start3A_53] : memref<16x128xi32, #tpu.memory_space<vmem>> -> memref<8x128xi32, #tpu.memory_space<vmem>>
      %dma_start3A_55 = arith.constant 0 : i32
      %dma_start3A_56 = tpu.memref_slice %arg4[%select_n3A_8, %dma_start3A_55] : memref<2560x128xi32, #tpu.memory_space<hbm>> -> memref<8x128xi32, #tpu.memory_space<hbm>>
      tpu.enqueue_dma source(%dma_start3A_56 : memref<8x128xi32, #tpu.memory_space<hbm>>) target(%dma_start3A_54 : memref<8x128xi32, #tpu.memory_space<vmem>>) target_semaphore(%run_scoped3A : memref<!tpu.dma_semaphore, #tpu.memory_space<semaphore_mem>>)
      %dma_wait3A_57 = arith.constant 0 : i32
      %dma_wait3A_58 = arith.constant 0 : i32
      %dma_wait3A_59 = tpu.memref_slice %arg8[%dma_wait3A_57, %dma_wait3A_58] : memref<16x128xi32, #tpu.memory_space<vmem>> -> memref<8x128xi32, #tpu.memory_space<vmem>>
      %dma_wait3A_60 = arith.constant 0 : i32
      %dma_wait3A_61 = tpu.memref_slice %arg4[%select_n3A_8, %dma_wait3A_60] : memref<2560x128xi32, #tpu.memory_space<hbm>> -> memref<8x128xi32, #tpu.memory_space<hbm>>
      %dma_wait3A_62 = arith.constant 0 : i32
      %dma_wait3A_63 = arith.constant 0 : i32
      %dma_wait3A_64 = tpu.memref_slice %arg8[%dma_wait3A_62, %dma_wait3A_63] : memref<16x128xi32, #tpu.memory_space<vmem>> -> memref<8x128xi32, #tpu.memory_space<vmem>>
      %dma_wait3A_65 = arith.constant 0 : i32
      %dma_wait3A_66 = tpu.memref_slice %arg4[%select_n3A_8, %dma_wait3A_65] : memref<2560x128xi32, #tpu.memory_space<hbm>> -> memref<8x128xi32, #tpu.memory_space<hbm>>
      tpu.wait_dma2 semaphore(%run_scoped3A : memref<!tpu.dma_semaphore, #tpu.memory_space<semaphore_mem>>) src(%dma_wait3A_66 : memref<8x128xi32, #tpu.memory_space<hbm>>) dst(%dma_wait3A_64 : memref<8x128xi32, #tpu.memory_space<vmem>>)
      tpu.yield
    }) : () -> ()
    %dma_wait3A = arith.constant 0 : i32
    %dma_wait3A_16 = tpu.memref_slice %arg11[%mul3A_12, %dma_wait3A] : memref<10240x128xf32, #tpu.memory_space<vmem_shared>> -> memref<640x128xf32, #tpu.memory_space<vmem_shared>>
    %dma_wait3A_17 = arith.constant 0 : i32
    %dma_wait3A_18 = tpu.memref_slice %arg5[%mul3A_10, %dma_wait3A_17] : memref<10240x128xf32, #tpu.memory_space<hbm>> -> memref<640x128xf32, #tpu.memory_space<hbm>>
    tpu.wait_dma2 semaphore(%arg12 : memref<!tpu.dma_semaphore, #tpu.memory_space<semaphore_mem>>) src(%dma_wait3A_18 : memref<640x128xf32, #tpu.memory_space<hbm>>) dst(%dma_wait3A_16 : memref<640x128xf32, #tpu.memory_space<vmem_shared>>)
    %barrier3A = arith.constant 0 : index
    tpu.barrier barrier_id(%barrier3A)
    %dma_start3A_19 = arith.constant 0 : i32
    %dma_start3A_20 = arith.constant 0 : i32
    %dma_start3A_21 = tpu.memref_slice %arg7[%dma_start3A_19, %dma_start3A_20] : memref<16x128xi32, #tpu.memory_space<vmem>> -> memref<1x128xi32, #tpu.memory_space<vmem>>
    %dma_start3A_22 = tpu.memref_squeeze %dma_start3A_21 : memref<1x128xi32, #tpu.memory_space<vmem>> -> memref<128xi32, #tpu.memory_space<vmem>>
    %dma_start3A_23 = arith.constant 0 : i32
    %dma_start3A_24 = arith.constant 0 : i32
    %dma_start3A_25 = tpu.memref_slice %arg2[%dma_start3A_23, %dma_start3A_24] : memref<10240x128xf32, #tpu.memory_space<hbm>> -> memref<10240x128xf32, #tpu.memory_space<hbm>>
    tpu.enqueue_indirect_dma source(%dma_start3A_25 : memref<10240x128xf32, #tpu.memory_space<hbm>>) target(%arg9 : memref<128x128xf32, #tpu.memory_space<vmem>>) offsets(%dma_start3A_22 : memref<128xi32, #tpu.memory_space<vmem>>) semaphore(%arg13 : memref<!tpu.dma_semaphore, #tpu.memory_space<semaphore_mem>>)
    %sub3A = arith.constant 0 : i32
    %sub3A_26 = arith.subi %select_n3A, %sub3A : i32
    %sub3A_27 = arith.constant 1 : i32
    %sub3A_28 = arith.constant 1 : i32
    %sub3A_29 = arith.subi %sub3A_27, %sub3A_28 : i32
    %add3A_30 = arith.addi %sub3A_26, %sub3A_29 : i32
    %div3A = arith.constant 1 : i32
    %div3A_31 = arith.divsi %add3A_30, %div3A : i32
    %while3A = arith.constant 1 : i32
    %while3A_32 = arith.constant 0 : i32
    %while3A_33 = arith.constant 0 : i32
    %while3A_34 = arith.subi %div3A_31, %while3A_33 : i32
    %while3A_35 = arith.addi %while3A_33, %while3A_34 : i32
    %while3A_36 = arith.constant 1 : i32
    %while3A_37 = arith.divsi %while3A_34, %while3A_36 : i32
    %while3A_38 = arith.muli %while3A_37, %while3A_36 : i32
    %while3A_39 = arith.addi %while3A_33, %while3A_38 : i32
    %while3A_40 = arith.constant 1 : i32
    scf.for %while3A_47 = %while3A_33 to %while3A_39 step %while3A_40  : i32 {
      %mul3A_48 = arith.muli %while3A_47, %while3A : i32
      %add3A_49 = arith.addi %while3A_32, %mul3A_48 : i32
      %rem3A = arith.constant 2 : i32
      %rem3A_50 = arith.remsi %add3A_49, %rem3A : i32
      %mul3A_51 = arith.constant 8 : i32
      %mul3A_52 = arith.muli %rem3A_50, %mul3A_51 : i32
      %sub3A_53 = arith.constant 1 : i32
      %sub3A_54 = arith.subi %sub3A_53, %rem3A_50 : i32
      %mul3A_55 = arith.constant 8 : i32
      %mul3A_56 = arith.muli %sub3A_54, %mul3A_55 : i32
      %add3A_57 = arith.constant 1 : i32
      %add3A_58 = arith.addi %add3A_49, %add3A_57 : i32
      %lt3A = arith.cmpi slt, %add3A_58, %select_n3A : i32
      %convert_element_type3A = arith.extui %lt3A : i1 to i32
      %cond3A = arith.constant 0 : i32
      %cond3A_59 = arith.cmpi ne, %convert_element_type3A, %cond3A : i32
      scf.if %cond3A_59 {
        %add3A_70 = arith.constant 1 : i32
        %add3A_71 = arith.addi %add3A_49, %add3A_70 : i32
        %mul3A_72 = arith.constant 8 : i32
        %mul3A_73 = arith.muli %add3A_71, %mul3A_72 : i32
        %add3A_74 = arith.addi %select_n3A_8, %mul3A_73 : i32
        %dma_start3A_75 = arith.constant 0 : i32
        %dma_start3A_76 = tpu.memref_slice %arg7[%mul3A_56, %dma_start3A_75] : memref<16x128xi32, #tpu.memory_space<vmem>> -> memref<8x128xi32, #tpu.memory_space<vmem>>
        %dma_start3A_77 = arith.constant 0 : i32
        %dma_start3A_78 = tpu.memref_slice %arg3[%add3A_74, %dma_start3A_77] : memref<2560x128xi32, #tpu.memory_space<hbm>> -> memref<8x128xi32, #tpu.memory_space<hbm>>
        %dma_start3A_79 = arith.constant 0 : i32
        %dma_start3A_80 = tpu.memref_slice %arg7[%mul3A_56, %dma_start3A_79] : memref<16x128xi32, #tpu.memory_space<vmem>> -> memref<8x128xi32, #tpu.memory_space<vmem>>
        %dma_start3A_81 = arith.constant 0 : i32
        %dma_start3A_82 = tpu.memref_slice %arg3[%add3A_74, %dma_start3A_81] : memref<2560x128xi32, #tpu.memory_space<hbm>> -> memref<8x128xi32, #tpu.memory_space<hbm>>
        tpu.enqueue_dma source(%dma_start3A_82 : memref<8x128xi32, #tpu.memory_space<hbm>>) target(%dma_start3A_80 : memref<8x128xi32, #tpu.memory_space<vmem>>) target_semaphore(%arg15 : memref<!tpu.dma_semaphore, #tpu.memory_space<semaphore_mem>>)
        %add3A_83 = arith.constant 1 : i32
        %add3A_84 = arith.addi %add3A_49, %add3A_83 : i32
        %mul3A_85 = arith.constant 8 : i32
        %mul3A_86 = arith.muli %add3A_84, %mul3A_85 : i32
        %add3A_87 = arith.addi %select_n3A_8, %mul3A_86 : i32
        %dma_start3A_88 = arith.constant 0 : i32
        %dma_start3A_89 = tpu.memref_slice %arg8[%mul3A_56, %dma_start3A_88] : memref<16x128xi32, #tpu.memory_space<vmem>> -> memref<8x128xi32, #tpu.memory_space<vmem>>
        %dma_start3A_90 = arith.constant 0 : i32
        %dma_start3A_91 = tpu.memref_slice %arg4[%add3A_87, %dma_start3A_90] : memref<2560x128xi32, #tpu.memory_space<hbm>> -> memref<8x128xi32, #tpu.memory_space<hbm>>
        %dma_start3A_92 = arith.constant 0 : i32
        %dma_start3A_93 = tpu.memref_slice %arg8[%mul3A_56, %dma_start3A_92] : memref<16x128xi32, #tpu.memory_space<vmem>> -> memref<8x128xi32, #tpu.memory_space<vmem>>
        %dma_start3A_94 = arith.constant 0 : i32
        %dma_start3A_95 = tpu.memref_slice %arg4[%add3A_87, %dma_start3A_94] : memref<2560x128xi32, #tpu.memory_space<hbm>> -> memref<8x128xi32, #tpu.memory_space<hbm>>
        tpu.enqueue_dma source(%dma_start3A_95 : memref<8x128xi32, #tpu.memory_space<hbm>>) target(%dma_start3A_93 : memref<8x128xi32, #tpu.memory_space<vmem>>) target_semaphore(%arg16 : memref<!tpu.dma_semaphore, #tpu.memory_space<semaphore_mem>>)
      } else {
      }
      %scan3A = arith.constant 0 : i32
      %scan3A_60 = arith.constant 4 : i32
      %scan3A_61 = arith.addi %scan3A, %scan3A_60 : i32
      %scan3A_62 = arith.constant 1 : i32
      scf.for %scan3A_70 = %scan3A to %scan3A_61 step %scan3A_62  : i32 {
        %mul3A_71 = arith.constant 2 : i32
        %mul3A_72 = arith.muli %scan3A_70, %mul3A_71 : i32
        %add3A_73 = arith.constant 0 : i32
        %add3A_74 = arith.addi %add3A_73, %mul3A_72 : i32
        %add3A_75 = arith.addi %mul3A_52, %add3A_74 : i32
        %dma_wait3A_76 = arith.constant 0 : i32
        %dma_wait3A_77 = tpu.memref_slice %arg7[%add3A_75, %dma_wait3A_76] : memref<16x128xi32, #tpu.memory_space<vmem>> -> memref<1x128xi32, #tpu.memory_space<vmem>>
        %dma_wait3A_78 = tpu.memref_squeeze %dma_wait3A_77 : memref<1x128xi32, #tpu.memory_space<vmem>> -> memref<128xi32, #tpu.memory_space<vmem>>
        %dma_wait3A_79 = arith.constant 0 : i32
        %dma_wait3A_80 = arith.constant 0 : i32
        %dma_wait3A_81 = tpu.memref_slice %arg2[%dma_wait3A_79, %dma_wait3A_80] : memref<10240x128xf32, #tpu.memory_space<hbm>> -> memref<10240x128xf32, #tpu.memory_space<hbm>>
        tpu.wait_indirect_dma semaphore(%arg13 : memref<!tpu.dma_semaphore, #tpu.memory_space<semaphore_mem>>) src(%dma_wait3A_81 : memref<10240x128xf32, #tpu.memory_space<hbm>>) dst(%arg9 : memref<128x128xf32, #tpu.memory_space<vmem>>)
        %add3A_82 = arith.addi %mul3A_52, %add3A_74 : i32
        %add3A_83 = arith.constant 1 : i32
        %add3A_84 = arith.addi %add3A_82, %add3A_83 : i32
        %dma_start3A_85 = arith.constant 0 : i32
        %dma_start3A_86 = tpu.memref_slice %arg7[%add3A_84, %dma_start3A_85] : memref<16x128xi32, #tpu.memory_space<vmem>> -> memref<1x128xi32, #tpu.memory_space<vmem>>
        %dma_start3A_87 = tpu.memref_squeeze %dma_start3A_86 : memref<1x128xi32, #tpu.memory_space<vmem>> -> memref<128xi32, #tpu.memory_space<vmem>>
        %dma_start3A_88 = arith.constant 0 : i32
        %dma_start3A_89 = arith.constant 0 : i32
        %dma_start3A_90 = tpu.memref_slice %arg2[%dma_start3A_88, %dma_start3A_89] : memref<10240x128xf32, #tpu.memory_space<hbm>> -> memref<10240x128xf32, #tpu.memory_space<hbm>>
        tpu.enqueue_indirect_dma source(%dma_start3A_90 : memref<10240x128xf32, #tpu.memory_space<hbm>>) target(%arg10 : memref<128x128xf32, #tpu.memory_space<vmem>>) offsets(%dma_start3A_87 : memref<128xi32, #tpu.memory_space<vmem>>) semaphore(%arg14 : memref<!tpu.dma_semaphore, #tpu.memory_space<semaphore_mem>>)
        %add3A_91 = arith.addi %mul3A_52, %add3A_74 : i32
        "tpu.region"() ({
          %run_scoped3A = tpu.sem_alloc : memref<!tpu.dma_semaphore, #tpu.memory_space<semaphore_mem>>
          %dma_start3A_111 = arith.constant 0 : i32
          %dma_start3A_112 = tpu.memref_slice %arg8[%add3A_91, %dma_start3A_111] : memref<16x128xi32, #tpu.memory_space<vmem>> -> memref<1x128xi32, #tpu.memory_space<vmem>>
          %dma_start3A_113 = tpu.memref_squeeze %dma_start3A_112 : memref<1x128xi32, #tpu.memory_space<vmem>> -> memref<128xi32, #tpu.memory_space<vmem>>
          %dma_start3A_114 = arith.constant 0 : i32
          %dma_start3A_115 = arith.constant 0 : i32
          %dma_start3A_116 = tpu.memref_slice %arg11[%dma_start3A_114, %dma_start3A_115] : memref<10240x128xf32, #tpu.memory_space<vmem_shared>> -> memref<10240x128xf32, #tpu.memory_space<vmem_shared>>
          tpu.enqueue_indirect_dma source(%arg9 : memref<128x128xf32, #tpu.memory_space<vmem>>) target(%dma_start3A_116 : memref<10240x128xf32, #tpu.memory_space<vmem_shared>>) offsets(%dma_start3A_113 : memref<128xi32, #tpu.memory_space<vmem>>) semaphore(%run_scoped3A : memref<!tpu.dma_semaphore, #tpu.memory_space<semaphore_mem>>) {add = true}
          %dma_wait3A_117 = arith.constant 0 : i32
          %dma_wait3A_118 = tpu.memref_slice %arg8[%add3A_91, %dma_wait3A_117] : memref<16x128xi32, #tpu.memory_space<vmem>> -> memref<1x128xi32, #tpu.memory_space<vmem>>
          %dma_wait3A_119 = tpu.memref_squeeze %dma_wait3A_118 : memref<1x128xi32, #tpu.memory_space<vmem>> -> memref<128xi32, #tpu.memory_space<vmem>>
          %dma_wait3A_120 = arith.constant 0 : i32
          %dma_wait3A_121 = arith.constant 0 : i32
          %dma_wait3A_122 = tpu.memref_slice %arg11[%dma_wait3A_120, %dma_wait3A_121] : memref<10240x128xf32, #tpu.memory_space<vmem_shared>> -> memref<10240x128xf32, #tpu.memory_space<vmem_shared>>
          tpu.wait_indirect_dma semaphore(%run_scoped3A : memref<!tpu.dma_semaphore, #tpu.memory_space<semaphore_mem>>) src(%arg9 : memref<128x128xf32, #tpu.memory_space<vmem>>) dst(%dma_wait3A_122 : memref<10240x128xf32, #tpu.memory_space<vmem_shared>>)
          tpu.yield
        }) : () -> ()
        %add3A_92 = arith.addi %mul3A_52, %add3A_74 : i32
        %add3A_93 = arith.constant 1 : i32
        %add3A_94 = arith.addi %add3A_92, %add3A_93 : i32
        %dma_wait3A_95 = arith.constant 0 : i32
        %dma_wait3A_96 = tpu.memref_slice %arg7[%add3A_94, %dma_wait3A_95] : memref<16x128xi32, #tpu.memory_space<vmem>> -> memref<1x128xi32, #tpu.memory_space<vmem>>
        %dma_wait3A_97 = tpu.memref_squeeze %dma_wait3A_96 : memref<1x128xi32, #tpu.memory_space<vmem>> -> memref<128xi32, #tpu.memory_space<vmem>>
        %dma_wait3A_98 = arith.constant 0 : i32
        %dma_wait3A_99 = arith.constant 0 : i32
        %dma_wait3A_100 = tpu.memref_slice %arg2[%dma_wait3A_98, %dma_wait3A_99] : memref<10240x128xf32, #tpu.memory_space<hbm>> -> memref<10240x128xf32, #tpu.memory_space<hbm>>
        tpu.wait_indirect_dma semaphore(%arg14 : memref<!tpu.dma_semaphore, #tpu.memory_space<semaphore_mem>>) src(%dma_wait3A_100 : memref<10240x128xf32, #tpu.memory_space<hbm>>) dst(%arg10 : memref<128x128xf32, #tpu.memory_space<vmem>>)
        %add3A_101 = arith.constant 2 : i32
        %add3A_102 = arith.addi %add3A_74, %add3A_101 : i32
        %lt3A_103 = arith.constant 8 : i32
        %lt3A_104 = arith.cmpi slt, %add3A_102, %lt3A_103 : i32
        %convert_element_type3A_105 = arith.extui %lt3A_104 : i1 to i32
        %cond3A_106 = arith.constant 0 : i32
        %cond3A_107 = arith.cmpi ne, %convert_element_type3A_105, %cond3A_106 : i32
        scf.if %cond3A_107 {
          %add3A_111 = arith.addi %mul3A_52, %add3A_74 : i32
          %add3A_112 = arith.constant 2 : i32
          %add3A_113 = arith.addi %add3A_111, %add3A_112 : i32
          %dma_start3A_114 = arith.constant 0 : i32
          %dma_start3A_115 = tpu.memref_slice %arg7[%add3A_113, %dma_start3A_114] : memref<16x128xi32, #tpu.memory_space<vmem>> -> memref<1x128xi32, #tpu.memory_space<vmem>>
          %dma_start3A_116 = tpu.memref_squeeze %dma_start3A_115 : memref<1x128xi32, #tpu.memory_space<vmem>> -> memref<128xi32, #tpu.memory_space<vmem>>
          %dma_start3A_117 = arith.constant 0 : i32
          %dma_start3A_118 = arith.constant 0 : i32
          %dma_start3A_119 = tpu.memref_slice %arg2[%dma_start3A_117, %dma_start3A_118] : memref<10240x128xf32, #tpu.memory_space<hbm>> -> memref<10240x128xf32, #tpu.memory_space<hbm>>
          tpu.enqueue_indirect_dma source(%dma_start3A_119 : memref<10240x128xf32, #tpu.memory_space<hbm>>) target(%arg9 : memref<128x128xf32, #tpu.memory_space<vmem>>) offsets(%dma_start3A_116 : memref<128xi32, #tpu.memory_space<vmem>>) semaphore(%arg13 : memref<!tpu.dma_semaphore, #tpu.memory_space<semaphore_mem>>)
        } else {
        }
        %add3A_108 = arith.addi %mul3A_52, %add3A_74 : i32
        %add3A_109 = arith.constant 1 : i32
        %add3A_110 = arith.addi %add3A_108, %add3A_109 : i32
        "tpu.region"() ({
          %run_scoped3A = tpu.sem_alloc : memref<!tpu.dma_semaphore, #tpu.memory_space<semaphore_mem>>
          %dma_start3A_111 = arith.constant 0 : i32
          %dma_start3A_112 = tpu.memref_slice %arg8[%add3A_110, %dma_start3A_111] : memref<16x128xi32, #tpu.memory_space<vmem>> -> memref<1x128xi32, #tpu.memory_space<vmem>>
          %dma_start3A_113 = tpu.memref_squeeze %dma_start3A_112 : memref<1x128xi32, #tpu.memory_space<vmem>> -> memref<128xi32, #tpu.memory_space<vmem>>
          %dma_start3A_114 = arith.constant 0 : i32
          %dma_start3A_115 = arith.constant 0 : i32
          %dma_start3A_116 = tpu.memref_slice %arg11[%dma_start3A_114, %dma_start3A_115] : memref<10240x128xf32, #tpu.memory_space<vmem_shared>> -> memref<10240x128xf32, #tpu.memory_space<vmem_shared>>
          tpu.enqueue_indirect_dma source(%arg10 : memref<128x128xf32, #tpu.memory_space<vmem>>) target(%dma_start3A_116 : memref<10240x128xf32, #tpu.memory_space<vmem_shared>>) offsets(%dma_start3A_113 : memref<128xi32, #tpu.memory_space<vmem>>) semaphore(%run_scoped3A : memref<!tpu.dma_semaphore, #tpu.memory_space<semaphore_mem>>) {add = true}
          %dma_wait3A_117 = arith.constant 0 : i32
          %dma_wait3A_118 = tpu.memref_slice %arg8[%add3A_110, %dma_wait3A_117] : memref<16x128xi32, #tpu.memory_space<vmem>> -> memref<1x128xi32, #tpu.memory_space<vmem>>
          %dma_wait3A_119 = tpu.memref_squeeze %dma_wait3A_118 : memref<1x128xi32, #tpu.memory_space<vmem>> -> memref<128xi32, #tpu.memory_space<vmem>>
          %dma_wait3A_120 = arith.constant 0 : i32
          %dma_wait3A_121 = arith.constant 0 : i32
          %dma_wait3A_122 = tpu.memref_slice %arg11[%dma_wait3A_120, %dma_wait3A_121] : memref<10240x128xf32, #tpu.memory_space<vmem_shared>> -> memref<10240x128xf32, #tpu.memory_space<vmem_shared>>
          tpu.wait_indirect_dma semaphore(%run_scoped3A : memref<!tpu.dma_semaphore, #tpu.memory_space<semaphore_mem>>) src(%arg10 : memref<128x128xf32, #tpu.memory_space<vmem>>) dst(%dma_wait3A_122 : memref<10240x128xf32, #tpu.memory_space<vmem_shared>>)
          tpu.yield
        }) : () -> ()
      }
      %scan3A_63 = arith.constant 4 : i32
      %add3A_64 = arith.constant 1 : i32
      %add3A_65 = arith.addi %add3A_49, %add3A_64 : i32
      %lt3A_66 = arith.cmpi slt, %add3A_65, %select_n3A : i32
      %convert_element_type3A_67 = arith.extui %lt3A_66 : i1 to i32
      %cond3A_68 = arith.constant 0 : i32
      %cond3A_69 = arith.cmpi ne, %convert_element_type3A_67, %cond3A_68 : i32
      scf.if %cond3A_69 {
        %add3A_70 = arith.constant 1 : i32
        %add3A_71 = arith.addi %add3A_49, %add3A_70 : i32
        %mul3A_72 = arith.constant 8 : i32
        %mul3A_73 = arith.muli %add3A_71, %mul3A_72 : i32
        %add3A_74 = arith.addi %select_n3A_8, %mul3A_73 : i32
        %dma_wait3A_75 = arith.constant 0 : i32
        %dma_wait3A_76 = tpu.memref_slice %arg7[%mul3A_56, %dma_wait3A_75] : memref<16x128xi32, #tpu.memory_space<vmem>> -> memref<8x128xi32, #tpu.memory_space<vmem>>
        %dma_wait3A_77 = arith.constant 0 : i32
        %dma_wait3A_78 = tpu.memref_slice %arg3[%add3A_74, %dma_wait3A_77] : memref<2560x128xi32, #tpu.memory_space<hbm>> -> memref<8x128xi32, #tpu.memory_space<hbm>>
        %dma_wait3A_79 = arith.constant 0 : i32
        %dma_wait3A_80 = tpu.memref_slice %arg7[%mul3A_56, %dma_wait3A_79] : memref<16x128xi32, #tpu.memory_space<vmem>> -> memref<8x128xi32, #tpu.memory_space<vmem>>
        %dma_wait3A_81 = arith.constant 0 : i32
        %dma_wait3A_82 = tpu.memref_slice %arg3[%add3A_74, %dma_wait3A_81] : memref<2560x128xi32, #tpu.memory_space<hbm>> -> memref<8x128xi32, #tpu.memory_space<hbm>>
        tpu.wait_dma2 semaphore(%arg15 : memref<!tpu.dma_semaphore, #tpu.memory_space<semaphore_mem>>) src(%dma_wait3A_82 : memref<8x128xi32, #tpu.memory_space<hbm>>) dst(%dma_wait3A_80 : memref<8x128xi32, #tpu.memory_space<vmem>>)
        %add3A_83 = arith.constant 1 : i32
        %add3A_84 = arith.addi %add3A_49, %add3A_83 : i32
        %mul3A_85 = arith.constant 8 : i32
        %mul3A_86 = arith.muli %add3A_84, %mul3A_85 : i32
        %add3A_87 = arith.addi %select_n3A_8, %mul3A_86 : i32
        %dma_wait3A_88 = arith.constant 0 : i32
        %dma_wait3A_89 = tpu.memref_slice %arg8[%mul3A_56, %dma_wait3A_88] : memref<16x128xi32, #tpu.memory_space<vmem>> -> memref<8x128xi32, #tpu.memory_space<vmem>>
        %dma_wait3A_90 = arith.constant 0 : i32
        %dma_wait3A_91 = tpu.memref_slice %arg4[%add3A_87, %dma_wait3A_90] : memref<2560x128xi32, #tpu.memory_space<hbm>> -> memref<8x128xi32, #tpu.memory_space<hbm>>
        %dma_wait3A_92 = arith.constant 0 : i32
        %dma_wait3A_93 = tpu.memref_slice %arg8[%mul3A_56, %dma_wait3A_92] : memref<16x128xi32, #tpu.memory_space<vmem>> -> memref<8x128xi32, #tpu.memory_space<vmem>>
        %dma_wait3A_94 = arith.constant 0 : i32
        %dma_wait3A_95 = tpu.memref_slice %arg4[%add3A_87, %dma_wait3A_94] : memref<2560x128xi32, #tpu.memory_space<hbm>> -> memref<8x128xi32, #tpu.memory_space<hbm>>
        tpu.wait_dma2 semaphore(%arg16 : memref<!tpu.dma_semaphore, #tpu.memory_space<semaphore_mem>>) src(%dma_wait3A_95 : memref<8x128xi32, #tpu.memory_space<hbm>>) dst(%dma_wait3A_93 : memref<8x128xi32, #tpu.memory_space<vmem>>)
        %dma_start3A_96 = arith.constant 0 : i32
        %dma_start3A_97 = tpu.memref_slice %arg7[%mul3A_56, %dma_start3A_96] : memref<16x128xi32, #tpu.memory_space<vmem>> -> memref<1x128xi32, #tpu.memory_space<vmem>>
        %dma_start3A_98 = tpu.memref_squeeze %dma_start3A_97 : memref<1x128xi32, #tpu.memory_space<vmem>> -> memref<128xi32, #tpu.memory_space<vmem>>
        %dma_start3A_99 = arith.constant 0 : i32
        %dma_start3A_100 = arith.constant 0 : i32
        %dma_start3A_101 = tpu.memref_slice %arg2[%dma_start3A_99, %dma_start3A_100] : memref<10240x128xf32, #tpu.memory_space<hbm>> -> memref<10240x128xf32, #tpu.memory_space<hbm>>
        tpu.enqueue_indirect_dma source(%dma_start3A_101 : memref<10240x128xf32, #tpu.memory_space<hbm>>) target(%arg9 : memref<128x128xf32, #tpu.memory_space<vmem>>) offsets(%dma_start3A_98 : memref<128xi32, #tpu.memory_space<vmem>>) semaphore(%arg13 : memref<!tpu.dma_semaphore, #tpu.memory_space<semaphore_mem>>)
      } else {
      }
    }
    %while3A_41 = arith.constant 1 : i32
    scf.for %while3A_47 = %while3A_39 to %while3A_35 step %while3A_41  : i32 {
      %mul3A_48 = arith.muli %while3A_47, %while3A : i32
      %add3A_49 = arith.addi %while3A_32, %mul3A_48 : i32
      %rem3A = arith.constant 2 : i32
      %rem3A_50 = arith.remsi %add3A_49, %rem3A : i32
      %mul3A_51 = arith.constant 8 : i32
      %mul3A_52 = arith.muli %rem3A_50, %mul3A_51 : i32
      %sub3A_53 = arith.constant 1 : i32
      %sub3A_54 = arith.subi %sub3A_53, %rem3A_50 : i32
      %mul3A_55 = arith.constant 8 : i32
      %mul3A_56 = arith.muli %sub3A_54, %mul3A_55 : i32
      %add3A_57 = arith.constant 1 : i32
      %add3A_58 = arith.addi %add3A_49, %add3A_57 : i32
      %lt3A = arith.cmpi slt, %add3A_58, %select_n3A : i32
      %convert_element_type3A = arith.extui %lt3A : i1 to i32
      %cond3A = arith.constant 0 : i32
      %cond3A_59 = arith.cmpi ne, %convert_element_type3A, %cond3A : i32
      scf.if %cond3A_59 {
        %add3A_70 = arith.constant 1 : i32
        %add3A_71 = arith.addi %add3A_49, %add3A_70 : i32
        %mul3A_72 = arith.constant 8 : i32
        %mul3A_73 = arith.muli %add3A_71, %mul3A_72 : i32
        %add3A_74 = arith.addi %select_n3A_8, %mul3A_73 : i32
        %dma_start3A_75 = arith.constant 0 : i32
        %dma_start3A_76 = tpu.memref_slice %arg7[%mul3A_56, %dma_start3A_75] : memref<16x128xi32, #tpu.memory_space<vmem>> -> memref<8x128xi32, #tpu.memory_space<vmem>>
        %dma_start3A_77 = arith.constant 0 : i32
        %dma_start3A_78 = tpu.memref_slice %arg3[%add3A_74, %dma_start3A_77] : memref<2560x128xi32, #tpu.memory_space<hbm>> -> memref<8x128xi32, #tpu.memory_space<hbm>>
        %dma_start3A_79 = arith.constant 0 : i32
        %dma_start3A_80 = tpu.memref_slice %arg7[%mul3A_56, %dma_start3A_79] : memref<16x128xi32, #tpu.memory_space<vmem>> -> memref<8x128xi32, #tpu.memory_space<vmem>>
        %dma_start3A_81 = arith.constant 0 : i32
        %dma_start3A_82 = tpu.memref_slice %arg3[%add3A_74, %dma_start3A_81] : memref<2560x128xi32, #tpu.memory_space<hbm>> -> memref<8x128xi32, #tpu.memory_space<hbm>>
        tpu.enqueue_dma source(%dma_start3A_82 : memref<8x128xi32, #tpu.memory_space<hbm>>) target(%dma_start3A_80 : memref<8x128xi32, #tpu.memory_space<vmem>>) target_semaphore(%arg15 : memref<!tpu.dma_semaphore, #tpu.memory_space<semaphore_mem>>)
        %add3A_83 = arith.constant 1 : i32
        %add3A_84 = arith.addi %add3A_49, %add3A_83 : i32
        %mul3A_85 = arith.constant 8 : i32
        %mul3A_86 = arith.muli %add3A_84, %mul3A_85 : i32
        %add3A_87 = arith.addi %select_n3A_8, %mul3A_86 : i32
        %dma_start3A_88 = arith.constant 0 : i32
        %dma_start3A_89 = tpu.memref_slice %arg8[%mul3A_56, %dma_start3A_88] : memref<16x128xi32, #tpu.memory_space<vmem>> -> memref<8x128xi32, #tpu.memory_space<vmem>>
        %dma_start3A_90 = arith.constant 0 : i32
        %dma_start3A_91 = tpu.memref_slice %arg4[%add3A_87, %dma_start3A_90] : memref<2560x128xi32, #tpu.memory_space<hbm>> -> memref<8x128xi32, #tpu.memory_space<hbm>>
        %dma_start3A_92 = arith.constant 0 : i32
        %dma_start3A_93 = tpu.memref_slice %arg8[%mul3A_56, %dma_start3A_92] : memref<16x128xi32, #tpu.memory_space<vmem>> -> memref<8x128xi32, #tpu.memory_space<vmem>>
        %dma_start3A_94 = arith.constant 0 : i32
        %dma_start3A_95 = tpu.memref_slice %arg4[%add3A_87, %dma_start3A_94] : memref<2560x128xi32, #tpu.memory_space<hbm>> -> memref<8x128xi32, #tpu.memory_space<hbm>>
        tpu.enqueue_dma source(%dma_start3A_95 : memref<8x128xi32, #tpu.memory_space<hbm>>) target(%dma_start3A_93 : memref<8x128xi32, #tpu.memory_space<vmem>>) target_semaphore(%arg16 : memref<!tpu.dma_semaphore, #tpu.memory_space<semaphore_mem>>)
      } else {
      }
      %scan3A = arith.constant 0 : i32
      %scan3A_60 = arith.constant 4 : i32
      %scan3A_61 = arith.addi %scan3A, %scan3A_60 : i32
      %scan3A_62 = arith.constant 1 : i32
      scf.for %scan3A_70 = %scan3A to %scan3A_61 step %scan3A_62  : i32 {
        %mul3A_71 = arith.constant 2 : i32
        %mul3A_72 = arith.muli %scan3A_70, %mul3A_71 : i32
        %add3A_73 = arith.constant 0 : i32
        %add3A_74 = arith.addi %add3A_73, %mul3A_72 : i32
        %add3A_75 = arith.addi %mul3A_52, %add3A_74 : i32
        %dma_wait3A_76 = arith.constant 0 : i32
        %dma_wait3A_77 = tpu.memref_slice %arg7[%add3A_75, %dma_wait3A_76] : memref<16x128xi32, #tpu.memory_space<vmem>> -> memref<1x128xi32, #tpu.memory_space<vmem>>
        %dma_wait3A_78 = tpu.memref_squeeze %dma_wait3A_77 : memref<1x128xi32, #tpu.memory_space<vmem>> -> memref<128xi32, #tpu.memory_space<vmem>>
        %dma_wait3A_79 = arith.constant 0 : i32
        %dma_wait3A_80 = arith.constant 0 : i32
        %dma_wait3A_81 = tpu.memref_slice %arg2[%dma_wait3A_79, %dma_wait3A_80] : memref<10240x128xf32, #tpu.memory_space<hbm>> -> memref<10240x128xf32, #tpu.memory_space<hbm>>
        tpu.wait_indirect_dma semaphore(%arg13 : memref<!tpu.dma_semaphore, #tpu.memory_space<semaphore_mem>>) src(%dma_wait3A_81 : memref<10240x128xf32, #tpu.memory_space<hbm>>) dst(%arg9 : memref<128x128xf32, #tpu.memory_space<vmem>>)
        %add3A_82 = arith.addi %mul3A_52, %add3A_74 : i32
        %add3A_83 = arith.constant 1 : i32
        %add3A_84 = arith.addi %add3A_82, %add3A_83 : i32
        %dma_start3A_85 = arith.constant 0 : i32
        %dma_start3A_86 = tpu.memref_slice %arg7[%add3A_84, %dma_start3A_85] : memref<16x128xi32, #tpu.memory_space<vmem>> -> memref<1x128xi32, #tpu.memory_space<vmem>>
        %dma_start3A_87 = tpu.memref_squeeze %dma_start3A_86 : memref<1x128xi32, #tpu.memory_space<vmem>> -> memref<128xi32, #tpu.memory_space<vmem>>
        %dma_start3A_88 = arith.constant 0 : i32
        %dma_start3A_89 = arith.constant 0 : i32
        %dma_start3A_90 = tpu.memref_slice %arg2[%dma_start3A_88, %dma_start3A_89] : memref<10240x128xf32, #tpu.memory_space<hbm>> -> memref<10240x128xf32, #tpu.memory_space<hbm>>
        tpu.enqueue_indirect_dma source(%dma_start3A_90 : memref<10240x128xf32, #tpu.memory_space<hbm>>) target(%arg10 : memref<128x128xf32, #tpu.memory_space<vmem>>) offsets(%dma_start3A_87 : memref<128xi32, #tpu.memory_space<vmem>>) semaphore(%arg14 : memref<!tpu.dma_semaphore, #tpu.memory_space<semaphore_mem>>)
        %add3A_91 = arith.addi %mul3A_52, %add3A_74 : i32
        "tpu.region"() ({
          %run_scoped3A = tpu.sem_alloc : memref<!tpu.dma_semaphore, #tpu.memory_space<semaphore_mem>>
          %dma_start3A_111 = arith.constant 0 : i32
          %dma_start3A_112 = tpu.memref_slice %arg8[%add3A_91, %dma_start3A_111] : memref<16x128xi32, #tpu.memory_space<vmem>> -> memref<1x128xi32, #tpu.memory_space<vmem>>
          %dma_start3A_113 = tpu.memref_squeeze %dma_start3A_112 : memref<1x128xi32, #tpu.memory_space<vmem>> -> memref<128xi32, #tpu.memory_space<vmem>>
          %dma_start3A_114 = arith.constant 0 : i32
          %dma_start3A_115 = arith.constant 0 : i32
          %dma_start3A_116 = tpu.memref_slice %arg11[%dma_start3A_114, %dma_start3A_115] : memref<10240x128xf32, #tpu.memory_space<vmem_shared>> -> memref<10240x128xf32, #tpu.memory_space<vmem_shared>>
          tpu.enqueue_indirect_dma source(%arg9 : memref<128x128xf32, #tpu.memory_space<vmem>>) target(%dma_start3A_116 : memref<10240x128xf32, #tpu.memory_space<vmem_shared>>) offsets(%dma_start3A_113 : memref<128xi32, #tpu.memory_space<vmem>>) semaphore(%run_scoped3A : memref<!tpu.dma_semaphore, #tpu.memory_space<semaphore_mem>>) {add = true}
          %dma_wait3A_117 = arith.constant 0 : i32
          %dma_wait3A_118 = tpu.memref_slice %arg8[%add3A_91, %dma_wait3A_117] : memref<16x128xi32, #tpu.memory_space<vmem>> -> memref<1x128xi32, #tpu.memory_space<vmem>>
          %dma_wait3A_119 = tpu.memref_squeeze %dma_wait3A_118 : memref<1x128xi32, #tpu.memory_space<vmem>> -> memref<128xi32, #tpu.memory_space<vmem>>
          %dma_wait3A_120 = arith.constant 0 : i32
          %dma_wait3A_121 = arith.constant 0 : i32
          %dma_wait3A_122 = tpu.memref_slice %arg11[%dma_wait3A_120, %dma_wait3A_121] : memref<10240x128xf32, #tpu.memory_space<vmem_shared>> -> memref<10240x128xf32, #tpu.memory_space<vmem_shared>>
          tpu.wait_indirect_dma semaphore(%run_scoped3A : memref<!tpu.dma_semaphore, #tpu.memory_space<semaphore_mem>>) src(%arg9 : memref<128x128xf32, #tpu.memory_space<vmem>>) dst(%dma_wait3A_122 : memref<10240x128xf32, #tpu.memory_space<vmem_shared>>)
          tpu.yield
        }) : () -> ()
        %add3A_92 = arith.addi %mul3A_52, %add3A_74 : i32
        %add3A_93 = arith.constant 1 : i32
        %add3A_94 = arith.addi %add3A_92, %add3A_93 : i32
        %dma_wait3A_95 = arith.constant 0 : i32
        %dma_wait3A_96 = tpu.memref_slice %arg7[%add3A_94, %dma_wait3A_95] : memref<16x128xi32, #tpu.memory_space<vmem>> -> memref<1x128xi32, #tpu.memory_space<vmem>>
        %dma_wait3A_97 = tpu.memref_squeeze %dma_wait3A_96 : memref<1x128xi32, #tpu.memory_space<vmem>> -> memref<128xi32, #tpu.memory_space<vmem>>
        %dma_wait3A_98 = arith.constant 0 : i32
        %dma_wait3A_99 = arith.constant 0 : i32
        %dma_wait3A_100 = tpu.memref_slice %arg2[%dma_wait3A_98, %dma_wait3A_99] : memref<10240x128xf32, #tpu.memory_space<hbm>> -> memref<10240x128xf32, #tpu.memory_space<hbm>>
        tpu.wait_indirect_dma semaphore(%arg14 : memref<!tpu.dma_semaphore, #tpu.memory_space<semaphore_mem>>) src(%dma_wait3A_100 : memref<10240x128xf32, #tpu.memory_space<hbm>>) dst(%arg10 : memref<128x128xf32, #tpu.memory_space<vmem>>)
        %add3A_101 = arith.constant 2 : i32
        %add3A_102 = arith.addi %add3A_74, %add3A_101 : i32
        %lt3A_103 = arith.constant 8 : i32
        %lt3A_104 = arith.cmpi slt, %add3A_102, %lt3A_103 : i32
        %convert_element_type3A_105 = arith.extui %lt3A_104 : i1 to i32
        %cond3A_106 = arith.constant 0 : i32
        %cond3A_107 = arith.cmpi ne, %convert_element_type3A_105, %cond3A_106 : i32
        scf.if %cond3A_107 {
          %add3A_111 = arith.addi %mul3A_52, %add3A_74 : i32
          %add3A_112 = arith.constant 2 : i32
          %add3A_113 = arith.addi %add3A_111, %add3A_112 : i32
          %dma_start3A_114 = arith.constant 0 : i32
          %dma_start3A_115 = tpu.memref_slice %arg7[%add3A_113, %dma_start3A_114] : memref<16x128xi32, #tpu.memory_space<vmem>> -> memref<1x128xi32, #tpu.memory_space<vmem>>
          %dma_start3A_116 = tpu.memref_squeeze %dma_start3A_115 : memref<1x128xi32, #tpu.memory_space<vmem>> -> memref<128xi32, #tpu.memory_space<vmem>>
          %dma_start3A_117 = arith.constant 0 : i32
          %dma_start3A_118 = arith.constant 0 : i32
          %dma_start3A_119 = tpu.memref_slice %arg2[%dma_start3A_117, %dma_start3A_118] : memref<10240x128xf32, #tpu.memory_space<hbm>> -> memref<10240x128xf32, #tpu.memory_space<hbm>>
          tpu.enqueue_indirect_dma source(%dma_start3A_119 : memref<10240x128xf32, #tpu.memory_space<hbm>>) target(%arg9 : memref<128x128xf32, #tpu.memory_space<vmem>>) offsets(%dma_start3A_116 : memref<128xi32, #tpu.memory_space<vmem>>) semaphore(%arg13 : memref<!tpu.dma_semaphore, #tpu.memory_space<semaphore_mem>>)
        } else {
        }
        %add3A_108 = arith.addi %mul3A_52, %add3A_74 : i32
        %add3A_109 = arith.constant 1 : i32
        %add3A_110 = arith.addi %add3A_108, %add3A_109 : i32
        "tpu.region"() ({
          %run_scoped3A = tpu.sem_alloc : memref<!tpu.dma_semaphore, #tpu.memory_space<semaphore_mem>>
          %dma_start3A_111 = arith.constant 0 : i32
          %dma_start3A_112 = tpu.memref_slice %arg8[%add3A_110, %dma_start3A_111] : memref<16x128xi32, #tpu.memory_space<vmem>> -> memref<1x128xi32, #tpu.memory_space<vmem>>
          %dma_start3A_113 = tpu.memref_squeeze %dma_start3A_112 : memref<1x128xi32, #tpu.memory_space<vmem>> -> memref<128xi32, #tpu.memory_space<vmem>>
          %dma_start3A_114 = arith.constant 0 : i32
          %dma_start3A_115 = arith.constant 0 : i32
          %dma_start3A_116 = tpu.memref_slice %arg11[%dma_start3A_114, %dma_start3A_115] : memref<10240x128xf32, #tpu.memory_space<vmem_shared>> -> memref<10240x128xf32, #tpu.memory_space<vmem_shared>>
          tpu.enqueue_indirect_dma source(%arg10 : memref<128x128xf32, #tpu.memory_space<vmem>>) target(%dma_start3A_116 : memref<10240x128xf32, #tpu.memory_space<vmem_shared>>) offsets(%dma_start3A_113 : memref<128xi32, #tpu.memory_space<vmem>>) semaphore(%run_scoped3A : memref<!tpu.dma_semaphore, #tpu.memory_space<semaphore_mem>>) {add = true}
          %dma_wait3A_117 = arith.constant 0 : i32
          %dma_wait3A_118 = tpu.memref_slice %arg8[%add3A_110, %dma_wait3A_117] : memref<16x128xi32, #tpu.memory_space<vmem>> -> memref<1x128xi32, #tpu.memory_space<vmem>>
          %dma_wait3A_119 = tpu.memref_squeeze %dma_wait3A_118 : memref<1x128xi32, #tpu.memory_space<vmem>> -> memref<128xi32, #tpu.memory_space<vmem>>
          %dma_wait3A_120 = arith.constant 0 : i32
          %dma_wait3A_121 = arith.constant 0 : i32
          %dma_wait3A_122 = tpu.memref_slice %arg11[%dma_wait3A_120, %dma_wait3A_121] : memref<10240x128xf32, #tpu.memory_space<vmem_shared>> -> memref<10240x128xf32, #tpu.memory_space<vmem_shared>>
          tpu.wait_indirect_dma semaphore(%run_scoped3A : memref<!tpu.dma_semaphore, #tpu.memory_space<semaphore_mem>>) src(%arg10 : memref<128x128xf32, #tpu.memory_space<vmem>>) dst(%dma_wait3A_122 : memref<10240x128xf32, #tpu.memory_space<vmem_shared>>)
          tpu.yield
        }) : () -> ()
      }
      %scan3A_63 = arith.constant 4 : i32
      %add3A_64 = arith.constant 1 : i32
      %add3A_65 = arith.addi %add3A_49, %add3A_64 : i32
      %lt3A_66 = arith.cmpi slt, %add3A_65, %select_n3A : i32
      %convert_element_type3A_67 = arith.extui %lt3A_66 : i1 to i32
      %cond3A_68 = arith.constant 0 : i32
      %cond3A_69 = arith.cmpi ne, %convert_element_type3A_67, %cond3A_68 : i32
      scf.if %cond3A_69 {
        %add3A_70 = arith.constant 1 : i32
        %add3A_71 = arith.addi %add3A_49, %add3A_70 : i32
        %mul3A_72 = arith.constant 8 : i32
        %mul3A_73 = arith.muli %add3A_71, %mul3A_72 : i32
        %add3A_74 = arith.addi %select_n3A_8, %mul3A_73 : i32
        %dma_wait3A_75 = arith.constant 0 : i32
        %dma_wait3A_76 = tpu.memref_slice %arg7[%mul3A_56, %dma_wait3A_75] : memref<16x128xi32, #tpu.memory_space<vmem>> -> memref<8x128xi32, #tpu.memory_space<vmem>>
        %dma_wait3A_77 = arith.constant 0 : i32
        %dma_wait3A_78 = tpu.memref_slice %arg3[%add3A_74, %dma_wait3A_77] : memref<2560x128xi32, #tpu.memory_space<hbm>> -> memref<8x128xi32, #tpu.memory_space<hbm>>
        %dma_wait3A_79 = arith.constant 0 : i32
        %dma_wait3A_80 = tpu.memref_slice %arg7[%mul3A_56, %dma_wait3A_79] : memref<16x128xi32, #tpu.memory_space<vmem>> -> memref<8x128xi32, #tpu.memory_space<vmem>>
        %dma_wait3A_81 = arith.constant 0 : i32
        %dma_wait3A_82 = tpu.memref_slice %arg3[%add3A_74, %dma_wait3A_81] : memref<2560x128xi32, #tpu.memory_space<hbm>> -> memref<8x128xi32, #tpu.memory_space<hbm>>
        tpu.wait_dma2 semaphore(%arg15 : memref<!tpu.dma_semaphore, #tpu.memory_space<semaphore_mem>>) src(%dma_wait3A_82 : memref<8x128xi32, #tpu.memory_space<hbm>>) dst(%dma_wait3A_80 : memref<8x128xi32, #tpu.memory_space<vmem>>)
        %add3A_83 = arith.constant 1 : i32
        %add3A_84 = arith.addi %add3A_49, %add3A_83 : i32
        %mul3A_85 = arith.constant 8 : i32
        %mul3A_86 = arith.muli %add3A_84, %mul3A_85 : i32
        %add3A_87 = arith.addi %select_n3A_8, %mul3A_86 : i32
        %dma_wait3A_88 = arith.constant 0 : i32
        %dma_wait3A_89 = tpu.memref_slice %arg8[%mul3A_56, %dma_wait3A_88] : memref<16x128xi32, #tpu.memory_space<vmem>> -> memref<8x128xi32, #tpu.memory_space<vmem>>
        %dma_wait3A_90 = arith.constant 0 : i32
        %dma_wait3A_91 = tpu.memref_slice %arg4[%add3A_87, %dma_wait3A_90] : memref<2560x128xi32, #tpu.memory_space<hbm>> -> memref<8x128xi32, #tpu.memory_space<hbm>>
        %dma_wait3A_92 = arith.constant 0 : i32
        %dma_wait3A_93 = tpu.memref_slice %arg8[%mul3A_56, %dma_wait3A_92] : memref<16x128xi32, #tpu.memory_space<vmem>> -> memref<8x128xi32, #tpu.memory_space<vmem>>
        %dma_wait3A_94 = arith.constant 0 : i32
        %dma_wait3A_95 = tpu.memref_slice %arg4[%add3A_87, %dma_wait3A_94] : memref<2560x128xi32, #tpu.memory_space<hbm>> -> memref<8x128xi32, #tpu.memory_space<hbm>>
        tpu.wait_dma2 semaphore(%arg16 : memref<!tpu.dma_semaphore, #tpu.memory_space<semaphore_mem>>) src(%dma_wait3A_95 : memref<8x128xi32, #tpu.memory_space<hbm>>) dst(%dma_wait3A_93 : memref<8x128xi32, #tpu.memory_space<vmem>>)
        %dma_start3A_96 = arith.constant 0 : i32
        %dma_start3A_97 = tpu.memref_slice %arg7[%mul3A_56, %dma_start3A_96] : memref<16x128xi32, #tpu.memory_space<vmem>> -> memref<1x128xi32, #tpu.memory_space<vmem>>
        %dma_start3A_98 = tpu.memref_squeeze %dma_start3A_97 : memref<1x128xi32, #tpu.memory_space<vmem>> -> memref<128xi32, #tpu.memory_space<vmem>>
        %dma_start3A_99 = arith.constant 0 : i32
        %dma_start3A_100 = arith.constant 0 : i32
        %dma_start3A_101 = tpu.memref_slice %arg2[%dma_start3A_99, %dma_start3A_100] : memref<10240x128xf32, #tpu.memory_space<hbm>> -> memref<10240x128xf32, #tpu.memory_space<hbm>>
        tpu.enqueue_indirect_dma source(%dma_start3A_101 : memref<10240x128xf32, #tpu.memory_space<hbm>>) target(%arg9 : memref<128x128xf32, #tpu.memory_space<vmem>>) offsets(%dma_start3A_98 : memref<128xi32, #tpu.memory_space<vmem>>) semaphore(%arg13 : memref<!tpu.dma_semaphore, #tpu.memory_space<semaphore_mem>>)
      } else {
      }
    }
    %barrier3A_42 = arith.constant 0 : index
    tpu.barrier barrier_id(%barrier3A_42)
    %mul3A_43 = arith.constant 640 : i32
    %mul3A_44 = arith.muli %arg1, %mul3A_43 : i32
    %mul3A_45 = arith.constant 640 : i32
    %mul3A_46 = arith.muli %arg1, %mul3A_45 : i32
    "tpu.region"() ({
      %run_scoped3A = tpu.sem_alloc : memref<!tpu.dma_semaphore, #tpu.memory_space<semaphore_mem>>
      %dma_start3A_47 = arith.constant 0 : i32
      %dma_start3A_48 = arith.constant 0 : i32
      %dma_start3A_49 = tpu.memref_slice %arg6[%arg0, %dma_start3A_47, %dma_start3A_48] : memref<2x10240x128xf32, #tpu.memory_space<hbm>> -> memref<1x10240x128xf32, #tpu.memory_space<hbm>>
      %dma_start3A_50 = tpu.memref_squeeze %dma_start3A_49 : memref<1x10240x128xf32, #tpu.memory_space<hbm>> -> memref<10240x128xf32, #tpu.memory_space<hbm>>
      %dma_start3A_51 = arith.constant 0 : i32
      %dma_start3A_52 = tpu.memref_slice %dma_start3A_50[%mul3A_46, %dma_start3A_51] : memref<10240x128xf32, #tpu.memory_space<hbm>> -> memref<640x128xf32, #tpu.memory_space<hbm>>
      %dma_start3A_53 = arith.constant 0 : i32
      %dma_start3A_54 = tpu.memref_slice %arg11[%mul3A_44, %dma_start3A_53] : memref<10240x128xf32, #tpu.memory_space<vmem_shared>> -> memref<640x128xf32, #tpu.memory_space<vmem_shared>>
      tpu.enqueue_dma source(%dma_start3A_54 : memref<640x128xf32, #tpu.memory_space<vmem_shared>>) target(%dma_start3A_52 : memref<640x128xf32, #tpu.memory_space<hbm>>) target_semaphore(%run_scoped3A : memref<!tpu.dma_semaphore, #tpu.memory_space<semaphore_mem>>)
      %dma_wait3A_55 = arith.constant 0 : i32
      %dma_wait3A_56 = arith.constant 0 : i32
      %dma_wait3A_57 = tpu.memref_slice %arg6[%arg0, %dma_wait3A_55, %dma_wait3A_56] : memref<2x10240x128xf32, #tpu.memory_space<hbm>> -> memref<1x10240x128xf32, #tpu.memory_space<hbm>>
      %dma_wait3A_58 = tpu.memref_squeeze %dma_wait3A_57 : memref<1x10240x128xf32, #tpu.memory_space<hbm>> -> memref<10240x128xf32, #tpu.memory_space<hbm>>
      %dma_wait3A_59 = arith.constant 0 : i32
      %dma_wait3A_60 = tpu.memref_slice %dma_wait3A_58[%mul3A_46, %dma_wait3A_59] : memref<10240x128xf32, #tpu.memory_space<hbm>> -> memref<640x128xf32, #tpu.memory_space<hbm>>
      %dma_wait3A_61 = arith.constant 0 : i32
      %dma_wait3A_62 = tpu.memref_slice %arg11[%mul3A_44, %dma_wait3A_61] : memref<10240x128xf32, #tpu.memory_space<vmem_shared>> -> memref<640x128xf32, #tpu.memory_space<vmem_shared>>
      tpu.wait_dma2 semaphore(%run_scoped3A : memref<!tpu.dma_semaphore, #tpu.memory_space<semaphore_mem>>) src(%dma_wait3A_62 : memref<640x128xf32, #tpu.memory_space<vmem_shared>>) dst(%dma_wait3A_60 : memref<640x128xf32, #tpu.memory_space<hbm>>)
      tpu.yield
    }) : () -> ()
    return
  }
}

#map = affine_map<(d0, d1) -> (0, 0)>
#map1 = affine_map<(d0, d1) -> (0, 0, 0)>
module attributes {stable_mosaic.version = 14 : i64} {
  func.func @sc_prop(%arg0: i32, %arg1: i32, %arg2: memref<10240x128xf32, #tpu.memory_space<hbm>>, %arg3: memref<2560x128xi32, #tpu.memory_space<hbm>>, %arg4: memref<2560x128xi32, #tpu.memory_space<hbm>>, %arg5: memref<10240x128xf32, #tpu.memory_space<hbm>>, %arg6: memref<2x10240x128xf32, #tpu.memory_space<hbm>>, %arg7: memref<16x128xi32, #tpu.memory_space<vmem>>, %arg8: memref<16x128xi32, #tpu.memory_space<vmem>>, %arg9: memref<128x128xf32, #tpu.memory_space<vmem>>, %arg10: memref<128x128xf32, #tpu.memory_space<vmem>>, %arg11: memref<10240x128xf32, #tpu.memory_space<vmem_shared>>, %arg12: memref<!tpu.dma_semaphore, #tpu.memory_space<semaphore_mem>>, %arg13: memref<!tpu.dma_semaphore, #tpu.memory_space<semaphore_mem>>, %arg14: memref<!tpu.dma_semaphore, #tpu.memory_space<semaphore_mem>>, %arg15: memref<!tpu.dma_semaphore, #tpu.memory_space<semaphore_mem>>, %arg16: memref<!tpu.dma_semaphore, #tpu.memory_space<semaphore_mem>>) attributes {dimension_semantics = [#tpu.dimension_semantics<core_parallel>, #tpu.dimension_semantics<subcore_parallel>], iteration_bounds = array<i64: 2, 16>, scalar_prefetch = 0 : i64, scratch_operands = 10 : i64, tpu.core_type = #tpu.core_type<sc_vector_subcore>, window_params = [{transform_indices = #map}, {transform_indices = #map}, {transform_indices = #map}, {transform_indices = #map}, {transform_indices = #map1}]} {
    %eq3A = arith.constant 0 : i32
    %eq3A_0 = arith.cmpi eq, %arg0, %eq3A : i32
    %jit3A = arith.constant 10 : i32
    %jit3A_1 = arith.constant 10 : i32
    %select_n3A = arith.select %eq3A_0, %jit3A, %jit3A_1 : i32
    %eq3A_2 = arith.constant 0 : i32
    %eq3A_3 = arith.cmpi eq, %arg0, %eq3A_2 : i32
    %mul3A = arith.constant 80 : i32
    %mul3A_4 = arith.muli %arg1, %mul3A : i32
    %mul3A_5 = arith.constant 80 : i32
    %mul3A_6 = arith.muli %arg1, %mul3A_5 : i32
    %add3A = arith.constant 1280 : i32
    %add3A_7 = arith.addi %add3A, %mul3A_6 : i32
    %select_n3A_8 = arith.select %eq3A_3, %mul3A_4, %add3A_7 : i32
    %mul3A_9 = arith.constant 640 : i32
    %mul3A_10 = arith.muli %arg1, %mul3A_9 : i32
    %mul3A_11 = arith.constant 640 : i32
    %mul3A_12 = arith.muli %arg1, %mul3A_11 : i32
    %dma_start3A = arith.constant 0 : i32
    %dma_start3A_13 = tpu.memref_slice %arg11[%mul3A_12, %dma_start3A] : memref<10240x128xf32, #tpu.memory_space<vmem_shared>> -> memref<640x128xf32, #tpu.memory_space<vmem_shared>>
    %dma_start3A_14 = arith.constant 0 : i32
    %dma_start3A_15 = tpu.memref_slice %arg5[%mul3A_10, %dma_start3A_14] : memref<10240x128xf32, #tpu.memory_space<hbm>> -> memref<640x128xf32, #tpu.memory_space<hbm>>
    tpu.enqueue_dma source(%dma_start3A_15 : memref<640x128xf32, #tpu.memory_space<hbm>>) target(%dma_start3A_13 : memref<640x128xf32, #tpu.memory_space<vmem_shared>>) target_semaphore(%arg12 : memref<!tpu.dma_semaphore, #tpu.memory_space<semaphore_mem>>)
    "tpu.region"() ({
      %run_scoped3A = tpu.sem_alloc : memref<!tpu.dma_semaphore, #tpu.memory_space<semaphore_mem>>
      %dma_start3A_47 = arith.constant 0 : i32
      %dma_start3A_48 = arith.constant 0 : i32
      %dma_start3A_49 = tpu.memref_slice %arg7[%dma_start3A_47, %dma_start3A_48] : memref<16x128xi32, #tpu.memory_space<vmem>> -> memref<8x128xi32, #tpu.memory_space<vmem>>
      %dma_start3A_50 = arith.constant 0 : i32
      %dma_start3A_51 = tpu.memref_slice %arg3[%select_n3A_8, %dma_start3A_50] : memref<2560x128xi32, #tpu.memory_space<hbm>> -> memref<8x128xi32, #tpu.memory_space<hbm>>
      %dma_start3A_52 = arith.constant 0 : i32
      %dma_start3A_53 = arith.constant 0 : i32
      %dma_start3A_54 = tpu.memref_slice %arg7[%dma_start3A_52, %dma_start3A_53] : memref<16x128xi32, #tpu.memory_space<vmem>> -> memref<8x128xi32, #tpu.memory_space<vmem>>
      %dma_start3A_55 = arith.constant 0 : i32
      %dma_start3A_56 = tpu.memref_slice %arg3[%select_n3A_8, %dma_start3A_55] : memref<2560x128xi32, #tpu.memory_space<hbm>> -> memref<8x128xi32, #tpu.memory_space<hbm>>
      tpu.enqueue_dma source(%dma_start3A_56 : memref<8x128xi32, #tpu.memory_space<hbm>>) target(%dma_start3A_54 : memref<8x128xi32, #tpu.memory_space<vmem>>) target_semaphore(%run_scoped3A : memref<!tpu.dma_semaphore, #tpu.memory_space<semaphore_mem>>)
      %dma_wait3A_57 = arith.constant 0 : i32
      %dma_wait3A_58 = arith.constant 0 : i32
      %dma_wait3A_59 = tpu.memref_slice %arg7[%dma_wait3A_57, %dma_wait3A_58] : memref<16x128xi32, #tpu.memory_space<vmem>> -> memref<8x128xi32, #tpu.memory_space<vmem>>
      %dma_wait3A_60 = arith.constant 0 : i32
      %dma_wait3A_61 = tpu.memref_slice %arg3[%select_n3A_8, %dma_wait3A_60] : memref<2560x128xi32, #tpu.memory_space<hbm>> -> memref<8x128xi32, #tpu.memory_space<hbm>>
      %dma_wait3A_62 = arith.constant 0 : i32
      %dma_wait3A_63 = arith.constant 0 : i32
      %dma_wait3A_64 = tpu.memref_slice %arg7[%dma_wait3A_62, %dma_wait3A_63] : memref<16x128xi32, #tpu.memory_space<vmem>> -> memref<8x128xi32, #tpu.memory_space<vmem>>
      %dma_wait3A_65 = arith.constant 0 : i32
      %dma_wait3A_66 = tpu.memref_slice %arg3[%select_n3A_8, %dma_wait3A_65] : memref<2560x128xi32, #tpu.memory_space<hbm>> -> memref<8x128xi32, #tpu.memory_space<hbm>>
      tpu.wait_dma2 semaphore(%run_scoped3A : memref<!tpu.dma_semaphore, #tpu.memory_space<semaphore_mem>>) src(%dma_wait3A_66 : memref<8x128xi32, #tpu.memory_space<hbm>>) dst(%dma_wait3A_64 : memref<8x128xi32, #tpu.memory_space<vmem>>)
      tpu.yield
    }) : () -> ()
    "tpu.region"() ({
      %run_scoped3A = tpu.sem_alloc : memref<!tpu.dma_semaphore, #tpu.memory_space<semaphore_mem>>
      %dma_start3A_47 = arith.constant 0 : i32
      %dma_start3A_48 = arith.constant 0 : i32
      %dma_start3A_49 = tpu.memref_slice %arg8[%dma_start3A_47, %dma_start3A_48] : memref<16x128xi32, #tpu.memory_space<vmem>> -> memref<8x128xi32, #tpu.memory_space<vmem>>
      %dma_start3A_50 = arith.constant 0 : i32
      %dma_start3A_51 = tpu.memref_slice %arg4[%select_n3A_8, %dma_start3A_50] : memref<2560x128xi32, #tpu.memory_space<hbm>> -> memref<8x128xi32, #tpu.memory_space<hbm>>
      %dma_start3A_52 = arith.constant 0 : i32
      %dma_start3A_53 = arith.constant 0 : i32
      %dma_start3A_54 = tpu.memref_slice %arg8[%dma_start3A_52, %dma_start3A_53] : memref<16x128xi32, #tpu.memory_space<vmem>> -> memref<8x128xi32, #tpu.memory_space<vmem>>
      %dma_start3A_55 = arith.constant 0 : i32
      %dma_start3A_56 = tpu.memref_slice %arg4[%select_n3A_8, %dma_start3A_55] : memref<2560x128xi32, #tpu.memory_space<hbm>> -> memref<8x128xi32, #tpu.memory_space<hbm>>
      tpu.enqueue_dma source(%dma_start3A_56 : memref<8x128xi32, #tpu.memory_space<hbm>>) target(%dma_start3A_54 : memref<8x128xi32, #tpu.memory_space<vmem>>) target_semaphore(%run_scoped3A : memref<!tpu.dma_semaphore, #tpu.memory_space<semaphore_mem>>)
      %dma_wait3A_57 = arith.constant 0 : i32
      %dma_wait3A_58 = arith.constant 0 : i32
      %dma_wait3A_59 = tpu.memref_slice %arg8[%dma_wait3A_57, %dma_wait3A_58] : memref<16x128xi32, #tpu.memory_space<vmem>> -> memref<8x128xi32, #tpu.memory_space<vmem>>
      %dma_wait3A_60 = arith.constant 0 : i32
      %dma_wait3A_61 = tpu.memref_slice %arg4[%select_n3A_8, %dma_wait3A_60] : memref<2560x128xi32, #tpu.memory_space<hbm>> -> memref<8x128xi32, #tpu.memory_space<hbm>>
      %dma_wait3A_62 = arith.constant 0 : i32
      %dma_wait3A_63 = arith.constant 0 : i32
      %dma_wait3A_64 = tpu.memref_slice %arg8[%dma_wait3A_62, %dma_wait3A_63] : memref<16x128xi32, #tpu.memory_space<vmem>> -> memref<8x128xi32, #tpu.memory_space<vmem>>
      %dma_wait3A_65 = arith.constant 0 : i32
      %dma_wait3A_66 = tpu.memref_slice %arg4[%select_n3A_8, %dma_wait3A_65] : memref<2560x128xi32, #tpu.memory_space<hbm>> -> memref<8x128xi32, #tpu.memory_space<hbm>>
      tpu.wait_dma2 semaphore(%run_scoped3A : memref<!tpu.dma_semaphore, #tpu.memory_space<semaphore_mem>>) src(%dma_wait3A_66 : memref<8x128xi32, #tpu.memory_space<hbm>>) dst(%dma_wait3A_64 : memref<8x128xi32, #tpu.memory_space<vmem>>)
      tpu.yield
    }) : () -> ()
    %dma_wait3A = arith.constant 0 : i32
    %dma_wait3A_16 = tpu.memref_slice %arg11[%mul3A_12, %dma_wait3A] : memref<10240x128xf32, #tpu.memory_space<vmem_shared>> -> memref<640x128xf32, #tpu.memory_space<vmem_shared>>
    %dma_wait3A_17 = arith.constant 0 : i32
    %dma_wait3A_18 = tpu.memref_slice %arg5[%mul3A_10, %dma_wait3A_17] : memref<10240x128xf32, #tpu.memory_space<hbm>> -> memref<640x128xf32, #tpu.memory_space<hbm>>
    tpu.wait_dma2 semaphore(%arg12 : memref<!tpu.dma_semaphore, #tpu.memory_space<semaphore_mem>>) src(%dma_wait3A_18 : memref<640x128xf32, #tpu.memory_space<hbm>>) dst(%dma_wait3A_16 : memref<640x128xf32, #tpu.memory_space<vmem_shared>>)
    %barrier3A = arith.constant 0 : index
    tpu.barrier barrier_id(%barrier3A)
    %dma_start3A_19 = arith.constant 0 : i32
    %dma_start3A_20 = arith.constant 0 : i32
    %dma_start3A_21 = tpu.memref_slice %arg7[%dma_start3A_19, %dma_start3A_20] : memref<16x128xi32, #tpu.memory_space<vmem>> -> memref<1x128xi32, #tpu.memory_space<vmem>>
    %dma_start3A_22 = tpu.memref_squeeze %dma_start3A_21 : memref<1x128xi32, #tpu.memory_space<vmem>> -> memref<128xi32, #tpu.memory_space<vmem>>
    %dma_start3A_23 = arith.constant 0 : i32
    %dma_start3A_24 = arith.constant 0 : i32
    %dma_start3A_25 = tpu.memref_slice %arg2[%dma_start3A_23, %dma_start3A_24] : memref<10240x128xf32, #tpu.memory_space<hbm>> -> memref<10240x128xf32, #tpu.memory_space<hbm>>
    tpu.enqueue_indirect_dma source(%dma_start3A_25 : memref<10240x128xf32, #tpu.memory_space<hbm>>) target(%arg9 : memref<128x128xf32, #tpu.memory_space<vmem>>) offsets(%dma_start3A_22 : memref<128xi32, #tpu.memory_space<vmem>>) semaphore(%arg13 : memref<!tpu.dma_semaphore, #tpu.memory_space<semaphore_mem>>)
    %sub3A = arith.constant 0 : i32
    %sub3A_26 = arith.subi %select_n3A, %sub3A : i32
    %sub3A_27 = arith.constant 1 : i32
    %sub3A_28 = arith.constant 1 : i32
    %sub3A_29 = arith.subi %sub3A_27, %sub3A_28 : i32
    %add3A_30 = arith.addi %sub3A_26, %sub3A_29 : i32
    %div3A = arith.constant 1 : i32
    %div3A_31 = arith.divsi %add3A_30, %div3A : i32
    %while3A = arith.constant 1 : i32
    %while3A_32 = arith.constant 0 : i32
    %while3A_33 = arith.constant 0 : i32
    %while3A_34 = arith.subi %div3A_31, %while3A_33 : i32
    %while3A_35 = arith.addi %while3A_33, %while3A_34 : i32
    %while3A_36 = arith.constant 1 : i32
    %while3A_37 = arith.divsi %while3A_34, %while3A_36 : i32
    %while3A_38 = arith.muli %while3A_37, %while3A_36 : i32
    %while3A_39 = arith.addi %while3A_33, %while3A_38 : i32
    %while3A_40 = arith.constant 1 : i32
    scf.for %while3A_47 = %while3A_33 to %while3A_39 step %while3A_40  : i32 {
      %mul3A_48 = arith.muli %while3A_47, %while3A : i32
      %add3A_49 = arith.addi %while3A_32, %mul3A_48 : i32
      %rem3A = arith.constant 2 : i32
      %rem3A_50 = arith.remsi %add3A_49, %rem3A : i32
      %mul3A_51 = arith.constant 8 : i32
      %mul3A_52 = arith.muli %rem3A_50, %mul3A_51 : i32
      %sub3A_53 = arith.constant 1 : i32
      %sub3A_54 = arith.subi %sub3A_53, %rem3A_50 : i32
      %mul3A_55 = arith.constant 8 : i32
      %mul3A_56 = arith.muli %sub3A_54, %mul3A_55 : i32
      %add3A_57 = arith.constant 1 : i32
      %add3A_58 = arith.addi %add3A_49, %add3A_57 : i32
      %lt3A = arith.cmpi slt, %add3A_58, %select_n3A : i32
      %convert_element_type3A = arith.extui %lt3A : i1 to i32
      %cond3A = arith.constant 0 : i32
      %cond3A_59 = arith.cmpi ne, %convert_element_type3A, %cond3A : i32
      scf.if %cond3A_59 {
        %add3A_70 = arith.constant 1 : i32
        %add3A_71 = arith.addi %add3A_49, %add3A_70 : i32
        %mul3A_72 = arith.constant 8 : i32
        %mul3A_73 = arith.muli %add3A_71, %mul3A_72 : i32
        %add3A_74 = arith.addi %select_n3A_8, %mul3A_73 : i32
        %dma_start3A_75 = arith.constant 0 : i32
        %dma_start3A_76 = tpu.memref_slice %arg7[%mul3A_56, %dma_start3A_75] : memref<16x128xi32, #tpu.memory_space<vmem>> -> memref<8x128xi32, #tpu.memory_space<vmem>>
        %dma_start3A_77 = arith.constant 0 : i32
        %dma_start3A_78 = tpu.memref_slice %arg3[%add3A_74, %dma_start3A_77] : memref<2560x128xi32, #tpu.memory_space<hbm>> -> memref<8x128xi32, #tpu.memory_space<hbm>>
        %dma_start3A_79 = arith.constant 0 : i32
        %dma_start3A_80 = tpu.memref_slice %arg7[%mul3A_56, %dma_start3A_79] : memref<16x128xi32, #tpu.memory_space<vmem>> -> memref<8x128xi32, #tpu.memory_space<vmem>>
        %dma_start3A_81 = arith.constant 0 : i32
        %dma_start3A_82 = tpu.memref_slice %arg3[%add3A_74, %dma_start3A_81] : memref<2560x128xi32, #tpu.memory_space<hbm>> -> memref<8x128xi32, #tpu.memory_space<hbm>>
        tpu.enqueue_dma source(%dma_start3A_82 : memref<8x128xi32, #tpu.memory_space<hbm>>) target(%dma_start3A_80 : memref<8x128xi32, #tpu.memory_space<vmem>>) target_semaphore(%arg15 : memref<!tpu.dma_semaphore, #tpu.memory_space<semaphore_mem>>)
        %add3A_83 = arith.constant 1 : i32
        %add3A_84 = arith.addi %add3A_49, %add3A_83 : i32
        %mul3A_85 = arith.constant 8 : i32
        %mul3A_86 = arith.muli %add3A_84, %mul3A_85 : i32
        %add3A_87 = arith.addi %select_n3A_8, %mul3A_86 : i32
        %dma_start3A_88 = arith.constant 0 : i32
        %dma_start3A_89 = tpu.memref_slice %arg8[%mul3A_56, %dma_start3A_88] : memref<16x128xi32, #tpu.memory_space<vmem>> -> memref<8x128xi32, #tpu.memory_space<vmem>>
        %dma_start3A_90 = arith.constant 0 : i32
        %dma_start3A_91 = tpu.memref_slice %arg4[%add3A_87, %dma_start3A_90] : memref<2560x128xi32, #tpu.memory_space<hbm>> -> memref<8x128xi32, #tpu.memory_space<hbm>>
        %dma_start3A_92 = arith.constant 0 : i32
        %dma_start3A_93 = tpu.memref_slice %arg8[%mul3A_56, %dma_start3A_92] : memref<16x128xi32, #tpu.memory_space<vmem>> -> memref<8x128xi32, #tpu.memory_space<vmem>>
        %dma_start3A_94 = arith.constant 0 : i32
        %dma_start3A_95 = tpu.memref_slice %arg4[%add3A_87, %dma_start3A_94] : memref<2560x128xi32, #tpu.memory_space<hbm>> -> memref<8x128xi32, #tpu.memory_space<hbm>>
        tpu.enqueue_dma source(%dma_start3A_95 : memref<8x128xi32, #tpu.memory_space<hbm>>) target(%dma_start3A_93 : memref<8x128xi32, #tpu.memory_space<vmem>>) target_semaphore(%arg16 : memref<!tpu.dma_semaphore, #tpu.memory_space<semaphore_mem>>)
      } else {
      }
      %scan3A = arith.constant 0 : i32
      %scan3A_60 = arith.constant 4 : i32
      %scan3A_61 = arith.addi %scan3A, %scan3A_60 : i32
      %scan3A_62 = arith.constant 1 : i32
      scf.for %scan3A_70 = %scan3A to %scan3A_61 step %scan3A_62  : i32 {
        %mul3A_71 = arith.constant 2 : i32
        %mul3A_72 = arith.muli %scan3A_70, %mul3A_71 : i32
        %add3A_73 = arith.constant 0 : i32
        %add3A_74 = arith.addi %add3A_73, %mul3A_72 : i32
        %add3A_75 = arith.addi %mul3A_52, %add3A_74 : i32
        %dma_wait3A_76 = arith.constant 0 : i32
        %dma_wait3A_77 = tpu.memref_slice %arg7[%add3A_75, %dma_wait3A_76] : memref<16x128xi32, #tpu.memory_space<vmem>> -> memref<1x128xi32, #tpu.memory_space<vmem>>
        %dma_wait3A_78 = tpu.memref_squeeze %dma_wait3A_77 : memref<1x128xi32, #tpu.memory_space<vmem>> -> memref<128xi32, #tpu.memory_space<vmem>>
        %dma_wait3A_79 = arith.constant 0 : i32
        %dma_wait3A_80 = arith.constant 0 : i32
        %dma_wait3A_81 = tpu.memref_slice %arg2[%dma_wait3A_79, %dma_wait3A_80] : memref<10240x128xf32, #tpu.memory_space<hbm>> -> memref<10240x128xf32, #tpu.memory_space<hbm>>
        tpu.wait_indirect_dma semaphore(%arg13 : memref<!tpu.dma_semaphore, #tpu.memory_space<semaphore_mem>>) src(%dma_wait3A_81 : memref<10240x128xf32, #tpu.memory_space<hbm>>) dst(%arg9 : memref<128x128xf32, #tpu.memory_space<vmem>>)
        %add3A_82 = arith.addi %mul3A_52, %add3A_74 : i32
        %add3A_83 = arith.constant 1 : i32
        %add3A_84 = arith.addi %add3A_82, %add3A_83 : i32
        %dma_start3A_85 = arith.constant 0 : i32
        %dma_start3A_86 = tpu.memref_slice %arg7[%add3A_84, %dma_start3A_85] : memref<16x128xi32, #tpu.memory_space<vmem>> -> memref<1x128xi32, #tpu.memory_space<vmem>>
        %dma_start3A_87 = tpu.memref_squeeze %dma_start3A_86 : memref<1x128xi32, #tpu.memory_space<vmem>> -> memref<128xi32, #tpu.memory_space<vmem>>
        %dma_start3A_88 = arith.constant 0 : i32
        %dma_start3A_89 = arith.constant 0 : i32
        %dma_start3A_90 = tpu.memref_slice %arg2[%dma_start3A_88, %dma_start3A_89] : memref<10240x128xf32, #tpu.memory_space<hbm>> -> memref<10240x128xf32, #tpu.memory_space<hbm>>
        tpu.enqueue_indirect_dma source(%dma_start3A_90 : memref<10240x128xf32, #tpu.memory_space<hbm>>) target(%arg10 : memref<128x128xf32, #tpu.memory_space<vmem>>) offsets(%dma_start3A_87 : memref<128xi32, #tpu.memory_space<vmem>>) semaphore(%arg14 : memref<!tpu.dma_semaphore, #tpu.memory_space<semaphore_mem>>)
        %add3A_91 = arith.addi %mul3A_52, %add3A_74 : i32
        "tpu.region"() ({
          %run_scoped3A = tpu.sem_alloc : memref<!tpu.dma_semaphore, #tpu.memory_space<semaphore_mem>>
          %dma_start3A_111 = arith.constant 0 : i32
          %dma_start3A_112 = tpu.memref_slice %arg8[%add3A_91, %dma_start3A_111] : memref<16x128xi32, #tpu.memory_space<vmem>> -> memref<1x128xi32, #tpu.memory_space<vmem>>
          %dma_start3A_113 = tpu.memref_squeeze %dma_start3A_112 : memref<1x128xi32, #tpu.memory_space<vmem>> -> memref<128xi32, #tpu.memory_space<vmem>>
          %dma_start3A_114 = arith.constant 0 : i32
          %dma_start3A_115 = arith.constant 0 : i32
          %dma_start3A_116 = tpu.memref_slice %arg11[%dma_start3A_114, %dma_start3A_115] : memref<10240x128xf32, #tpu.memory_space<vmem_shared>> -> memref<10240x128xf32, #tpu.memory_space<vmem_shared>>
          tpu.enqueue_indirect_dma source(%arg9 : memref<128x128xf32, #tpu.memory_space<vmem>>) target(%dma_start3A_116 : memref<10240x128xf32, #tpu.memory_space<vmem_shared>>) offsets(%dma_start3A_113 : memref<128xi32, #tpu.memory_space<vmem>>) semaphore(%run_scoped3A : memref<!tpu.dma_semaphore, #tpu.memory_space<semaphore_mem>>) {add = true}
          %dma_wait3A_117 = arith.constant 0 : i32
          %dma_wait3A_118 = tpu.memref_slice %arg8[%add3A_91, %dma_wait3A_117] : memref<16x128xi32, #tpu.memory_space<vmem>> -> memref<1x128xi32, #tpu.memory_space<vmem>>
          %dma_wait3A_119 = tpu.memref_squeeze %dma_wait3A_118 : memref<1x128xi32, #tpu.memory_space<vmem>> -> memref<128xi32, #tpu.memory_space<vmem>>
          %dma_wait3A_120 = arith.constant 0 : i32
          %dma_wait3A_121 = arith.constant 0 : i32
          %dma_wait3A_122 = tpu.memref_slice %arg11[%dma_wait3A_120, %dma_wait3A_121] : memref<10240x128xf32, #tpu.memory_space<vmem_shared>> -> memref<10240x128xf32, #tpu.memory_space<vmem_shared>>
          tpu.wait_indirect_dma semaphore(%run_scoped3A : memref<!tpu.dma_semaphore, #tpu.memory_space<semaphore_mem>>) src(%arg9 : memref<128x128xf32, #tpu.memory_space<vmem>>) dst(%dma_wait3A_122 : memref<10240x128xf32, #tpu.memory_space<vmem_shared>>)
          tpu.yield
        }) : () -> ()
        %add3A_92 = arith.addi %mul3A_52, %add3A_74 : i32
        %add3A_93 = arith.constant 1 : i32
        %add3A_94 = arith.addi %add3A_92, %add3A_93 : i32
        %dma_wait3A_95 = arith.constant 0 : i32
        %dma_wait3A_96 = tpu.memref_slice %arg7[%add3A_94, %dma_wait3A_95] : memref<16x128xi32, #tpu.memory_space<vmem>> -> memref<1x128xi32, #tpu.memory_space<vmem>>
        %dma_wait3A_97 = tpu.memref_squeeze %dma_wait3A_96 : memref<1x128xi32, #tpu.memory_space<vmem>> -> memref<128xi32, #tpu.memory_space<vmem>>
        %dma_wait3A_98 = arith.constant 0 : i32
        %dma_wait3A_99 = arith.constant 0 : i32
        %dma_wait3A_100 = tpu.memref_slice %arg2[%dma_wait3A_98, %dma_wait3A_99] : memref<10240x128xf32, #tpu.memory_space<hbm>> -> memref<10240x128xf32, #tpu.memory_space<hbm>>
        tpu.wait_indirect_dma semaphore(%arg14 : memref<!tpu.dma_semaphore, #tpu.memory_space<semaphore_mem>>) src(%dma_wait3A_100 : memref<10240x128xf32, #tpu.memory_space<hbm>>) dst(%arg10 : memref<128x128xf32, #tpu.memory_space<vmem>>)
        %add3A_101 = arith.constant 2 : i32
        %add3A_102 = arith.addi %add3A_74, %add3A_101 : i32
        %lt3A_103 = arith.constant 8 : i32
        %lt3A_104 = arith.cmpi slt, %add3A_102, %lt3A_103 : i32
        %convert_element_type3A_105 = arith.extui %lt3A_104 : i1 to i32
        %cond3A_106 = arith.constant 0 : i32
        %cond3A_107 = arith.cmpi ne, %convert_element_type3A_105, %cond3A_106 : i32
        scf.if %cond3A_107 {
          %add3A_111 = arith.addi %mul3A_52, %add3A_74 : i32
          %add3A_112 = arith.constant 2 : i32
          %add3A_113 = arith.addi %add3A_111, %add3A_112 : i32
          %dma_start3A_114 = arith.constant 0 : i32
          %dma_start3A_115 = tpu.memref_slice %arg7[%add3A_113, %dma_start3A_114] : memref<16x128xi32, #tpu.memory_space<vmem>> -> memref<1x128xi32, #tpu.memory_space<vmem>>
          %dma_start3A_116 = tpu.memref_squeeze %dma_start3A_115 : memref<1x128xi32, #tpu.memory_space<vmem>> -> memref<128xi32, #tpu.memory_space<vmem>>
          %dma_start3A_117 = arith.constant 0 : i32
          %dma_start3A_118 = arith.constant 0 : i32
          %dma_start3A_119 = tpu.memref_slice %arg2[%dma_start3A_117, %dma_start3A_118] : memref<10240x128xf32, #tpu.memory_space<hbm>> -> memref<10240x128xf32, #tpu.memory_space<hbm>>
          tpu.enqueue_indirect_dma source(%dma_start3A_119 : memref<10240x128xf32, #tpu.memory_space<hbm>>) target(%arg9 : memref<128x128xf32, #tpu.memory_space<vmem>>) offsets(%dma_start3A_116 : memref<128xi32, #tpu.memory_space<vmem>>) semaphore(%arg13 : memref<!tpu.dma_semaphore, #tpu.memory_space<semaphore_mem>>)
        } else {
        }
        %add3A_108 = arith.addi %mul3A_52, %add3A_74 : i32
        %add3A_109 = arith.constant 1 : i32
        %add3A_110 = arith.addi %add3A_108, %add3A_109 : i32
        "tpu.region"() ({
          %run_scoped3A = tpu.sem_alloc : memref<!tpu.dma_semaphore, #tpu.memory_space<semaphore_mem>>
          %dma_start3A_111 = arith.constant 0 : i32
          %dma_start3A_112 = tpu.memref_slice %arg8[%add3A_110, %dma_start3A_111] : memref<16x128xi32, #tpu.memory_space<vmem>> -> memref<1x128xi32, #tpu.memory_space<vmem>>
          %dma_start3A_113 = tpu.memref_squeeze %dma_start3A_112 : memref<1x128xi32, #tpu.memory_space<vmem>> -> memref<128xi32, #tpu.memory_space<vmem>>
          %dma_start3A_114 = arith.constant 0 : i32
          %dma_start3A_115 = arith.constant 0 : i32
          %dma_start3A_116 = tpu.memref_slice %arg11[%dma_start3A_114, %dma_start3A_115] : memref<10240x128xf32, #tpu.memory_space<vmem_shared>> -> memref<10240x128xf32, #tpu.memory_space<vmem_shared>>
          tpu.enqueue_indirect_dma source(%arg10 : memref<128x128xf32, #tpu.memory_space<vmem>>) target(%dma_start3A_116 : memref<10240x128xf32, #tpu.memory_space<vmem_shared>>) offsets(%dma_start3A_113 : memref<128xi32, #tpu.memory_space<vmem>>) semaphore(%run_scoped3A : memref<!tpu.dma_semaphore, #tpu.memory_space<semaphore_mem>>) {add = true}
          %dma_wait3A_117 = arith.constant 0 : i32
          %dma_wait3A_118 = tpu.memref_slice %arg8[%add3A_110, %dma_wait3A_117] : memref<16x128xi32, #tpu.memory_space<vmem>> -> memref<1x128xi32, #tpu.memory_space<vmem>>
          %dma_wait3A_119 = tpu.memref_squeeze %dma_wait3A_118 : memref<1x128xi32, #tpu.memory_space<vmem>> -> memref<128xi32, #tpu.memory_space<vmem>>
          %dma_wait3A_120 = arith.constant 0 : i32
          %dma_wait3A_121 = arith.constant 0 : i32
          %dma_wait3A_122 = tpu.memref_slice %arg11[%dma_wait3A_120, %dma_wait3A_121] : memref<10240x128xf32, #tpu.memory_space<vmem_shared>> -> memref<10240x128xf32, #tpu.memory_space<vmem_shared>>
          tpu.wait_indirect_dma semaphore(%run_scoped3A : memref<!tpu.dma_semaphore, #tpu.memory_space<semaphore_mem>>) src(%arg10 : memref<128x128xf32, #tpu.memory_space<vmem>>) dst(%dma_wait3A_122 : memref<10240x128xf32, #tpu.memory_space<vmem_shared>>)
          tpu.yield
        }) : () -> ()
      }
      %scan3A_63 = arith.constant 4 : i32
      %add3A_64 = arith.constant 1 : i32
      %add3A_65 = arith.addi %add3A_49, %add3A_64 : i32
      %lt3A_66 = arith.cmpi slt, %add3A_65, %select_n3A : i32
      %convert_element_type3A_67 = arith.extui %lt3A_66 : i1 to i32
      %cond3A_68 = arith.constant 0 : i32
      %cond3A_69 = arith.cmpi ne, %convert_element_type3A_67, %cond3A_68 : i32
      scf.if %cond3A_69 {
        %add3A_70 = arith.constant 1 : i32
        %add3A_71 = arith.addi %add3A_49, %add3A_70 : i32
        %mul3A_72 = arith.constant 8 : i32
        %mul3A_73 = arith.muli %add3A_71, %mul3A_72 : i32
        %add3A_74 = arith.addi %select_n3A_8, %mul3A_73 : i32
        %dma_wait3A_75 = arith.constant 0 : i32
        %dma_wait3A_76 = tpu.memref_slice %arg7[%mul3A_56, %dma_wait3A_75] : memref<16x128xi32, #tpu.memory_space<vmem>> -> memref<8x128xi32, #tpu.memory_space<vmem>>
        %dma_wait3A_77 = arith.constant 0 : i32
        %dma_wait3A_78 = tpu.memref_slice %arg3[%add3A_74, %dma_wait3A_77] : memref<2560x128xi32, #tpu.memory_space<hbm>> -> memref<8x128xi32, #tpu.memory_space<hbm>>
        %dma_wait3A_79 = arith.constant 0 : i32
        %dma_wait3A_80 = tpu.memref_slice %arg7[%mul3A_56, %dma_wait3A_79] : memref<16x128xi32, #tpu.memory_space<vmem>> -> memref<8x128xi32, #tpu.memory_space<vmem>>
        %dma_wait3A_81 = arith.constant 0 : i32
        %dma_wait3A_82 = tpu.memref_slice %arg3[%add3A_74, %dma_wait3A_81] : memref<2560x128xi32, #tpu.memory_space<hbm>> -> memref<8x128xi32, #tpu.memory_space<hbm>>
        tpu.wait_dma2 semaphore(%arg15 : memref<!tpu.dma_semaphore, #tpu.memory_space<semaphore_mem>>) src(%dma_wait3A_82 : memref<8x128xi32, #tpu.memory_space<hbm>>) dst(%dma_wait3A_80 : memref<8x128xi32, #tpu.memory_space<vmem>>)
        %add3A_83 = arith.constant 1 : i32
        %add3A_84 = arith.addi %add3A_49, %add3A_83 : i32
        %mul3A_85 = arith.constant 8 : i32
        %mul3A_86 = arith.muli %add3A_84, %mul3A_85 : i32
        %add3A_87 = arith.addi %select_n3A_8, %mul3A_86 : i32
        %dma_wait3A_88 = arith.constant 0 : i32
        %dma_wait3A_89 = tpu.memref_slice %arg8[%mul3A_56, %dma_wait3A_88] : memref<16x128xi32, #tpu.memory_space<vmem>> -> memref<8x128xi32, #tpu.memory_space<vmem>>
        %dma_wait3A_90 = arith.constant 0 : i32
        %dma_wait3A_91 = tpu.memref_slice %arg4[%add3A_87, %dma_wait3A_90] : memref<2560x128xi32, #tpu.memory_space<hbm>> -> memref<8x128xi32, #tpu.memory_space<hbm>>
        %dma_wait3A_92 = arith.constant 0 : i32
        %dma_wait3A_93 = tpu.memref_slice %arg8[%mul3A_56, %dma_wait3A_92] : memref<16x128xi32, #tpu.memory_space<vmem>> -> memref<8x128xi32, #tpu.memory_space<vmem>>
        %dma_wait3A_94 = arith.constant 0 : i32
        %dma_wait3A_95 = tpu.memref_slice %arg4[%add3A_87, %dma_wait3A_94] : memref<2560x128xi32, #tpu.memory_space<hbm>> -> memref<8x128xi32, #tpu.memory_space<hbm>>
        tpu.wait_dma2 semaphore(%arg16 : memref<!tpu.dma_semaphore, #tpu.memory_space<semaphore_mem>>) src(%dma_wait3A_95 : memref<8x128xi32, #tpu.memory_space<hbm>>) dst(%dma_wait3A_93 : memref<8x128xi32, #tpu.memory_space<vmem>>)
        %dma_start3A_96 = arith.constant 0 : i32
        %dma_start3A_97 = tpu.memref_slice %arg7[%mul3A_56, %dma_start3A_96] : memref<16x128xi32, #tpu.memory_space<vmem>> -> memref<1x128xi32, #tpu.memory_space<vmem>>
        %dma_start3A_98 = tpu.memref_squeeze %dma_start3A_97 : memref<1x128xi32, #tpu.memory_space<vmem>> -> memref<128xi32, #tpu.memory_space<vmem>>
        %dma_start3A_99 = arith.constant 0 : i32
        %dma_start3A_100 = arith.constant 0 : i32
        %dma_start3A_101 = tpu.memref_slice %arg2[%dma_start3A_99, %dma_start3A_100] : memref<10240x128xf32, #tpu.memory_space<hbm>> -> memref<10240x128xf32, #tpu.memory_space<hbm>>
        tpu.enqueue_indirect_dma source(%dma_start3A_101 : memref<10240x128xf32, #tpu.memory_space<hbm>>) target(%arg9 : memref<128x128xf32, #tpu.memory_space<vmem>>) offsets(%dma_start3A_98 : memref<128xi32, #tpu.memory_space<vmem>>) semaphore(%arg13 : memref<!tpu.dma_semaphore, #tpu.memory_space<semaphore_mem>>)
      } else {
      }
    }
    %while3A_41 = arith.constant 1 : i32
    scf.for %while3A_47 = %while3A_39 to %while3A_35 step %while3A_41  : i32 {
      %mul3A_48 = arith.muli %while3A_47, %while3A : i32
      %add3A_49 = arith.addi %while3A_32, %mul3A_48 : i32
      %rem3A = arith.constant 2 : i32
      %rem3A_50 = arith.remsi %add3A_49, %rem3A : i32
      %mul3A_51 = arith.constant 8 : i32
      %mul3A_52 = arith.muli %rem3A_50, %mul3A_51 : i32
      %sub3A_53 = arith.constant 1 : i32
      %sub3A_54 = arith.subi %sub3A_53, %rem3A_50 : i32
      %mul3A_55 = arith.constant 8 : i32
      %mul3A_56 = arith.muli %sub3A_54, %mul3A_55 : i32
      %add3A_57 = arith.constant 1 : i32
      %add3A_58 = arith.addi %add3A_49, %add3A_57 : i32
      %lt3A = arith.cmpi slt, %add3A_58, %select_n3A : i32
      %convert_element_type3A = arith.extui %lt3A : i1 to i32
      %cond3A = arith.constant 0 : i32
      %cond3A_59 = arith.cmpi ne, %convert_element_type3A, %cond3A : i32
      scf.if %cond3A_59 {
        %add3A_70 = arith.constant 1 : i32
        %add3A_71 = arith.addi %add3A_49, %add3A_70 : i32
        %mul3A_72 = arith.constant 8 : i32
        %mul3A_73 = arith.muli %add3A_71, %mul3A_72 : i32
        %add3A_74 = arith.addi %select_n3A_8, %mul3A_73 : i32
        %dma_start3A_75 = arith.constant 0 : i32
        %dma_start3A_76 = tpu.memref_slice %arg7[%mul3A_56, %dma_start3A_75] : memref<16x128xi32, #tpu.memory_space<vmem>> -> memref<8x128xi32, #tpu.memory_space<vmem>>
        %dma_start3A_77 = arith.constant 0 : i32
        %dma_start3A_78 = tpu.memref_slice %arg3[%add3A_74, %dma_start3A_77] : memref<2560x128xi32, #tpu.memory_space<hbm>> -> memref<8x128xi32, #tpu.memory_space<hbm>>
        %dma_start3A_79 = arith.constant 0 : i32
        %dma_start3A_80 = tpu.memref_slice %arg7[%mul3A_56, %dma_start3A_79] : memref<16x128xi32, #tpu.memory_space<vmem>> -> memref<8x128xi32, #tpu.memory_space<vmem>>
        %dma_start3A_81 = arith.constant 0 : i32
        %dma_start3A_82 = tpu.memref_slice %arg3[%add3A_74, %dma_start3A_81] : memref<2560x128xi32, #tpu.memory_space<hbm>> -> memref<8x128xi32, #tpu.memory_space<hbm>>
        tpu.enqueue_dma source(%dma_start3A_82 : memref<8x128xi32, #tpu.memory_space<hbm>>) target(%dma_start3A_80 : memref<8x128xi32, #tpu.memory_space<vmem>>) target_semaphore(%arg15 : memref<!tpu.dma_semaphore, #tpu.memory_space<semaphore_mem>>)
        %add3A_83 = arith.constant 1 : i32
        %add3A_84 = arith.addi %add3A_49, %add3A_83 : i32
        %mul3A_85 = arith.constant 8 : i32
        %mul3A_86 = arith.muli %add3A_84, %mul3A_85 : i32
        %add3A_87 = arith.addi %select_n3A_8, %mul3A_86 : i32
        %dma_start3A_88 = arith.constant 0 : i32
        %dma_start3A_89 = tpu.memref_slice %arg8[%mul3A_56, %dma_start3A_88] : memref<16x128xi32, #tpu.memory_space<vmem>> -> memref<8x128xi32, #tpu.memory_space<vmem>>
        %dma_start3A_90 = arith.constant 0 : i32
        %dma_start3A_91 = tpu.memref_slice %arg4[%add3A_87, %dma_start3A_90] : memref<2560x128xi32, #tpu.memory_space<hbm>> -> memref<8x128xi32, #tpu.memory_space<hbm>>
        %dma_start3A_92 = arith.constant 0 : i32
        %dma_start3A_93 = tpu.memref_slice %arg8[%mul3A_56, %dma_start3A_92] : memref<16x128xi32, #tpu.memory_space<vmem>> -> memref<8x128xi32, #tpu.memory_space<vmem>>
        %dma_start3A_94 = arith.constant 0 : i32
        %dma_start3A_95 = tpu.memref_slice %arg4[%add3A_87, %dma_start3A_94] : memref<2560x128xi32, #tpu.memory_space<hbm>> -> memref<8x128xi32, #tpu.memory_space<hbm>>
        tpu.enqueue_dma source(%dma_start3A_95 : memref<8x128xi32, #tpu.memory_space<hbm>>) target(%dma_start3A_93 : memref<8x128xi32, #tpu.memory_space<vmem>>) target_semaphore(%arg16 : memref<!tpu.dma_semaphore, #tpu.memory_space<semaphore_mem>>)
      } else {
      }
      %scan3A = arith.constant 0 : i32
      %scan3A_60 = arith.constant 4 : i32
      %scan3A_61 = arith.addi %scan3A, %scan3A_60 : i32
      %scan3A_62 = arith.constant 1 : i32
      scf.for %scan3A_70 = %scan3A to %scan3A_61 step %scan3A_62  : i32 {
        %mul3A_71 = arith.constant 2 : i32
        %mul3A_72 = arith.muli %scan3A_70, %mul3A_71 : i32
        %add3A_73 = arith.constant 0 : i32
        %add3A_74 = arith.addi %add3A_73, %mul3A_72 : i32
        %add3A_75 = arith.addi %mul3A_52, %add3A_74 : i32
        %dma_wait3A_76 = arith.constant 0 : i32
        %dma_wait3A_77 = tpu.memref_slice %arg7[%add3A_75, %dma_wait3A_76] : memref<16x128xi32, #tpu.memory_space<vmem>> -> memref<1x128xi32, #tpu.memory_space<vmem>>
        %dma_wait3A_78 = tpu.memref_squeeze %dma_wait3A_77 : memref<1x128xi32, #tpu.memory_space<vmem>> -> memref<128xi32, #tpu.memory_space<vmem>>
        %dma_wait3A_79 = arith.constant 0 : i32
        %dma_wait3A_80 = arith.constant 0 : i32
        %dma_wait3A_81 = tpu.memref_slice %arg2[%dma_wait3A_79, %dma_wait3A_80] : memref<10240x128xf32, #tpu.memory_space<hbm>> -> memref<10240x128xf32, #tpu.memory_space<hbm>>
        tpu.wait_indirect_dma semaphore(%arg13 : memref<!tpu.dma_semaphore, #tpu.memory_space<semaphore_mem>>) src(%dma_wait3A_81 : memref<10240x128xf32, #tpu.memory_space<hbm>>) dst(%arg9 : memref<128x128xf32, #tpu.memory_space<vmem>>)
        %add3A_82 = arith.addi %mul3A_52, %add3A_74 : i32
        %add3A_83 = arith.constant 1 : i32
        %add3A_84 = arith.addi %add3A_82, %add3A_83 : i32
        %dma_start3A_85 = arith.constant 0 : i32
        %dma_start3A_86 = tpu.memref_slice %arg7[%add3A_84, %dma_start3A_85] : memref<16x128xi32, #tpu.memory_space<vmem>> -> memref<1x128xi32, #tpu.memory_space<vmem>>
        %dma_start3A_87 = tpu.memref_squeeze %dma_start3A_86 : memref<1x128xi32, #tpu.memory_space<vmem>> -> memref<128xi32, #tpu.memory_space<vmem>>
        %dma_start3A_88 = arith.constant 0 : i32
        %dma_start3A_89 = arith.constant 0 : i32
        %dma_start3A_90 = tpu.memref_slice %arg2[%dma_start3A_88, %dma_start3A_89] : memref<10240x128xf32, #tpu.memory_space<hbm>> -> memref<10240x128xf32, #tpu.memory_space<hbm>>
        tpu.enqueue_indirect_dma source(%dma_start3A_90 : memref<10240x128xf32, #tpu.memory_space<hbm>>) target(%arg10 : memref<128x128xf32, #tpu.memory_space<vmem>>) offsets(%dma_start3A_87 : memref<128xi32, #tpu.memory_space<vmem>>) semaphore(%arg14 : memref<!tpu.dma_semaphore, #tpu.memory_space<semaphore_mem>>)
        %add3A_91 = arith.addi %mul3A_52, %add3A_74 : i32
        "tpu.region"() ({
          %run_scoped3A = tpu.sem_alloc : memref<!tpu.dma_semaphore, #tpu.memory_space<semaphore_mem>>
          %dma_start3A_111 = arith.constant 0 : i32
          %dma_start3A_112 = tpu.memref_slice %arg8[%add3A_91, %dma_start3A_111] : memref<16x128xi32, #tpu.memory_space<vmem>> -> memref<1x128xi32, #tpu.memory_space<vmem>>
          %dma_start3A_113 = tpu.memref_squeeze %dma_start3A_112 : memref<1x128xi32, #tpu.memory_space<vmem>> -> memref<128xi32, #tpu.memory_space<vmem>>
          %dma_start3A_114 = arith.constant 0 : i32
          %dma_start3A_115 = arith.constant 0 : i32
          %dma_start3A_116 = tpu.memref_slice %arg11[%dma_start3A_114, %dma_start3A_115] : memref<10240x128xf32, #tpu.memory_space<vmem_shared>> -> memref<10240x128xf32, #tpu.memory_space<vmem_shared>>
          tpu.enqueue_indirect_dma source(%arg9 : memref<128x128xf32, #tpu.memory_space<vmem>>) target(%dma_start3A_116 : memref<10240x128xf32, #tpu.memory_space<vmem_shared>>) offsets(%dma_start3A_113 : memref<128xi32, #tpu.memory_space<vmem>>) semaphore(%run_scoped3A : memref<!tpu.dma_semaphore, #tpu.memory_space<semaphore_mem>>) {add = true}
          %dma_wait3A_117 = arith.constant 0 : i32
          %dma_wait3A_118 = tpu.memref_slice %arg8[%add3A_91, %dma_wait3A_117] : memref<16x128xi32, #tpu.memory_space<vmem>> -> memref<1x128xi32, #tpu.memory_space<vmem>>
          %dma_wait3A_119 = tpu.memref_squeeze %dma_wait3A_118 : memref<1x128xi32, #tpu.memory_space<vmem>> -> memref<128xi32, #tpu.memory_space<vmem>>
          %dma_wait3A_120 = arith.constant 0 : i32
          %dma_wait3A_121 = arith.constant 0 : i32
          %dma_wait3A_122 = tpu.memref_slice %arg11[%dma_wait3A_120, %dma_wait3A_121] : memref<10240x128xf32, #tpu.memory_space<vmem_shared>> -> memref<10240x128xf32, #tpu.memory_space<vmem_shared>>
          tpu.wait_indirect_dma semaphore(%run_scoped3A : memref<!tpu.dma_semaphore, #tpu.memory_space<semaphore_mem>>) src(%arg9 : memref<128x128xf32, #tpu.memory_space<vmem>>) dst(%dma_wait3A_122 : memref<10240x128xf32, #tpu.memory_space<vmem_shared>>)
          tpu.yield
        }) : () -> ()
        %add3A_92 = arith.addi %mul3A_52, %add3A_74 : i32
        %add3A_93 = arith.constant 1 : i32
        %add3A_94 = arith.addi %add3A_92, %add3A_93 : i32
        %dma_wait3A_95 = arith.constant 0 : i32
        %dma_wait3A_96 = tpu.memref_slice %arg7[%add3A_94, %dma_wait3A_95] : memref<16x128xi32, #tpu.memory_space<vmem>> -> memref<1x128xi32, #tpu.memory_space<vmem>>
        %dma_wait3A_97 = tpu.memref_squeeze %dma_wait3A_96 : memref<1x128xi32, #tpu.memory_space<vmem>> -> memref<128xi32, #tpu.memory_space<vmem>>
        %dma_wait3A_98 = arith.constant 0 : i32
        %dma_wait3A_99 = arith.constant 0 : i32
        %dma_wait3A_100 = tpu.memref_slice %arg2[%dma_wait3A_98, %dma_wait3A_99] : memref<10240x128xf32, #tpu.memory_space<hbm>> -> memref<10240x128xf32, #tpu.memory_space<hbm>>
        tpu.wait_indirect_dma semaphore(%arg14 : memref<!tpu.dma_semaphore, #tpu.memory_space<semaphore_mem>>) src(%dma_wait3A_100 : memref<10240x128xf32, #tpu.memory_space<hbm>>) dst(%arg10 : memref<128x128xf32, #tpu.memory_space<vmem>>)
        %add3A_101 = arith.constant 2 : i32
        %add3A_102 = arith.addi %add3A_74, %add3A_101 : i32
        %lt3A_103 = arith.constant 8 : i32
        %lt3A_104 = arith.cmpi slt, %add3A_102, %lt3A_103 : i32
        %convert_element_type3A_105 = arith.extui %lt3A_104 : i1 to i32
        %cond3A_106 = arith.constant 0 : i32
        %cond3A_107 = arith.cmpi ne, %convert_element_type3A_105, %cond3A_106 : i32
        scf.if %cond3A_107 {
          %add3A_111 = arith.addi %mul3A_52, %add3A_74 : i32
          %add3A_112 = arith.constant 2 : i32
          %add3A_113 = arith.addi %add3A_111, %add3A_112 : i32
          %dma_start3A_114 = arith.constant 0 : i32
          %dma_start3A_115 = tpu.memref_slice %arg7[%add3A_113, %dma_start3A_114] : memref<16x128xi32, #tpu.memory_space<vmem>> -> memref<1x128xi32, #tpu.memory_space<vmem>>
          %dma_start3A_116 = tpu.memref_squeeze %dma_start3A_115 : memref<1x128xi32, #tpu.memory_space<vmem>> -> memref<128xi32, #tpu.memory_space<vmem>>
          %dma_start3A_117 = arith.constant 0 : i32
          %dma_start3A_118 = arith.constant 0 : i32
          %dma_start3A_119 = tpu.memref_slice %arg2[%dma_start3A_117, %dma_start3A_118] : memref<10240x128xf32, #tpu.memory_space<hbm>> -> memref<10240x128xf32, #tpu.memory_space<hbm>>
          tpu.enqueue_indirect_dma source(%dma_start3A_119 : memref<10240x128xf32, #tpu.memory_space<hbm>>) target(%arg9 : memref<128x128xf32, #tpu.memory_space<vmem>>) offsets(%dma_start3A_116 : memref<128xi32, #tpu.memory_space<vmem>>) semaphore(%arg13 : memref<!tpu.dma_semaphore, #tpu.memory_space<semaphore_mem>>)
        } else {
        }
        %add3A_108 = arith.addi %mul3A_52, %add3A_74 : i32
        %add3A_109 = arith.constant 1 : i32
        %add3A_110 = arith.addi %add3A_108, %add3A_109 : i32
        "tpu.region"() ({
          %run_scoped3A = tpu.sem_alloc : memref<!tpu.dma_semaphore, #tpu.memory_space<semaphore_mem>>
          %dma_start3A_111 = arith.constant 0 : i32
          %dma_start3A_112 = tpu.memref_slice %arg8[%add3A_110, %dma_start3A_111] : memref<16x128xi32, #tpu.memory_space<vmem>> -> memref<1x128xi32, #tpu.memory_space<vmem>>
          %dma_start3A_113 = tpu.memref_squeeze %dma_start3A_112 : memref<1x128xi32, #tpu.memory_space<vmem>> -> memref<128xi32, #tpu.memory_space<vmem>>
          %dma_start3A_114 = arith.constant 0 : i32
          %dma_start3A_115 = arith.constant 0 : i32
          %dma_start3A_116 = tpu.memref_slice %arg11[%dma_start3A_114, %dma_start3A_115] : memref<10240x128xf32, #tpu.memory_space<vmem_shared>> -> memref<10240x128xf32, #tpu.memory_space<vmem_shared>>
          tpu.enqueue_indirect_dma source(%arg10 : memref<128x128xf32, #tpu.memory_space<vmem>>) target(%dma_start3A_116 : memref<10240x128xf32, #tpu.memory_space<vmem_shared>>) offsets(%dma_start3A_113 : memref<128xi32, #tpu.memory_space<vmem>>) semaphore(%run_scoped3A : memref<!tpu.dma_semaphore, #tpu.memory_space<semaphore_mem>>) {add = true}
          %dma_wait3A_117 = arith.constant 0 : i32
          %dma_wait3A_118 = tpu.memref_slice %arg8[%add3A_110, %dma_wait3A_117] : memref<16x128xi32, #tpu.memory_space<vmem>> -> memref<1x128xi32, #tpu.memory_space<vmem>>
          %dma_wait3A_119 = tpu.memref_squeeze %dma_wait3A_118 : memref<1x128xi32, #tpu.memory_space<vmem>> -> memref<128xi32, #tpu.memory_space<vmem>>
          %dma_wait3A_120 = arith.constant 0 : i32
          %dma_wait3A_121 = arith.constant 0 : i32
          %dma_wait3A_122 = tpu.memref_slice %arg11[%dma_wait3A_120, %dma_wait3A_121] : memref<10240x128xf32, #tpu.memory_space<vmem_shared>> -> memref<10240x128xf32, #tpu.memory_space<vmem_shared>>
          tpu.wait_indirect_dma semaphore(%run_scoped3A : memref<!tpu.dma_semaphore, #tpu.memory_space<semaphore_mem>>) src(%arg10 : memref<128x128xf32, #tpu.memory_space<vmem>>) dst(%dma_wait3A_122 : memref<10240x128xf32, #tpu.memory_space<vmem_shared>>)
          tpu.yield
        }) : () -> ()
      }
      %scan3A_63 = arith.constant 4 : i32
      %add3A_64 = arith.constant 1 : i32
      %add3A_65 = arith.addi %add3A_49, %add3A_64 : i32
      %lt3A_66 = arith.cmpi slt, %add3A_65, %select_n3A : i32
      %convert_element_type3A_67 = arith.extui %lt3A_66 : i1 to i32
      %cond3A_68 = arith.constant 0 : i32
      %cond3A_69 = arith.cmpi ne, %convert_element_type3A_67, %cond3A_68 : i32
      scf.if %cond3A_69 {
        %add3A_70 = arith.constant 1 : i32
        %add3A_71 = arith.addi %add3A_49, %add3A_70 : i32
        %mul3A_72 = arith.constant 8 : i32
        %mul3A_73 = arith.muli %add3A_71, %mul3A_72 : i32
        %add3A_74 = arith.addi %select_n3A_8, %mul3A_73 : i32
        %dma_wait3A_75 = arith.constant 0 : i32
        %dma_wait3A_76 = tpu.memref_slice %arg7[%mul3A_56, %dma_wait3A_75] : memref<16x128xi32, #tpu.memory_space<vmem>> -> memref<8x128xi32, #tpu.memory_space<vmem>>
        %dma_wait3A_77 = arith.constant 0 : i32
        %dma_wait3A_78 = tpu.memref_slice %arg3[%add3A_74, %dma_wait3A_77] : memref<2560x128xi32, #tpu.memory_space<hbm>> -> memref<8x128xi32, #tpu.memory_space<hbm>>
        %dma_wait3A_79 = arith.constant 0 : i32
        %dma_wait3A_80 = tpu.memref_slice %arg7[%mul3A_56, %dma_wait3A_79] : memref<16x128xi32, #tpu.memory_space<vmem>> -> memref<8x128xi32, #tpu.memory_space<vmem>>
        %dma_wait3A_81 = arith.constant 0 : i32
        %dma_wait3A_82 = tpu.memref_slice %arg3[%add3A_74, %dma_wait3A_81] : memref<2560x128xi32, #tpu.memory_space<hbm>> -> memref<8x128xi32, #tpu.memory_space<hbm>>
        tpu.wait_dma2 semaphore(%arg15 : memref<!tpu.dma_semaphore, #tpu.memory_space<semaphore_mem>>) src(%dma_wait3A_82 : memref<8x128xi32, #tpu.memory_space<hbm>>) dst(%dma_wait3A_80 : memref<8x128xi32, #tpu.memory_space<vmem>>)
        %add3A_83 = arith.constant 1 : i32
        %add3A_84 = arith.addi %add3A_49, %add3A_83 : i32
        %mul3A_85 = arith.constant 8 : i32
        %mul3A_86 = arith.muli %add3A_84, %mul3A_85 : i32
        %add3A_87 = arith.addi %select_n3A_8, %mul3A_86 : i32
        %dma_wait3A_88 = arith.constant 0 : i32
        %dma_wait3A_89 = tpu.memref_slice %arg8[%mul3A_56, %dma_wait3A_88] : memref<16x128xi32, #tpu.memory_space<vmem>> -> memref<8x128xi32, #tpu.memory_space<vmem>>
        %dma_wait3A_90 = arith.constant 0 : i32
        %dma_wait3A_91 = tpu.memref_slice %arg4[%add3A_87, %dma_wait3A_90] : memref<2560x128xi32, #tpu.memory_space<hbm>> -> memref<8x128xi32, #tpu.memory_space<hbm>>
        %dma_wait3A_92 = arith.constant 0 : i32
        %dma_wait3A_93 = tpu.memref_slice %arg8[%mul3A_56, %dma_wait3A_92] : memref<16x128xi32, #tpu.memory_space<vmem>> -> memref<8x128xi32, #tpu.memory_space<vmem>>
        %dma_wait3A_94 = arith.constant 0 : i32
        %dma_wait3A_95 = tpu.memref_slice %arg4[%add3A_87, %dma_wait3A_94] : memref<2560x128xi32, #tpu.memory_space<hbm>> -> memref<8x128xi32, #tpu.memory_space<hbm>>
        tpu.wait_dma2 semaphore(%arg16 : memref<!tpu.dma_semaphore, #tpu.memory_space<semaphore_mem>>) src(%dma_wait3A_95 : memref<8x128xi32, #tpu.memory_space<hbm>>) dst(%dma_wait3A_93 : memref<8x128xi32, #tpu.memory_space<vmem>>)
        %dma_start3A_96 = arith.constant 0 : i32
        %dma_start3A_97 = tpu.memref_slice %arg7[%mul3A_56, %dma_start3A_96] : memref<16x128xi32, #tpu.memory_space<vmem>> -> memref<1x128xi32, #tpu.memory_space<vmem>>
        %dma_start3A_98 = tpu.memref_squeeze %dma_start3A_97 : memref<1x128xi32, #tpu.memory_space<vmem>> -> memref<128xi32, #tpu.memory_space<vmem>>
        %dma_start3A_99 = arith.constant 0 : i32
        %dma_start3A_100 = arith.constant 0 : i32
        %dma_start3A_101 = tpu.memref_slice %arg2[%dma_start3A_99, %dma_start3A_100] : memref<10240x128xf32, #tpu.memory_space<hbm>> -> memref<10240x128xf32, #tpu.memory_space<hbm>>
        tpu.enqueue_indirect_dma source(%dma_start3A_101 : memref<10240x128xf32, #tpu.memory_space<hbm>>) target(%arg9 : memref<128x128xf32, #tpu.memory_space<vmem>>) offsets(%dma_start3A_98 : memref<128xi32, #tpu.memory_space<vmem>>) semaphore(%arg13 : memref<!tpu.dma_semaphore, #tpu.memory_space<semaphore_mem>>)
      } else {
      }
    }
    %barrier3A_42 = arith.constant 0 : index
    tpu.barrier barrier_id(%barrier3A_42)
    %mul3A_43 = arith.constant 640 : i32
    %mul3A_44 = arith.muli %arg1, %mul3A_43 : i32
    %mul3A_45 = arith.constant 640 : i32
    %mul3A_46 = arith.muli %arg1, %mul3A_45 : i32
    "tpu.region"() ({
      %run_scoped3A = tpu.sem_alloc : memref<!tpu.dma_semaphore, #tpu.memory_space<semaphore_mem>>
      %dma_start3A_47 = arith.constant 0 : i32
      %dma_start3A_48 = arith.constant 0 : i32
      %dma_start3A_49 = tpu.memref_slice %arg6[%arg0, %dma_start3A_47, %dma_start3A_48] : memref<2x10240x128xf32, #tpu.memory_space<hbm>> -> memref<1x10240x128xf32, #tpu.memory_space<hbm>>
      %dma_start3A_50 = tpu.memref_squeeze %dma_start3A_49 : memref<1x10240x128xf32, #tpu.memory_space<hbm>> -> memref<10240x128xf32, #tpu.memory_space<hbm>>
      %dma_start3A_51 = arith.constant 0 : i32
      %dma_start3A_52 = tpu.memref_slice %dma_start3A_50[%mul3A_46, %dma_start3A_51] : memref<10240x128xf32, #tpu.memory_space<hbm>> -> memref<640x128xf32, #tpu.memory_space<hbm>>
      %dma_start3A_53 = arith.constant 0 : i32
      %dma_start3A_54 = tpu.memref_slice %arg11[%mul3A_44, %dma_start3A_53] : memref<10240x128xf32, #tpu.memory_space<vmem_shared>> -> memref<640x128xf32, #tpu.memory_space<vmem_shared>>
      tpu.enqueue_dma source(%dma_start3A_54 : memref<640x128xf32, #tpu.memory_space<vmem_shared>>) target(%dma_start3A_52 : memref<640x128xf32, #tpu.memory_space<hbm>>) target_semaphore(%run_scoped3A : memref<!tpu.dma_semaphore, #tpu.memory_space<semaphore_mem>>)
      %dma_wait3A_55 = arith.constant 0 : i32
      %dma_wait3A_56 = arith.constant 0 : i32
      %dma_wait3A_57 = tpu.memref_slice %arg6[%arg0, %dma_wait3A_55, %dma_wait3A_56] : memref<2x10240x128xf32, #tpu.memory_space<hbm>> -> memref<1x10240x128xf32, #tpu.memory_space<hbm>>
      %dma_wait3A_58 = tpu.memref_squeeze %dma_wait3A_57 : memref<1x10240x128xf32, #tpu.memory_space<hbm>> -> memref<10240x128xf32, #tpu.memory_space<hbm>>
      %dma_wait3A_59 = arith.constant 0 : i32
      %dma_wait3A_60 = tpu.memref_slice %dma_wait3A_58[%mul3A_46, %dma_wait3A_59] : memref<10240x128xf32, #tpu.memory_space<hbm>> -> memref<640x128xf32, #tpu.memory_space<hbm>>
      %dma_wait3A_61 = arith.constant 0 : i32
      %dma_wait3A_62 = tpu.memref_slice %arg11[%mul3A_44, %dma_wait3A_61] : memref<10240x128xf32, #tpu.memory_space<vmem_shared>> -> memref<640x128xf32, #tpu.memory_space<vmem_shared>>
      tpu.wait_dma2 semaphore(%run_scoped3A : memref<!tpu.dma_semaphore, #tpu.memory_space<semaphore_mem>>) src(%dma_wait3A_62 : memref<640x128xf32, #tpu.memory_space<vmem_shared>>) dst(%dma_wait3A_60 : memref<640x128xf32, #tpu.memory_space<hbm>>)
      tpu.yield
    }) : () -> ()
    return
  }
}

#map = affine_map<(d0, d1) -> (0, 0)>
#map1 = affine_map<(d0, d1) -> (0, 0, 0)>
module attributes {stable_mosaic.version = 14 : i64} {
  func.func @sc_decode(%arg0: i32, %arg1: i32, %arg2: memref<10240x128xf32, #tpu.memory_space<hbm>>, %arg3: memref<16x32x128xi32, #tpu.memory_space<hbm>>, %arg4: memref<16x24x128xi32, #tpu.memory_space<hbm>>, %arg5: memref<16x32x128xi32, #tpu.memory_space<hbm>>, %arg6: memref<16x24x128xi32, #tpu.memory_space<hbm>>, %arg7: memref<8192x128xf32, #tpu.memory_space<hbm>>, %arg8: memref<6144x128xf32, #tpu.memory_space<hbm>>, %arg9: memref<32x128xi32, #tpu.memory_space<vmem>>, %arg10: memref<32x128xi32, #tpu.memory_space<vmem>>, %arg11: memref<24x128xi32, #tpu.memory_space<vmem>>, %arg12: memref<24x128xi32, #tpu.memory_space<vmem>>, %arg13: memref<128x128xf32, #tpu.memory_space<vmem>>, %arg14: memref<128x128xf32, #tpu.memory_space<vmem>>, %arg15: memref<32x128xf32, #tpu.memory_space<vmem>>, %arg16: memref<!tpu.dma_semaphore, #tpu.memory_space<semaphore_mem>>, %arg17: memref<!tpu.dma_semaphore, #tpu.memory_space<semaphore_mem>>, %arg18: memref<!tpu.dma_semaphore, #tpu.memory_space<semaphore_mem>>) attributes {dimension_semantics = [#tpu.dimension_semantics<core_parallel>, #tpu.dimension_semantics<subcore_parallel>], iteration_bounds = array<i64: 2, 16>, scalar_prefetch = 0 : i64, scratch_operands = 10 : i64, tpu.core_type = #tpu.core_type<sc_vector_subcore>, window_params = [{transform_indices = #map}, {transform_indices = #map1}, {transform_indices = #map1}, {transform_indices = #map1}, {transform_indices = #map1}, {transform_indices = #map}, {transform_indices = #map}]} {
    %eq3A = arith.constant 0 : i32
    %eq3A_0 = arith.cmpi eq, %arg0, %eq3A : i32
    %convert_element_type3A = arith.extui %eq3A_0 : i1 to i32
    %cond3A = arith.constant 0 : i32
    %cond3A_1 = arith.cmpi ne, %convert_element_type3A, %cond3A : i32
    scf.if %cond3A_1 {
      "tpu.region"() ({
        %run_scoped3A = tpu.sem_alloc : memref<!tpu.dma_semaphore, #tpu.memory_space<semaphore_mem>>
        %dma_start3A = arith.constant 0 : i32
        %dma_start3A_17 = arith.constant 0 : i32
        %dma_start3A_18 = tpu.memref_slice %arg3[%arg1, %dma_start3A, %dma_start3A_17] : memref<16x32x128xi32, #tpu.memory_space<hbm>> -> memref<1x32x128xi32, #tpu.memory_space<hbm>>
        %dma_start3A_19 = tpu.memref_squeeze %dma_start3A_18 : memref<1x32x128xi32, #tpu.memory_space<hbm>> -> memref<32x128xi32, #tpu.memory_space<hbm>>
        %dma_start3A_20 = arith.constant 0 : i32
        %dma_start3A_21 = arith.constant 0 : i32
        %dma_start3A_22 = tpu.memref_slice %arg3[%arg1, %dma_start3A_20, %dma_start3A_21] : memref<16x32x128xi32, #tpu.memory_space<hbm>> -> memref<1x32x128xi32, #tpu.memory_space<hbm>>
        %dma_start3A_23 = tpu.memref_squeeze %dma_start3A_22 : memref<1x32x128xi32, #tpu.memory_space<hbm>> -> memref<32x128xi32, #tpu.memory_space<hbm>>
        tpu.enqueue_dma source(%dma_start3A_23 : memref<32x128xi32, #tpu.memory_space<hbm>>) target(%arg9 : memref<32x128xi32, #tpu.memory_space<vmem>>) target_semaphore(%run_scoped3A : memref<!tpu.dma_semaphore, #tpu.memory_space<semaphore_mem>>)
        %dma_wait3A = arith.constant 0 : i32
        %dma_wait3A_24 = arith.constant 0 : i32
        %dma_wait3A_25 = tpu.memref_slice %arg3[%arg1, %dma_wait3A, %dma_wait3A_24] : memref<16x32x128xi32, #tpu.memory_space<hbm>> -> memref<1x32x128xi32, #tpu.memory_space<hbm>>
        %dma_wait3A_26 = tpu.memref_squeeze %dma_wait3A_25 : memref<1x32x128xi32, #tpu.memory_space<hbm>> -> memref<32x128xi32, #tpu.memory_space<hbm>>
        %dma_wait3A_27 = arith.constant 0 : i32
        %dma_wait3A_28 = arith.constant 0 : i32
        %dma_wait3A_29 = tpu.memref_slice %arg3[%arg1, %dma_wait3A_27, %dma_wait3A_28] : memref<16x32x128xi32, #tpu.memory_space<hbm>> -> memref<1x32x128xi32, #tpu.memory_space<hbm>>
        %dma_wait3A_30 = tpu.memref_squeeze %dma_wait3A_29 : memref<1x32x128xi32, #tpu.memory_space<hbm>> -> memref<32x128xi32, #tpu.memory_space<hbm>>
        tpu.wait_dma2 semaphore(%run_scoped3A : memref<!tpu.dma_semaphore, #tpu.memory_space<semaphore_mem>>) src(%dma_wait3A_30 : memref<32x128xi32, #tpu.memory_space<hbm>>) dst(%arg9 : memref<32x128xi32, #tpu.memory_space<vmem>>)
        tpu.yield
      }) : () -> ()
      "tpu.region"() ({
        %run_scoped3A = tpu.sem_alloc : memref<!tpu.dma_semaphore, #tpu.memory_space<semaphore_mem>>
        %dma_start3A = arith.constant 0 : i32
        %dma_start3A_17 = arith.constant 0 : i32
        %dma_start3A_18 = tpu.memref_slice %arg5[%arg1, %dma_start3A, %dma_start3A_17] : memref<16x32x128xi32, #tpu.memory_space<hbm>> -> memref<1x32x128xi32, #tpu.memory_space<hbm>>
        %dma_start3A_19 = tpu.memref_squeeze %dma_start3A_18 : memref<1x32x128xi32, #tpu.memory_space<hbm>> -> memref<32x128xi32, #tpu.memory_space<hbm>>
        %dma_start3A_20 = arith.constant 0 : i32
        %dma_start3A_21 = arith.constant 0 : i32
        %dma_start3A_22 = tpu.memref_slice %arg5[%arg1, %dma_start3A_20, %dma_start3A_21] : memref<16x32x128xi32, #tpu.memory_space<hbm>> -> memref<1x32x128xi32, #tpu.memory_space<hbm>>
        %dma_start3A_23 = tpu.memref_squeeze %dma_start3A_22 : memref<1x32x128xi32, #tpu.memory_space<hbm>> -> memref<32x128xi32, #tpu.memory_space<hbm>>
        tpu.enqueue_dma source(%dma_start3A_23 : memref<32x128xi32, #tpu.memory_space<hbm>>) target(%arg10 : memref<32x128xi32, #tpu.memory_space<vmem>>) target_semaphore(%run_scoped3A : memref<!tpu.dma_semaphore, #tpu.memory_space<semaphore_mem>>)
        %dma_wait3A = arith.constant 0 : i32
        %dma_wait3A_24 = arith.constant 0 : i32
        %dma_wait3A_25 = tpu.memref_slice %arg5[%arg1, %dma_wait3A, %dma_wait3A_24] : memref<16x32x128xi32, #tpu.memory_space<hbm>> -> memref<1x32x128xi32, #tpu.memory_space<hbm>>
        %dma_wait3A_26 = tpu.memref_squeeze %dma_wait3A_25 : memref<1x32x128xi32, #tpu.memory_space<hbm>> -> memref<32x128xi32, #tpu.memory_space<hbm>>
        %dma_wait3A_27 = arith.constant 0 : i32
        %dma_wait3A_28 = arith.constant 0 : i32
        %dma_wait3A_29 = tpu.memref_slice %arg5[%arg1, %dma_wait3A_27, %dma_wait3A_28] : memref<16x32x128xi32, #tpu.memory_space<hbm>> -> memref<1x32x128xi32, #tpu.memory_space<hbm>>
        %dma_wait3A_30 = tpu.memref_squeeze %dma_wait3A_29 : memref<1x32x128xi32, #tpu.memory_space<hbm>> -> memref<32x128xi32, #tpu.memory_space<hbm>>
        tpu.wait_dma2 semaphore(%run_scoped3A : memref<!tpu.dma_semaphore, #tpu.memory_space<semaphore_mem>>) src(%dma_wait3A_30 : memref<32x128xi32, #tpu.memory_space<hbm>>) dst(%arg10 : memref<32x128xi32, #tpu.memory_space<vmem>>)
        tpu.yield
      }) : () -> ()
      %mul3A = arith.constant 512 : i32
      %mul3A_7 = arith.muli %arg1, %mul3A : i32
      %scan3A = arith.constant 0 : i32
      %scan3A_8 = arith.constant 32 : i32
      %scan3A_9 = arith.addi %scan3A, %scan3A_8 : i32
      %scan3A_10 = arith.constant 1 : i32
      scf.for %scan3A_17 = %scan3A to %scan3A_9 step %scan3A_10  : i32 {
        %mul3A_18 = arith.constant 1 : i32
        %mul3A_19 = arith.muli %scan3A_17, %mul3A_18 : i32
        %add3A = arith.constant 0 : i32
        %add3A_20 = arith.addi %add3A, %mul3A_19 : i32
        %dma_start3A = arith.constant 0 : i32
        %dma_start3A_21 = tpu.memref_slice %arg9[%add3A_20, %dma_start3A] : memref<32x128xi32, #tpu.memory_space<vmem>> -> memref<1x128xi32, #tpu.memory_space<vmem>>
        %dma_start3A_22 = tpu.memref_squeeze %dma_start3A_21 : memref<1x128xi32, #tpu.memory_space<vmem>> -> memref<128xi32, #tpu.memory_space<vmem>>
        %dma_start3A_23 = arith.constant 0 : i32
        %dma_start3A_24 = arith.constant 0 : i32
        %dma_start3A_25 = tpu.memref_slice %arg2[%dma_start3A_23, %dma_start3A_24] : memref<10240x128xf32, #tpu.memory_space<hbm>> -> memref<10240x128xf32, #tpu.memory_space<hbm>>
        tpu.enqueue_indirect_dma source(%dma_start3A_25 : memref<10240x128xf32, #tpu.memory_space<hbm>>) target(%arg13 : memref<128x128xf32, #tpu.memory_space<vmem>>) offsets(%dma_start3A_22 : memref<128xi32, #tpu.memory_space<vmem>>) semaphore(%arg16 : memref<!tpu.dma_semaphore, #tpu.memory_space<semaphore_mem>>)
        %dma_start3A_26 = arith.constant 0 : i32
        %dma_start3A_27 = tpu.memref_slice %arg10[%add3A_20, %dma_start3A_26] : memref<32x128xi32, #tpu.memory_space<vmem>> -> memref<1x128xi32, #tpu.memory_space<vmem>>
        %dma_start3A_28 = tpu.memref_squeeze %dma_start3A_27 : memref<1x128xi32, #tpu.memory_space<vmem>> -> memref<128xi32, #tpu.memory_space<vmem>>
        %dma_start3A_29 = arith.constant 0 : i32
        %dma_start3A_30 = arith.constant 0 : i32
        %dma_start3A_31 = tpu.memref_slice %arg2[%dma_start3A_29, %dma_start3A_30] : memref<10240x128xf32, #tpu.memory_space<hbm>> -> memref<10240x128xf32, #tpu.memory_space<hbm>>
        tpu.enqueue_indirect_dma source(%dma_start3A_31 : memref<10240x128xf32, #tpu.memory_space<hbm>>) target(%arg14 : memref<128x128xf32, #tpu.memory_space<vmem>>) offsets(%dma_start3A_28 : memref<128xi32, #tpu.memory_space<vmem>>) semaphore(%arg17 : memref<!tpu.dma_semaphore, #tpu.memory_space<semaphore_mem>>)
        %dma_wait3A = arith.constant 0 : i32
        %dma_wait3A_32 = tpu.memref_slice %arg9[%add3A_20, %dma_wait3A] : memref<32x128xi32, #tpu.memory_space<vmem>> -> memref<1x128xi32, #tpu.memory_space<vmem>>
        %dma_wait3A_33 = tpu.memref_squeeze %dma_wait3A_32 : memref<1x128xi32, #tpu.memory_space<vmem>> -> memref<128xi32, #tpu.memory_space<vmem>>
        %dma_wait3A_34 = arith.constant 0 : i32
        %dma_wait3A_35 = arith.constant 0 : i32
        %dma_wait3A_36 = tpu.memref_slice %arg2[%dma_wait3A_34, %dma_wait3A_35] : memref<10240x128xf32, #tpu.memory_space<hbm>> -> memref<10240x128xf32, #tpu.memory_space<hbm>>
        tpu.wait_indirect_dma semaphore(%arg16 : memref<!tpu.dma_semaphore, #tpu.memory_space<semaphore_mem>>) src(%dma_wait3A_36 : memref<10240x128xf32, #tpu.memory_space<hbm>>) dst(%arg13 : memref<128x128xf32, #tpu.memory_space<vmem>>)
        %dma_wait3A_37 = arith.constant 0 : i32
        %dma_wait3A_38 = tpu.memref_slice %arg10[%add3A_20, %dma_wait3A_37] : memref<32x128xi32, #tpu.memory_space<vmem>> -> memref<1x128xi32, #tpu.memory_space<vmem>>
        %dma_wait3A_39 = tpu.memref_squeeze %dma_wait3A_38 : memref<1x128xi32, #tpu.memory_space<vmem>> -> memref<128xi32, #tpu.memory_space<vmem>>
        %dma_wait3A_40 = arith.constant 0 : i32
        %dma_wait3A_41 = arith.constant 0 : i32
        %dma_wait3A_42 = tpu.memref_slice %arg2[%dma_wait3A_40, %dma_wait3A_41] : memref<10240x128xf32, #tpu.memory_space<hbm>> -> memref<10240x128xf32, #tpu.memory_space<hbm>>
        tpu.wait_indirect_dma semaphore(%arg17 : memref<!tpu.dma_semaphore, #tpu.memory_space<semaphore_mem>>) src(%dma_wait3A_42 : memref<10240x128xf32, #tpu.memory_space<hbm>>) dst(%arg14 : memref<128x128xf32, #tpu.memory_space<vmem>>)
        %rem3A = arith.constant 2 : i32
        %rem3A_43 = arith.remsi %add3A_20, %rem3A : i32
        %mul3A_44 = arith.constant 16 : i32
        %mul3A_45 = arith.muli %rem3A_43, %mul3A_44 : i32
        %ge3A = arith.constant 2 : i32
        %ge3A_46 = arith.cmpi sge, %add3A_20, %ge3A : i32
        %convert_element_type3A_47 = arith.extui %ge3A_46 : i1 to i32
        %cond3A_48 = arith.constant 0 : i32
        %cond3A_49 = arith.cmpi ne, %convert_element_type3A_47, %cond3A_48 : i32
        scf.if %cond3A_49 {
          %dma_wait3A_66 = arith.constant 0 : i32
          %dma_wait3A_67 = tpu.memref_slice %arg15[%mul3A_45, %dma_wait3A_66] : memref<32x128xf32, #tpu.memory_space<vmem>> -> memref<16x128xf32, #tpu.memory_space<vmem>>
          %dma_wait3A_68 = arith.constant 0 : i32
          %dma_wait3A_69 = tpu.memref_slice %arg7[%mul3A_7, %dma_wait3A_68] : memref<8192x128xf32, #tpu.memory_space<hbm>> -> memref<16x128xf32, #tpu.memory_space<hbm>>
          %dma_wait3A_70 = arith.constant 0 : i32
          %dma_wait3A_71 = tpu.memref_slice %arg7[%mul3A_7, %dma_wait3A_70] : memref<8192x128xf32, #tpu.memory_space<hbm>> -> memref<16x128xf32, #tpu.memory_space<hbm>>
          %dma_wait3A_72 = arith.constant 0 : i32
          %dma_wait3A_73 = tpu.memref_slice %arg15[%mul3A_45, %dma_wait3A_72] : memref<32x128xf32, #tpu.memory_space<vmem>> -> memref<16x128xf32, #tpu.memory_space<vmem>>
          tpu.wait_dma2 semaphore(%arg18 : memref<!tpu.dma_semaphore, #tpu.memory_space<semaphore_mem>>) src(%dma_wait3A_73 : memref<16x128xf32, #tpu.memory_space<vmem>>) dst(%dma_wait3A_71 : memref<16x128xf32, #tpu.memory_space<hbm>>)
        } else {
        }
        %scan3A_50 = arith.constant 0 : i32
        %scan3A_51 = arith.constant 128 : i32
        %scan3A_52 = arith.addi %scan3A_50, %scan3A_51 : i32
        %scan3A_53 = arith.constant 1 : i32
        scf.for %scan3A_66 = %scan3A_50 to %scan3A_52 step %scan3A_53  : i32 {
          %mul3A_67 = arith.constant 1 : i32
          %mul3A_68 = arith.muli %scan3A_66, %mul3A_67 : i32
          %add3A_69 = arith.constant 0 : i32
          %add3A_70 = arith.addi %add3A_69, %mul3A_68 : i32
          %get3A = arith.index_cast %add3A_70 : i32 to index
          %get3A_71 = arith.constant 0 : index
          %get3A_72 = tpu.vector_load %arg13[%get3A, %get3A_71] {strides = array<i32>} : memref<128x128xf32, #tpu.memory_space<vmem>>, vector<1x16xf32>,
          %get3A_73 = vector.shape_cast %get3A_72 : vector<1x16xf32> to vector<1x16xf32>
          %get3A_74 = arith.index_cast %add3A_70 : i32 to index
          %get3A_75 = arith.constant 0 : index
          %get3A_76 = tpu.vector_load %arg14[%get3A_74, %get3A_75] {strides = array<i32>} : memref<128x128xf32, #tpu.memory_space<vmem>>, vector<1x16xf32>,
          %get3A_77 = vector.shape_cast %get3A_76 : vector<1x16xf32> to vector<1x16xf32>
          %mul3A_78 = arith.mulf %get3A_73, %get3A_77 : vector<1x16xf32>
          %get3A_79 = arith.index_cast %add3A_70 : i32 to index
          %get3A_80 = arith.constant 16 : index
          %get3A_81 = tpu.vector_load %arg13[%get3A_79, %get3A_80] {strides = array<i32>} : memref<128x128xf32, #tpu.memory_space<vmem>>, vector<1x16xf32>,
          %get3A_82 = vector.shape_cast %get3A_81 : vector<1x16xf32> to vector<1x16xf32>
          %get3A_83 = arith.index_cast %add3A_70 : i32 to index
          %get3A_84 = arith.constant 16 : index
          %get3A_85 = tpu.vector_load %arg14[%get3A_83, %get3A_84] {strides = array<i32>} : memref<128x128xf32, #tpu.memory_space<vmem>>, vector<1x16xf32>,
          %get3A_86 = vector.shape_cast %get3A_85 : vector<1x16xf32> to vector<1x16xf32>
          %mul3A_87 = arith.mulf %get3A_82, %get3A_86 : vector<1x16xf32>
          %add3A_88 = arith.addf %mul3A_78, %mul3A_87 : vector<1x16xf32>
          %get3A_89 = arith.index_cast %add3A_70 : i32 to index
          %get3A_90 = arith.constant 32 : index
          %get3A_91 = tpu.vector_load %arg13[%get3A_89, %get3A_90] {strides = array<i32>} : memref<128x128xf32, #tpu.memory_space<vmem>>, vector<1x16xf32>,
          %get3A_92 = vector.shape_cast %get3A_91 : vector<1x16xf32> to vector<1x16xf32>
          %get3A_93 = arith.index_cast %add3A_70 : i32 to index
          %get3A_94 = arith.constant 32 : index
          %get3A_95 = tpu.vector_load %arg14[%get3A_93, %get3A_94] {strides = array<i32>} : memref<128x128xf32, #tpu.memory_space<vmem>>, vector<1x16xf32>,
          %get3A_96 = vector.shape_cast %get3A_95 : vector<1x16xf32> to vector<1x16xf32>
          %mul3A_97 = arith.mulf %get3A_92, %get3A_96 : vector<1x16xf32>
          %add3A_98 = arith.addf %add3A_88, %mul3A_97 : vector<1x16xf32>
          %get3A_99 = arith.index_cast %add3A_70 : i32 to index
          %get3A_100 = arith.constant 48 : index
          %get3A_101 = tpu.vector_load %arg13[%get3A_99, %get3A_100] {strides = array<i32>} : memref<128x128xf32, #tpu.memory_space<vmem>>, vector<1x16xf32>,
          %get3A_102 = vector.shape_cast %get3A_101 : vector<1x16xf32> to vector<1x16xf32>
          %get3A_103 = arith.index_cast %add3A_70 : i32 to index
          %get3A_104 = arith.constant 48 : index
          %get3A_105 = tpu.vector_load %arg14[%get3A_103, %get3A_104] {strides = array<i32>} : memref<128x128xf32, #tpu.memory_space<vmem>>, vector<1x16xf32>,
          %get3A_106 = vector.shape_cast %get3A_105 : vector<1x16xf32> to vector<1x16xf32>
          %mul3A_107 = arith.mulf %get3A_102, %get3A_106 : vector<1x16xf32>
          %add3A_108 = arith.addf %add3A_98, %mul3A_107 : vector<1x16xf32>
          %get3A_109 = arith.index_cast %add3A_70 : i32 to index
          %get3A_110 = arith.constant 64 : index
          %get3A_111 = tpu.vector_load %arg13[%get3A_109, %get3A_110] {strides = array<i32>} : memref<128x128xf32, #tpu.memory_space<vmem>>, vector<1x16xf32>,
          %get3A_112 = vector.shape_cast %get3A_111 : vector<1x16xf32> to vector<1x16xf32>
          %get3A_113 = arith.index_cast %add3A_70 : i32 to index
          %get3A_114 = arith.constant 64 : index
          %get3A_115 = tpu.vector_load %arg14[%get3A_113, %get3A_114] {strides = array<i32>} : memref<128x128xf32, #tpu.memory_space<vmem>>, vector<1x16xf32>,
          %get3A_116 = vector.shape_cast %get3A_115 : vector<1x16xf32> to vector<1x16xf32>
          %mul3A_117 = arith.mulf %get3A_112, %get3A_116 : vector<1x16xf32>
          %add3A_118 = arith.addf %add3A_108, %mul3A_117 : vector<1x16xf32>
          %get3A_119 = arith.index_cast %add3A_70 : i32 to index
          %get3A_120 = arith.constant 80 : index
          %get3A_121 = tpu.vector_load %arg13[%get3A_119, %get3A_120] {strides = array<i32>} : memref<128x128xf32, #tpu.memory_space<vmem>>, vector<1x16xf32>,
          %get3A_122 = vector.shape_cast %get3A_121 : vector<1x16xf32> to vector<1x16xf32>
          %get3A_123 = arith.index_cast %add3A_70 : i32 to index
          %get3A_124 = arith.constant 80 : index
          %get3A_125 = tpu.vector_load %arg14[%get3A_123, %get3A_124] {strides = array<i32>} : memref<128x128xf32, #tpu.memory_space<vmem>>, vector<1x16xf32>,
          %get3A_126 = vector.shape_cast %get3A_125 : vector<1x16xf32> to vector<1x16xf32>
          %mul3A_127 = arith.mulf %get3A_122, %get3A_126 : vector<1x16xf32>
          %add3A_128 = arith.addf %add3A_118, %mul3A_127 : vector<1x16xf32>
          %get3A_129 = arith.index_cast %add3A_70 : i32 to index
          %get3A_130 = arith.constant 96 : index
          %get3A_131 = tpu.vector_load %arg13[%get3A_129, %get3A_130] {strides = array<i32>} : memref<128x128xf32, #tpu.memory_space<vmem>>, vector<1x16xf32>,
          %get3A_132 = vector.shape_cast %get3A_131 : vector<1x16xf32> to vector<1x16xf32>
          %get3A_133 = arith.index_cast %add3A_70 : i32 to index
          %get3A_134 = arith.constant 96 : index
          %get3A_135 = tpu.vector_load %arg14[%get3A_133, %get3A_134] {strides = array<i32>} : memref<128x128xf32, #tpu.memory_space<vmem>>, vector<1x16xf32>,
          %get3A_136 = vector.shape_cast %get3A_135 : vector<1x16xf32> to vector<1x16xf32>
          %mul3A_137 = arith.mulf %get3A_132, %get3A_136 : vector<1x16xf32>
          %add3A_138 = arith.addf %add3A_128, %mul3A_137 : vector<1x16xf32>
          %get3A_139 = arith.index_cast %add3A_70 : i32 to index
          %get3A_140 = arith.constant 112 : index
          %get3A_141 = tpu.vector_load %arg13[%get3A_139, %get3A_140] {strides = array<i32>} : memref<128x128xf32, #tpu.memory_space<vmem>>, vector<1x16xf32>,
          %get3A_142 = vector.shape_cast %get3A_141 : vector<1x16xf32> to vector<1x16xf32>
          %get3A_143 = arith.index_cast %add3A_70 : i32 to index
          %get3A_144 = arith.constant 112 : index
          %get3A_145 = tpu.vector_load %arg14[%get3A_143, %get3A_144] {strides = array<i32>} : memref<128x128xf32, #tpu.memory_space<vmem>>, vector<1x16xf32>,
          %get3A_146 = vector.shape_cast %get3A_145 : vector<1x16xf32> to vector<1x16xf32>
          %mul3A_147 = arith.mulf %get3A_142, %get3A_146 : vector<1x16xf32>
          %add3A_148 = arith.addf %add3A_138, %mul3A_147 : vector<1x16xf32>
          %jit3A = arith.constant 8 : i32
          %div3A = arith.divsi %add3A_70, %jit3A : i32
          %sign3A = arith.constant 0 : i32
          %sign3A_149 = arith.cmpi sgt, %add3A_70, %sign3A : i32
          %sign3A_150 = arith.extui %sign3A_149 : i1 to i32
          %sign3A_151 = arith.constant 0 : i32
          %sign3A_152 = arith.cmpi slt, %add3A_70, %sign3A_151 : i32
          %sign3A_153 = arith.extui %sign3A_152 : i1 to i32
          %sign3A_154 = arith.subi %sign3A_150, %sign3A_153 : i32
          %sign3A_155 = arith.constant 0 : i32
          %sign3A_156 = arith.cmpi sgt, %jit3A, %sign3A_155 : i32
          %sign3A_157 = arith.extui %sign3A_156 : i1 to i32
          %sign3A_158 = arith.constant 0 : i32
          %sign3A_159 = arith.cmpi slt, %jit3A, %sign3A_158 : i32
          %sign3A_160 = arith.extui %sign3A_159 : i1 to i32
          %sign3A_161 = arith.subi %sign3A_157, %sign3A_160 : i32
          %ne3A = arith.cmpi ne, %sign3A_154, %sign3A_161 : i32
          %rem3A_162 = arith.remsi %add3A_70, %jit3A : i32
          %ne3A_163 = arith.constant 0 : i32
          %ne3A_164 = arith.cmpi ne, %rem3A_162, %ne3A_163 : i32
          %and3A = arith.andi %ne3A, %ne3A_164 : i1
          %sub3A = arith.constant 1 : i32
          %sub3A_165 = arith.subi %div3A, %sub3A : i32
          %select_n3A = arith.select %and3A, %sub3A_165, %div3A : i32
          %add3A_166 = arith.addi %mul3A_45, %select_n3A : i32
          %jit3A_167 = arith.constant 8 : i32
          %eq3A_168 = arith.constant 0 : i32
          %eq3A_169 = arith.cmpi eq, %jit3A_167, %eq3A_168 : i32
          %jit3A_170 = arith.constant 1 : i32
          %select_n3A_171 = arith.select %eq3A_169, %jit3A_170, %jit3A_167 : i32
          %rem3A_172 = arith.remsi %add3A_70, %select_n3A_171 : i32
          %ne3A_173 = arith.constant 0 : i32
          %ne3A_174 = arith.cmpi ne, %rem3A_172, %ne3A_173 : i32
          %lt3A = arith.constant 0 : i32
          %lt3A_175 = arith.cmpi slt, %rem3A_172, %lt3A : i32
          %lt3A_176 = arith.constant 0 : i32
          %lt3A_177 = arith.cmpi slt, %select_n3A_171, %lt3A_176 : i32
          %ne3A_178 = arith.xori %lt3A_175, %lt3A_177 : i1
          %and3A_179 = arith.andi %ne3A_178, %ne3A_174 : i1
          %add3A_180 = arith.addi %rem3A_172, %select_n3A_171 : i32
          %select_n3A_181 = arith.select %and3A_179, %add3A_180, %rem3A_172 : i32
          %mul3A_182 = arith.constant 16 : i32
          %mul3A_183 = arith.muli %select_n3A_181, %mul3A_182 : i32
          %swap3A = arith.index_cast %add3A_166 : i32 to index
          %swap3A_184 = arith.index_cast %mul3A_183 : i32 to index
          %swap3A_185 = tpu.vector_load %arg15[%swap3A, %swap3A_184] {strides = array<i32>} : memref<32x128xf32, #tpu.memory_space<vmem>>, vector<1x16xf32>,
          %swap3A_186 = vector.shape_cast %swap3A_185 : vector<1x16xf32> to vector<1x16xf32>
          %swap3A_187 = vector.shape_cast %add3A_148 : vector<1x16xf32> to vector<1x16xf32>
          tpu.vector_store %arg15[%swap3A, %swap3A_184], %swap3A_187 {strides = array<i32>} : memref<32x128xf32, #tpu.memory_space<vmem>>, vector<1x16xf32>,
        }
        %scan3A_54 = arith.constant 128 : i32
        %mul3A_55 = arith.constant 16 : i32
        %mul3A_56 = arith.muli %add3A_20, %mul3A_55 : i32
        %add3A_57 = arith.addi %mul3A_7, %mul3A_56 : i32
        %dma_start3A_58 = arith.constant 0 : i32
        %dma_start3A_59 = tpu.memref_slice %arg15[%mul3A_45, %dma_start3A_58] : memref<32x128xf32, #tpu.memory_space<vmem>> -> memref<16x128xf32, #tpu.memory_space<vmem>>
        %dma_start3A_60 = arith.constant 0 : i32
        %dma_start3A_61 = tpu.memref_slice %arg7[%add3A_57, %dma_start3A_60] : memref<8192x128xf32, #tpu.memory_space<hbm>> -> memref<16x128xf32, #tpu.memory_space<hbm>>
        %dma_start3A_62 = arith.constant 0 : i32
        %dma_start3A_63 = tpu.memref_slice %arg7[%add3A_57, %dma_start3A_62] : memref<8192x128xf32, #tpu.memory_space<hbm>> -> memref<16x128xf32, #tpu.memory_space<hbm>>
        %dma_start3A_64 = arith.constant 0 : i32
        %dma_start3A_65 = tpu.memref_slice %arg15[%mul3A_45, %dma_start3A_64] : memref<32x128xf32, #tpu.memory_space<vmem>> -> memref<16x128xf32, #tpu.memory_space<vmem>>
        tpu.enqueue_dma source(%dma_start3A_65 : memref<16x128xf32, #tpu.memory_space<vmem>>) target(%dma_start3A_63 : memref<16x128xf32, #tpu.memory_space<hbm>>) target_semaphore(%arg18 : memref<!tpu.dma_semaphore, #tpu.memory_space<semaphore_mem>>)
      }
      %scan3A_11 = arith.constant 32 : i32
      %scan3A_12 = arith.constant 0 : i32
      %scan3A_13 = arith.constant 2 : i32
      %scan3A_14 = arith.addi %scan3A_12, %scan3A_13 : i32
      %scan3A_15 = arith.constant 1 : i32
      scf.for %scan3A_17 = %scan3A_12 to %scan3A_14 step %scan3A_15  : i32 {
        %mul3A_18 = arith.constant 1 : i32
        %mul3A_19 = arith.muli %scan3A_17, %mul3A_18 : i32
        %add3A = arith.constant 0 : i32
        %add3A_20 = arith.addi %add3A, %mul3A_19 : i32
        %dma_wait3A = arith.constant 0 : i32
        %dma_wait3A_21 = arith.constant 0 : i32
        %dma_wait3A_22 = tpu.memref_slice %arg15[%dma_wait3A, %dma_wait3A_21] : memref<32x128xf32, #tpu.memory_space<vmem>> -> memref<16x128xf32, #tpu.memory_space<vmem>>
        %dma_wait3A_23 = arith.constant 0 : i32
        %dma_wait3A_24 = tpu.memref_slice %arg7[%mul3A_7, %dma_wait3A_23] : memref<8192x128xf32, #tpu.memory_space<hbm>> -> memref<16x128xf32, #tpu.memory_space<hbm>>
        %dma_wait3A_25 = arith.constant 0 : i32
        %dma_wait3A_26 = tpu.memref_slice %arg7[%mul3A_7, %dma_wait3A_25] : memref<8192x128xf32, #tpu.memory_space<hbm>> -> memref<16x128xf32, #tpu.memory_space<hbm>>
        %dma_wait3A_27 = arith.constant 0 : i32
        %dma_wait3A_28 = arith.constant 0 : i32
        %dma_wait3A_29 = tpu.memref_slice %arg15[%dma_wait3A_27, %dma_wait3A_28] : memref<32x128xf32, #tpu.memory_space<vmem>> -> memref<16x128xf32, #tpu.memory_space<vmem>>
        tpu.wait_dma2 semaphore(%arg18 : memref<!tpu.dma_semaphore, #tpu.memory_space<semaphore_mem>>) src(%dma_wait3A_29 : memref<16x128xf32, #tpu.memory_space<vmem>>) dst(%dma_wait3A_26 : memref<16x128xf32, #tpu.memory_space<hbm>>)
      }
      %scan3A_16 = arith.constant 2 : i32
    } else {
    }
    %eq3A_2 = arith.constant 1 : i32
    %eq3A_3 = arith.cmpi eq, %arg0, %eq3A_2 : i32
    %convert_element_type3A_4 = arith.extui %eq3A_3 : i1 to i32
    %cond3A_5 = arith.constant 0 : i32
    %cond3A_6 = arith.cmpi ne, %convert_element_type3A_4, %cond3A_5 : i32
    scf.if %cond3A_6 {
      "tpu.region"() ({
        %run_scoped3A = tpu.sem_alloc : memref<!tpu.dma_semaphore, #tpu.memory_space<semaphore_mem>>
        %dma_start3A = arith.constant 0 : i32
        %dma_start3A_17 = arith.constant 0 : i32
        %dma_start3A_18 = tpu.memref_slice %arg4[%arg1, %dma_start3A, %dma_start3A_17] : memref<16x24x128xi32, #tpu.memory_space<hbm>> -> memref<1x24x128xi32, #tpu.memory_space<hbm>>
        %dma_start3A_19 = tpu.memref_squeeze %dma_start3A_18 : memref<1x24x128xi32, #tpu.memory_space<hbm>> -> memref<24x128xi32, #tpu.memory_space<hbm>>
        %dma_start3A_20 = arith.constant 0 : i32
        %dma_start3A_21 = arith.constant 0 : i32
        %dma_start3A_22 = tpu.memref_slice %arg4[%arg1, %dma_start3A_20, %dma_start3A_21] : memref<16x24x128xi32, #tpu.memory_space<hbm>> -> memref<1x24x128xi32, #tpu.memory_space<hbm>>
        %dma_start3A_23 = tpu.memref_squeeze %dma_start3A_22 : memref<1x24x128xi32, #tpu.memory_space<hbm>> -> memref<24x128xi32, #tpu.memory_space<hbm>>
        tpu.enqueue_dma source(%dma_start3A_23 : memref<24x128xi32, #tpu.memory_space<hbm>>) target(%arg11 : memref<24x128xi32, #tpu.memory_space<vmem>>) target_semaphore(%run_scoped3A : memref<!tpu.dma_semaphore, #tpu.memory_space<semaphore_mem>>)
        %dma_wait3A = arith.constant 0 : i32
        %dma_wait3A_24 = arith.constant 0 : i32
        %dma_wait3A_25 = tpu.memref_slice %arg4[%arg1, %dma_wait3A, %dma_wait3A_24] : memref<16x24x128xi32, #tpu.memory_space<hbm>> -> memref<1x24x128xi32, #tpu.memory_space<hbm>>
        %dma_wait3A_26 = tpu.memref_squeeze %dma_wait3A_25 : memref<1x24x128xi32, #tpu.memory_space<hbm>> -> memref<24x128xi32, #tpu.memory_space<hbm>>
        %dma_wait3A_27 = arith.constant 0 : i32
        %dma_wait3A_28 = arith.constant 0 : i32
        %dma_wait3A_29 = tpu.memref_slice %arg4[%arg1, %dma_wait3A_27, %dma_wait3A_28] : memref<16x24x128xi32, #tpu.memory_space<hbm>> -> memref<1x24x128xi32, #tpu.memory_space<hbm>>
        %dma_wait3A_30 = tpu.memref_squeeze %dma_wait3A_29 : memref<1x24x128xi32, #tpu.memory_space<hbm>> -> memref<24x128xi32, #tpu.memory_space<hbm>>
        tpu.wait_dma2 semaphore(%run_scoped3A : memref<!tpu.dma_semaphore, #tpu.memory_space<semaphore_mem>>) src(%dma_wait3A_30 : memref<24x128xi32, #tpu.memory_space<hbm>>) dst(%arg11 : memref<24x128xi32, #tpu.memory_space<vmem>>)
        tpu.yield
      }) : () -> ()
      "tpu.region"() ({
        %run_scoped3A = tpu.sem_alloc : memref<!tpu.dma_semaphore, #tpu.memory_space<semaphore_mem>>
        %dma_start3A = arith.constant 0 : i32
        %dma_start3A_17 = arith.constant 0 : i32
        %dma_start3A_18 = tpu.memref_slice %arg6[%arg1, %dma_start3A, %dma_start3A_17] : memref<16x24x128xi32, #tpu.memory_space<hbm>> -> memref<1x24x128xi32, #tpu.memory_space<hbm>>
        %dma_start3A_19 = tpu.memref_squeeze %dma_start3A_18 : memref<1x24x128xi32, #tpu.memory_space<hbm>> -> memref<24x128xi32, #tpu.memory_space<hbm>>
        %dma_start3A_20 = arith.constant 0 : i32
        %dma_start3A_21 = arith.constant 0 : i32
        %dma_start3A_22 = tpu.memref_slice %arg6[%arg1, %dma_start3A_20, %dma_start3A_21] : memref<16x24x128xi32, #tpu.memory_space<hbm>> -> memref<1x24x128xi32, #tpu.memory_space<hbm>>
        %dma_start3A_23 = tpu.memref_squeeze %dma_start3A_22 : memref<1x24x128xi32, #tpu.memory_space<hbm>> -> memref<24x128xi32, #tpu.memory_space<hbm>>
        tpu.enqueue_dma source(%dma_start3A_23 : memref<24x128xi32, #tpu.memory_space<hbm>>) target(%arg12 : memref<24x128xi32, #tpu.memory_space<vmem>>) target_semaphore(%run_scoped3A : memref<!tpu.dma_semaphore, #tpu.memory_space<semaphore_mem>>)
        %dma_wait3A = arith.constant 0 : i32
        %dma_wait3A_24 = arith.constant 0 : i32
        %dma_wait3A_25 = tpu.memref_slice %arg6[%arg1, %dma_wait3A, %dma_wait3A_24] : memref<16x24x128xi32, #tpu.memory_space<hbm>> -> memref<1x24x128xi32, #tpu.memory_space<hbm>>
        %dma_wait3A_26 = tpu.memref_squeeze %dma_wait3A_25 : memref<1x24x128xi32, #tpu.memory_space<hbm>> -> memref<24x128xi32, #tpu.memory_space<hbm>>
        %dma_wait3A_27 = arith.constant 0 : i32
        %dma_wait3A_28 = arith.constant 0 : i32
        %dma_wait3A_29 = tpu.memref_slice %arg6[%arg1, %dma_wait3A_27, %dma_wait3A_28] : memref<16x24x128xi32, #tpu.memory_space<hbm>> -> memref<1x24x128xi32, #tpu.memory_space<hbm>>
        %dma_wait3A_30 = tpu.memref_squeeze %dma_wait3A_29 : memref<1x24x128xi32, #tpu.memory_space<hbm>> -> memref<24x128xi32, #tpu.memory_space<hbm>>
        tpu.wait_dma2 semaphore(%run_scoped3A : memref<!tpu.dma_semaphore, #tpu.memory_space<semaphore_mem>>) src(%dma_wait3A_30 : memref<24x128xi32, #tpu.memory_space<hbm>>) dst(%arg12 : memref<24x128xi32, #tpu.memory_space<vmem>>)
        tpu.yield
      }) : () -> ()
      %mul3A = arith.constant 384 : i32
      %mul3A_7 = arith.muli %arg1, %mul3A : i32
      %scan3A = arith.constant 0 : i32
      %scan3A_8 = arith.constant 24 : i32
      %scan3A_9 = arith.addi %scan3A, %scan3A_8 : i32
      %scan3A_10 = arith.constant 1 : i32
      scf.for %scan3A_17 = %scan3A to %scan3A_9 step %scan3A_10  : i32 {
        %mul3A_18 = arith.constant 1 : i32
        %mul3A_19 = arith.muli %scan3A_17, %mul3A_18 : i32
        %add3A = arith.constant 0 : i32
        %add3A_20 = arith.addi %add3A, %mul3A_19 : i32
        %dma_start3A = arith.constant 0 : i32
        %dma_start3A_21 = tpu.memref_slice %arg11[%add3A_20, %dma_start3A] : memref<24x128xi32, #tpu.memory_space<vmem>> -> memref<1x128xi32, #tpu.memory_space<vmem>>
        %dma_start3A_22 = tpu.memref_squeeze %dma_start3A_21 : memref<1x128xi32, #tpu.memory_space<vmem>> -> memref<128xi32, #tpu.memory_space<vmem>>
        %dma_start3A_23 = arith.constant 0 : i32
        %dma_start3A_24 = arith.constant 0 : i32
        %dma_start3A_25 = tpu.memref_slice %arg2[%dma_start3A_23, %dma_start3A_24] : memref<10240x128xf32, #tpu.memory_space<hbm>> -> memref<10240x128xf32, #tpu.memory_space<hbm>>
        tpu.enqueue_indirect_dma source(%dma_start3A_25 : memref<10240x128xf32, #tpu.memory_space<hbm>>) target(%arg13 : memref<128x128xf32, #tpu.memory_space<vmem>>) offsets(%dma_start3A_22 : memref<128xi32, #tpu.memory_space<vmem>>) semaphore(%arg16 : memref<!tpu.dma_semaphore, #tpu.memory_space<semaphore_mem>>)
        %dma_start3A_26 = arith.constant 0 : i32
        %dma_start3A_27 = tpu.memref_slice %arg12[%add3A_20, %dma_start3A_26] : memref<24x128xi32, #tpu.memory_space<vmem>> -> memref<1x128xi32, #tpu.memory_space<vmem>>
        %dma_start3A_28 = tpu.memref_squeeze %dma_start3A_27 : memref<1x128xi32, #tpu.memory_space<vmem>> -> memref<128xi32, #tpu.memory_space<vmem>>
        %dma_start3A_29 = arith.constant 0 : i32
        %dma_start3A_30 = arith.constant 0 : i32
        %dma_start3A_31 = tpu.memref_slice %arg2[%dma_start3A_29, %dma_start3A_30] : memref<10240x128xf32, #tpu.memory_space<hbm>> -> memref<10240x128xf32, #tpu.memory_space<hbm>>
        tpu.enqueue_indirect_dma source(%dma_start3A_31 : memref<10240x128xf32, #tpu.memory_space<hbm>>) target(%arg14 : memref<128x128xf32, #tpu.memory_space<vmem>>) offsets(%dma_start3A_28 : memref<128xi32, #tpu.memory_space<vmem>>) semaphore(%arg17 : memref<!tpu.dma_semaphore, #tpu.memory_space<semaphore_mem>>)
        %dma_wait3A = arith.constant 0 : i32
        %dma_wait3A_32 = tpu.memref_slice %arg11[%add3A_20, %dma_wait3A] : memref<24x128xi32, #tpu.memory_space<vmem>> -> memref<1x128xi32, #tpu.memory_space<vmem>>
        %dma_wait3A_33 = tpu.memref_squeeze %dma_wait3A_32 : memref<1x128xi32, #tpu.memory_space<vmem>> -> memref<128xi32, #tpu.memory_space<vmem>>
        %dma_wait3A_34 = arith.constant 0 : i32
        %dma_wait3A_35 = arith.constant 0 : i32
        %dma_wait3A_36 = tpu.memref_slice %arg2[%dma_wait3A_34, %dma_wait3A_35] : memref<10240x128xf32, #tpu.memory_space<hbm>> -> memref<10240x128xf32, #tpu.memory_space<hbm>>
        tpu.wait_indirect_dma semaphore(%arg16 : memref<!tpu.dma_semaphore, #tpu.memory_space<semaphore_mem>>) src(%dma_wait3A_36 : memref<10240x128xf32, #tpu.memory_space<hbm>>) dst(%arg13 : memref<128x128xf32, #tpu.memory_space<vmem>>)
        %dma_wait3A_37 = arith.constant 0 : i32
        %dma_wait3A_38 = tpu.memref_slice %arg12[%add3A_20, %dma_wait3A_37] : memref<24x128xi32, #tpu.memory_space<vmem>> -> memref<1x128xi32, #tpu.memory_space<vmem>>
        %dma_wait3A_39 = tpu.memref_squeeze %dma_wait3A_38 : memref<1x128xi32, #tpu.memory_space<vmem>> -> memref<128xi32, #tpu.memory_space<vmem>>
        %dma_wait3A_40 = arith.constant 0 : i32
        %dma_wait3A_41 = arith.constant 0 : i32
        %dma_wait3A_42 = tpu.memref_slice %arg2[%dma_wait3A_40, %dma_wait3A_41] : memref<10240x128xf32, #tpu.memory_space<hbm>> -> memref<10240x128xf32, #tpu.memory_space<hbm>>
        tpu.wait_indirect_dma semaphore(%arg17 : memref<!tpu.dma_semaphore, #tpu.memory_space<semaphore_mem>>) src(%dma_wait3A_42 : memref<10240x128xf32, #tpu.memory_space<hbm>>) dst(%arg14 : memref<128x128xf32, #tpu.memory_space<vmem>>)
        %rem3A = arith.constant 2 : i32
        %rem3A_43 = arith.remsi %add3A_20, %rem3A : i32
        %mul3A_44 = arith.constant 16 : i32
        %mul3A_45 = arith.muli %rem3A_43, %mul3A_44 : i32
        %ge3A = arith.constant 2 : i32
        %ge3A_46 = arith.cmpi sge, %add3A_20, %ge3A : i32
        %convert_element_type3A_47 = arith.extui %ge3A_46 : i1 to i32
        %cond3A_48 = arith.constant 0 : i32
        %cond3A_49 = arith.cmpi ne, %convert_element_type3A_47, %cond3A_48 : i32
        scf.if %cond3A_49 {
          %dma_wait3A_66 = arith.constant 0 : i32
          %dma_wait3A_67 = tpu.memref_slice %arg15[%mul3A_45, %dma_wait3A_66] : memref<32x128xf32, #tpu.memory_space<vmem>> -> memref<16x128xf32, #tpu.memory_space<vmem>>
          %dma_wait3A_68 = arith.constant 0 : i32
          %dma_wait3A_69 = tpu.memref_slice %arg8[%mul3A_7, %dma_wait3A_68] : memref<6144x128xf32, #tpu.memory_space<hbm>> -> memref<16x128xf32, #tpu.memory_space<hbm>>
          %dma_wait3A_70 = arith.constant 0 : i32
          %dma_wait3A_71 = tpu.memref_slice %arg8[%mul3A_7, %dma_wait3A_70] : memref<6144x128xf32, #tpu.memory_space<hbm>> -> memref<16x128xf32, #tpu.memory_space<hbm>>
          %dma_wait3A_72 = arith.constant 0 : i32
          %dma_wait3A_73 = tpu.memref_slice %arg15[%mul3A_45, %dma_wait3A_72] : memref<32x128xf32, #tpu.memory_space<vmem>> -> memref<16x128xf32, #tpu.memory_space<vmem>>
          tpu.wait_dma2 semaphore(%arg18 : memref<!tpu.dma_semaphore, #tpu.memory_space<semaphore_mem>>) src(%dma_wait3A_73 : memref<16x128xf32, #tpu.memory_space<vmem>>) dst(%dma_wait3A_71 : memref<16x128xf32, #tpu.memory_space<hbm>>)
        } else {
        }
        %scan3A_50 = arith.constant 0 : i32
        %scan3A_51 = arith.constant 128 : i32
        %scan3A_52 = arith.addi %scan3A_50, %scan3A_51 : i32
        %scan3A_53 = arith.constant 1 : i32
        scf.for %scan3A_66 = %scan3A_50 to %scan3A_52 step %scan3A_53  : i32 {
          %mul3A_67 = arith.constant 1 : i32
          %mul3A_68 = arith.muli %scan3A_66, %mul3A_67 : i32
          %add3A_69 = arith.constant 0 : i32
          %add3A_70 = arith.addi %add3A_69, %mul3A_68 : i32
          %get3A = arith.index_cast %add3A_70 : i32 to index
          %get3A_71 = arith.constant 0 : index
          %get3A_72 = tpu.vector_load %arg13[%get3A, %get3A_71] {strides = array<i32>} : memref<128x128xf32, #tpu.memory_space<vmem>>, vector<1x16xf32>,
          %get3A_73 = vector.shape_cast %get3A_72 : vector<1x16xf32> to vector<1x16xf32>
          %get3A_74 = arith.index_cast %add3A_70 : i32 to index
          %get3A_75 = arith.constant 0 : index
          %get3A_76 = tpu.vector_load %arg14[%get3A_74, %get3A_75] {strides = array<i32>} : memref<128x128xf32, #tpu.memory_space<vmem>>, vector<1x16xf32>,
          %get3A_77 = vector.shape_cast %get3A_76 : vector<1x16xf32> to vector<1x16xf32>
          %mul3A_78 = arith.mulf %get3A_73, %get3A_77 : vector<1x16xf32>
          %get3A_79 = arith.index_cast %add3A_70 : i32 to index
          %get3A_80 = arith.constant 16 : index
          %get3A_81 = tpu.vector_load %arg13[%get3A_79, %get3A_80] {strides = array<i32>} : memref<128x128xf32, #tpu.memory_space<vmem>>, vector<1x16xf32>,
          %get3A_82 = vector.shape_cast %get3A_81 : vector<1x16xf32> to vector<1x16xf32>
          %get3A_83 = arith.index_cast %add3A_70 : i32 to index
          %get3A_84 = arith.constant 16 : index
          %get3A_85 = tpu.vector_load %arg14[%get3A_83, %get3A_84] {strides = array<i32>} : memref<128x128xf32, #tpu.memory_space<vmem>>, vector<1x16xf32>,
          %get3A_86 = vector.shape_cast %get3A_85 : vector<1x16xf32> to vector<1x16xf32>
          %mul3A_87 = arith.mulf %get3A_82, %get3A_86 : vector<1x16xf32>
          %add3A_88 = arith.addf %mul3A_78, %mul3A_87 : vector<1x16xf32>
          %get3A_89 = arith.index_cast %add3A_70 : i32 to index
          %get3A_90 = arith.constant 32 : index
          %get3A_91 = tpu.vector_load %arg13[%get3A_89, %get3A_90] {strides = array<i32>} : memref<128x128xf32, #tpu.memory_space<vmem>>, vector<1x16xf32>,
          %get3A_92 = vector.shape_cast %get3A_91 : vector<1x16xf32> to vector<1x16xf32>
          %get3A_93 = arith.index_cast %add3A_70 : i32 to index
          %get3A_94 = arith.constant 32 : index
          %get3A_95 = tpu.vector_load %arg14[%get3A_93, %get3A_94] {strides = array<i32>} : memref<128x128xf32, #tpu.memory_space<vmem>>, vector<1x16xf32>,
          %get3A_96 = vector.shape_cast %get3A_95 : vector<1x16xf32> to vector<1x16xf32>
          %mul3A_97 = arith.mulf %get3A_92, %get3A_96 : vector<1x16xf32>
          %add3A_98 = arith.addf %add3A_88, %mul3A_97 : vector<1x16xf32>
          %get3A_99 = arith.index_cast %add3A_70 : i32 to index
          %get3A_100 = arith.constant 48 : index
          %get3A_101 = tpu.vector_load %arg13[%get3A_99, %get3A_100] {strides = array<i32>} : memref<128x128xf32, #tpu.memory_space<vmem>>, vector<1x16xf32>,
          %get3A_102 = vector.shape_cast %get3A_101 : vector<1x16xf32> to vector<1x16xf32>
          %get3A_103 = arith.index_cast %add3A_70 : i32 to index
          %get3A_104 = arith.constant 48 : index
          %get3A_105 = tpu.vector_load %arg14[%get3A_103, %get3A_104] {strides = array<i32>} : memref<128x128xf32, #tpu.memory_space<vmem>>, vector<1x16xf32>,
          %get3A_106 = vector.shape_cast %get3A_105 : vector<1x16xf32> to vector<1x16xf32>
          %mul3A_107 = arith.mulf %get3A_102, %get3A_106 : vector<1x16xf32>
          %add3A_108 = arith.addf %add3A_98, %mul3A_107 : vector<1x16xf32>
          %get3A_109 = arith.index_cast %add3A_70 : i32 to index
          %get3A_110 = arith.constant 64 : index
          %get3A_111 = tpu.vector_load %arg13[%get3A_109, %get3A_110] {strides = array<i32>} : memref<128x128xf32, #tpu.memory_space<vmem>>, vector<1x16xf32>,
          %get3A_112 = vector.shape_cast %get3A_111 : vector<1x16xf32> to vector<1x16xf32>
          %get3A_113 = arith.index_cast %add3A_70 : i32 to index
          %get3A_114 = arith.constant 64 : index
          %get3A_115 = tpu.vector_load %arg14[%get3A_113, %get3A_114] {strides = array<i32>} : memref<128x128xf32, #tpu.memory_space<vmem>>, vector<1x16xf32>,
          %get3A_116 = vector.shape_cast %get3A_115 : vector<1x16xf32> to vector<1x16xf32>
          %mul3A_117 = arith.mulf %get3A_112, %get3A_116 : vector<1x16xf32>
          %add3A_118 = arith.addf %add3A_108, %mul3A_117 : vector<1x16xf32>
          %get3A_119 = arith.index_cast %add3A_70 : i32 to index
          %get3A_120 = arith.constant 80 : index
          %get3A_121 = tpu.vector_load %arg13[%get3A_119, %get3A_120] {strides = array<i32>} : memref<128x128xf32, #tpu.memory_space<vmem>>, vector<1x16xf32>,
          %get3A_122 = vector.shape_cast %get3A_121 : vector<1x16xf32> to vector<1x16xf32>
          %get3A_123 = arith.index_cast %add3A_70 : i32 to index
          %get3A_124 = arith.constant 80 : index
          %get3A_125 = tpu.vector_load %arg14[%get3A_123, %get3A_124] {strides = array<i32>} : memref<128x128xf32, #tpu.memory_space<vmem>>, vector<1x16xf32>,
          %get3A_126 = vector.shape_cast %get3A_125 : vector<1x16xf32> to vector<1x16xf32>
          %mul3A_127 = arith.mulf %get3A_122, %get3A_126 : vector<1x16xf32>
          %add3A_128 = arith.addf %add3A_118, %mul3A_127 : vector<1x16xf32>
          %get3A_129 = arith.index_cast %add3A_70 : i32 to index
          %get3A_130 = arith.constant 96 : index
          %get3A_131 = tpu.vector_load %arg13[%get3A_129, %get3A_130] {strides = array<i32>} : memref<128x128xf32, #tpu.memory_space<vmem>>, vector<1x16xf32>,
          %get3A_132 = vector.shape_cast %get3A_131 : vector<1x16xf32> to vector<1x16xf32>
          %get3A_133 = arith.index_cast %add3A_70 : i32 to index
          %get3A_134 = arith.constant 96 : index
          %get3A_135 = tpu.vector_load %arg14[%get3A_133, %get3A_134] {strides = array<i32>} : memref<128x128xf32, #tpu.memory_space<vmem>>, vector<1x16xf32>,
          %get3A_136 = vector.shape_cast %get3A_135 : vector<1x16xf32> to vector<1x16xf32>
          %mul3A_137 = arith.mulf %get3A_132, %get3A_136 : vector<1x16xf32>
          %add3A_138 = arith.addf %add3A_128, %mul3A_137 : vector<1x16xf32>
          %get3A_139 = arith.index_cast %add3A_70 : i32 to index
          %get3A_140 = arith.constant 112 : index
          %get3A_141 = tpu.vector_load %arg13[%get3A_139, %get3A_140] {strides = array<i32>} : memref<128x128xf32, #tpu.memory_space<vmem>>, vector<1x16xf32>,
          %get3A_142 = vector.shape_cast %get3A_141 : vector<1x16xf32> to vector<1x16xf32>
          %get3A_143 = arith.index_cast %add3A_70 : i32 to index
          %get3A_144 = arith.constant 112 : index
          %get3A_145 = tpu.vector_load %arg14[%get3A_143, %get3A_144] {strides = array<i32>} : memref<128x128xf32, #tpu.memory_space<vmem>>, vector<1x16xf32>,
          %get3A_146 = vector.shape_cast %get3A_145 : vector<1x16xf32> to vector<1x16xf32>
          %mul3A_147 = arith.mulf %get3A_142, %get3A_146 : vector<1x16xf32>
          %add3A_148 = arith.addf %add3A_138, %mul3A_147 : vector<1x16xf32>
          %jit3A = arith.constant 8 : i32
          %div3A = arith.divsi %add3A_70, %jit3A : i32
          %sign3A = arith.constant 0 : i32
          %sign3A_149 = arith.cmpi sgt, %add3A_70, %sign3A : i32
          %sign3A_150 = arith.extui %sign3A_149 : i1 to i32
          %sign3A_151 = arith.constant 0 : i32
          %sign3A_152 = arith.cmpi slt, %add3A_70, %sign3A_151 : i32
          %sign3A_153 = arith.extui %sign3A_152 : i1 to i32
          %sign3A_154 = arith.subi %sign3A_150, %sign3A_153 : i32
          %sign3A_155 = arith.constant 0 : i32
          %sign3A_156 = arith.cmpi sgt, %jit3A, %sign3A_155 : i32
          %sign3A_157 = arith.extui %sign3A_156 : i1 to i32
          %sign3A_158 = arith.constant 0 : i32
          %sign3A_159 = arith.cmpi slt, %jit3A, %sign3A_158 : i32
          %sign3A_160 = arith.extui %sign3A_159 : i1 to i32
          %sign3A_161 = arith.subi %sign3A_157, %sign3A_160 : i32
          %ne3A = arith.cmpi ne, %sign3A_154, %sign3A_161 : i32
          %rem3A_162 = arith.remsi %add3A_70, %jit3A : i32
          %ne3A_163 = arith.constant 0 : i32
          %ne3A_164 = arith.cmpi ne, %rem3A_162, %ne3A_163 : i32
          %and3A = arith.andi %ne3A, %ne3A_164 : i1
          %sub3A = arith.constant 1 : i32
          %sub3A_165 = arith.subi %div3A, %sub3A : i32
          %select_n3A = arith.select %and3A, %sub3A_165, %div3A : i32
          %add3A_166 = arith.addi %mul3A_45, %select_n3A : i32
          %jit3A_167 = arith.constant 8 : i32
          %eq3A_168 = arith.constant 0 : i32
          %eq3A_169 = arith.cmpi eq, %jit3A_167, %eq3A_168 : i32
          %jit3A_170 = arith.constant 1 : i32
          %select_n3A_171 = arith.select %eq3A_169, %jit3A_170, %jit3A_167 : i32
          %rem3A_172 = arith.remsi %add3A_70, %select_n3A_171 : i32
          %ne3A_173 = arith.constant 0 : i32
          %ne3A_174 = arith.cmpi ne, %rem3A_172, %ne3A_173 : i32
          %lt3A = arith.constant 0 : i32
          %lt3A_175 = arith.cmpi slt, %rem3A_172, %lt3A : i32
          %lt3A_176 = arith.constant 0 : i32
          %lt3A_177 = arith.cmpi slt, %select_n3A_171, %lt3A_176 : i32
          %ne3A_178 = arith.xori %lt3A_175, %lt3A_177 : i1
          %and3A_179 = arith.andi %ne3A_178, %ne3A_174 : i1
          %add3A_180 = arith.addi %rem3A_172, %select_n3A_171 : i32
          %select_n3A_181 = arith.select %and3A_179, %add3A_180, %rem3A_172 : i32
          %mul3A_182 = arith.constant 16 : i32
          %mul3A_183 = arith.muli %select_n3A_181, %mul3A_182 : i32
          %swap3A = arith.index_cast %add3A_166 : i32 to index
          %swap3A_184 = arith.index_cast %mul3A_183 : i32 to index
          %swap3A_185 = tpu.vector_load %arg15[%swap3A, %swap3A_184] {strides = array<i32>} : memref<32x128xf32, #tpu.memory_space<vmem>>, vector<1x16xf32>,
          %swap3A_186 = vector.shape_cast %swap3A_185 : vector<1x16xf32> to vector<1x16xf32>
          %swap3A_187 = vector.shape_cast %add3A_148 : vector<1x16xf32> to vector<1x16xf32>
          tpu.vector_store %arg15[%swap3A, %swap3A_184], %swap3A_187 {strides = array<i32>} : memref<32x128xf32, #tpu.memory_space<vmem>>, vector<1x16xf32>,
        }
        %scan3A_54 = arith.constant 128 : i32
        %mul3A_55 = arith.constant 16 : i32
        %mul3A_56 = arith.muli %add3A_20, %mul3A_55 : i32
        %add3A_57 = arith.addi %mul3A_7, %mul3A_56 : i32
        %dma_start3A_58 = arith.constant 0 : i32
        %dma_start3A_59 = tpu.memref_slice %arg15[%mul3A_45, %dma_start3A_58] : memref<32x128xf32, #tpu.memory_space<vmem>> -> memref<16x128xf32, #tpu.memory_space<vmem>>
        %dma_start3A_60 = arith.constant 0 : i32
        %dma_start3A_61 = tpu.memref_slice %arg8[%add3A_57, %dma_start3A_60] : memref<6144x128xf32, #tpu.memory_space<hbm>> -> memref<16x128xf32, #tpu.memory_space<hbm>>
        %dma_start3A_62 = arith.constant 0 : i32
        %dma_start3A_63 = tpu.memref_slice %arg8[%add3A_57, %dma_start3A_62] : memref<6144x128xf32, #tpu.memory_space<hbm>> -> memref<16x128xf32, #tpu.memory_space<hbm>>
        %dma_start3A_64 = arith.constant 0 : i32
        %dma_start3A_65 = tpu.memref_slice %arg15[%mul3A_45, %dma_start3A_64] : memref<32x128xf32, #tpu.memory_space<vmem>> -> memref<16x128xf32, #tpu.memory_space<vmem>>
        tpu.enqueue_dma source(%dma_start3A_65 : memref<16x128xf32, #tpu.memory_space<vmem>>) target(%dma_start3A_63 : memref<16x128xf32, #tpu.memory_space<hbm>>) target_semaphore(%arg18 : memref<!tpu.dma_semaphore, #tpu.memory_space<semaphore_mem>>)
      }
      %scan3A_11 = arith.constant 24 : i32
      %scan3A_12 = arith.constant 0 : i32
      %scan3A_13 = arith.constant 2 : i32
      %scan3A_14 = arith.addi %scan3A_12, %scan3A_13 : i32
      %scan3A_15 = arith.constant 1 : i32
      scf.for %scan3A_17 = %scan3A_12 to %scan3A_14 step %scan3A_15  : i32 {
        %mul3A_18 = arith.constant 1 : i32
        %mul3A_19 = arith.muli %scan3A_17, %mul3A_18 : i32
        %add3A = arith.constant 0 : i32
        %add3A_20 = arith.addi %add3A, %mul3A_19 : i32
        %dma_wait3A = arith.constant 0 : i32
        %dma_wait3A_21 = arith.constant 0 : i32
        %dma_wait3A_22 = tpu.memref_slice %arg15[%dma_wait3A, %dma_wait3A_21] : memref<32x128xf32, #tpu.memory_space<vmem>> -> memref<16x128xf32, #tpu.memory_space<vmem>>
        %dma_wait3A_23 = arith.constant 0 : i32
        %dma_wait3A_24 = tpu.memref_slice %arg8[%mul3A_7, %dma_wait3A_23] : memref<6144x128xf32, #tpu.memory_space<hbm>> -> memref<16x128xf32, #tpu.memory_space<hbm>>
        %dma_wait3A_25 = arith.constant 0 : i32
        %dma_wait3A_26 = tpu.memref_slice %arg8[%mul3A_7, %dma_wait3A_25] : memref<6144x128xf32, #tpu.memory_space<hbm>> -> memref<16x128xf32, #tpu.memory_space<hbm>>
        %dma_wait3A_27 = arith.constant 0 : i32
        %dma_wait3A_28 = arith.constant 0 : i32
        %dma_wait3A_29 = tpu.memref_slice %arg15[%dma_wait3A_27, %dma_wait3A_28] : memref<32x128xf32, #tpu.memory_space<vmem>> -> memref<16x128xf32, #tpu.memory_space<vmem>>
        tpu.wait_dma2 semaphore(%arg18 : memref<!tpu.dma_semaphore, #tpu.memory_space<semaphore_mem>>) src(%dma_wait3A_29 : memref<16x128xf32, #tpu.memory_space<vmem>>) dst(%dma_wait3A_26 : memref<16x128xf32, #tpu.memory_space<hbm>>)
      }
      %scan3A_16 = arith.constant 2 : i32
    } else {
    }
    return
  }
}

module attributes {stable_mosaic.version = 14 : i64} {
  func.func @body(%arg0: i32, %arg1: memref<2560x16xf32, #tpu.memory_space<vmem>>, %arg2: memref<2560x16xf32, #tpu.memory_space<vmem>>, %arg3: memref<2560x128xf32, #tpu.memory_space<vmem>>, %arg4: memref<2560x128xf32, #tpu.memory_space<vmem>>) attributes {dimension_semantics = [#tpu.dimension_semantics<arbitrary>], iteration_bounds = array<i64: 4>, scalar_prefetch = 0 : i64, scratch_operands = 0 : i64, tpu.core_type = #tpu.core_type<tc>, window_params = [{transform_indices = @transform_0, window_bounds = array<i64: 2560, 16>}, {transform_indices = @transform_1, window_bounds = array<i64: 2560, 16>}, {transform_indices = @transform_2, window_bounds = array<i64: 2560, 128>}, {transform_indices = @transform_3, window_bounds = array<i64: 2560, 128>}]} {
    %get3A = arith.constant 0 : index
    %get3A_0 = arith.constant 0 : index
    %get3A_1 = vector.load %arg3[%get3A, %get3A_0] : memref<2560x128xf32, #tpu.memory_space<vmem>>, vector<2560x128xf32>
    %get3A_2 = arith.constant 0 : index
    %get3A_3 = arith.constant 0 : index
    %get3A_4 = vector.load %arg1[%get3A_2, %get3A_3] : memref<2560x16xf32, #tpu.memory_space<vmem>>, vector<2560x1xf32>
    %get3A_5 = arith.constant 0 : index
    %get3A_6 = arith.constant 0 : index
    %get3A_7 = vector.load %arg2[%get3A_5, %get3A_6] : memref<2560x16xf32, #tpu.memory_space<vmem>>, vector<2560x1xf32>
    %add3A = arith.addf %get3A_4, %get3A_7 : vector<2560x1xf32>
    %add3A_8 = arith.constant 1.000000e+00 : f32
    %add3A_9 = vector.broadcast %add3A_8 : f32 to vector<2560x1xf32>
    %add3A_10 = arith.addf %add3A, %add3A_9 : vector<2560x1xf32>
    %rsqrt3A = math.rsqrt %add3A_10 : vector<2560x1xf32>
    %mul3A = vector.broadcast %rsqrt3A : vector<2560x1xf32> to vector<2560x128xf32>
    %mul3A_11 = arith.mulf %get3A_1, %mul3A : vector<2560x128xf32>
    %swap3A = arith.constant 0 : index
    %swap3A_12 = arith.constant 0 : index
    %swap3A_13 = vector.load %arg4[%swap3A, %swap3A_12] : memref<2560x128xf32, #tpu.memory_space<vmem>>, vector<2560x128xf32>
    tpu.vector_store %arg4[%swap3A, %swap3A_12], %mul3A_11 {strides = array<i32>} : memref<2560x128xf32, #tpu.memory_space<vmem>>, vector<2560x128xf32>,
    return
  }
  func.func @transform_0(%arg0: i32) -> (i32, i32) {
    %c0_i32 = arith.constant 0 : i32
    %c0_i32_0 = arith.constant 0 : i32
    return %arg0, %c0_i32 : i32, i32
  }
  func.func @transform_1(%arg0: i32) -> (i32, i32) {
    %c0_i32 = arith.constant 0 : i32
    %c0_i32_0 = arith.constant 0 : i32
    return %arg0, %c0_i32 : i32, i32
  }
  func.func @transform_2(%arg0: i32) -> (i32, i32) {
    %c0_i32 = arith.constant 0 : i32
    %c0_i32_0 = arith.constant 0 : i32
    return %arg0, %c0_i32 : i32, i32
  }
  func.func @transform_3(%arg0: i32) -> (i32, i32) {
    %c0_i32 = arith.constant 0 : i32
    %c0_i32_0 = arith.constant 0 : i32
    return %arg0, %c0_i32 : i32, i32
  }
}

module attributes {stable_mosaic.version = 14 : i64} {
  func.func @body(%arg0: i32, %arg1: memref<2560x128xf32, #tpu.memory_space<vmem>>, %arg2: memref<2560x128xf32, #tpu.memory_space<vmem>>, %arg3: memref<2560x128xf32, #tpu.memory_space<vmem>>, %arg4: memref<2560x16xf32, #tpu.memory_space<vmem>>, %arg5: memref<2560x16xf32, #tpu.memory_space<vmem>>, %arg6: memref<128x128xf32, #tpu.memory_space<vmem>>, %arg7: memref<1x128xf32, #tpu.memory_space<vmem>>, %arg8: memref<2560x128xf32, #tpu.memory_space<vmem>>) attributes {dimension_semantics = [#tpu.dimension_semantics<arbitrary>], iteration_bounds = array<i64: 4>, scalar_prefetch = 0 : i64, scratch_operands = 0 : i64, tpu.core_type = #tpu.core_type<tc>, window_params = [{transform_indices = @transform_0, window_bounds = array<i64: 2560, 128>}, {transform_indices = @transform_1, window_bounds = array<i64: 2560, 128>}, {transform_indices = @transform_2, window_bounds = array<i64: 2560, 128>}, {transform_indices = @transform_3, window_bounds = array<i64: 2560, 16>}, {transform_indices = @transform_4, window_bounds = array<i64: 2560, 16>}, {pipeline_mode = #tpu.pipeline_mode<synchronous>, transform_indices = @transform_5, window_bounds = array<i64: 128, 128>}, {pipeline_mode = #tpu.pipeline_mode<synchronous>, transform_indices = @transform_6, window_bounds = array<i64: 1, 128>}, {transform_indices = @transform_7, window_bounds = array<i64: 2560, 128>}]} {
    %get3A = arith.constant 0 : index
    %get3A_0 = arith.constant 0 : index
    %get3A_1 = vector.load %arg4[%get3A, %get3A_0] : memref<2560x16xf32, #tpu.memory_space<vmem>>, vector<2560x1xf32>
    %get3A_2 = arith.constant 0 : index
    %get3A_3 = arith.constant 0 : index
    %get3A_4 = vector.load %arg5[%get3A_2, %get3A_3] : memref<2560x16xf32, #tpu.memory_space<vmem>>, vector<2560x1xf32>
    %add3A = arith.addf %get3A_1, %get3A_4 : vector<2560x1xf32>
    %add3A_5 = arith.constant 1.000000e+00 : f32
    %add3A_6 = vector.broadcast %add3A_5 : f32 to vector<2560x1xf32>
    %add3A_7 = arith.addf %add3A, %add3A_6 : vector<2560x1xf32>
    %rsqrt3A = math.rsqrt %add3A_7 : vector<2560x1xf32>
    %get3A_8 = arith.constant 0 : index
    %get3A_9 = arith.constant 0 : index
    %get3A_10 = vector.load %arg1[%get3A_8, %get3A_9] : memref<2560x128xf32, #tpu.memory_space<vmem>>, vector<2560x128xf32>
    %get3A_11 = arith.constant 0 : index
    %get3A_12 = arith.constant 0 : index
    %get3A_13 = vector.load %arg2[%get3A_11, %get3A_12] : memref<2560x128xf32, #tpu.memory_space<vmem>>, vector<2560x128xf32>
    %add3A_14 = arith.addf %get3A_10, %get3A_13 : vector<2560x128xf32>
    %get3A_15 = arith.constant 0 : index
    %get3A_16 = arith.constant 0 : index
    %get3A_17 = vector.load %arg3[%get3A_15, %get3A_16] : memref<2560x128xf32, #tpu.memory_space<vmem>>, vector<2560x128xf32>
    %add3A_18 = arith.addf %add3A_14, %get3A_17 : vector<2560x128xf32>
    %mul3A = vector.broadcast %rsqrt3A : vector<2560x1xf32> to vector<2560x128xf32>
    %mul3A_19 = arith.mulf %add3A_18, %mul3A : vector<2560x128xf32>
    %get3A_20 = arith.constant 0 : index
    %get3A_21 = arith.constant 0 : index
    %get3A_22 = vector.load %arg6[%get3A_20, %get3A_21] : memref<128x128xf32, #tpu.memory_space<vmem>>, vector<128x128xf32>
    %dot_general3A = arith.constant dense<0.000000e+00> : vector<2560x128xf32>
    %dot_general3A_23 = tpu.matmul %mul3A_19, %get3A_22, %dot_general3A {dimension_numbers = #tpu.dot_dimension_numbers<[1], [0], [0], [1], [0, 0, 1, 1], [], []>, precision = #tpu.contract_precision<fp32>, transpose_lhs_hint = false} : vector<2560x128xf32>, vector<128x128xf32>, vector<2560x128xf32> -> vector<2560x128xf32>
    %get3A_24 = arith.constant 0 : index
    %get3A_25 = arith.constant 0 : index
    %get3A_26 = vector.load %arg7[%get3A_24, %get3A_25] : memref<1x128xf32, #tpu.memory_space<vmem>>, vector<1x128xf32>
    %add3A_27 = vector.broadcast %get3A_26 : vector<1x128xf32> to vector<2560x128xf32>
    %add3A_28 = arith.addf %dot_general3A_23, %add3A_27 : vector<2560x128xf32>
    %max3A = arith.constant 0.000000e+00 : f32
    %max3A_29 = vector.broadcast %max3A : f32 to vector<2560x128xf32>
    %max3A_30 = arith.maximumf %add3A_28, %max3A_29 : vector<2560x128xf32>
    %mul3A_31 = vector.broadcast %rsqrt3A : vector<2560x1xf32> to vector<2560x128xf32>
    %mul3A_32 = arith.mulf %max3A_30, %mul3A_31 : vector<2560x128xf32>
    %swap3A = arith.constant 0 : index
    %swap3A_33 = arith.constant 0 : index
    %swap3A_34 = vector.load %arg8[%swap3A, %swap3A_33] : memref<2560x128xf32, #tpu.memory_space<vmem>>, vector<2560x128xf32>
    tpu.vector_store %arg8[%swap3A, %swap3A_33], %mul3A_32 {strides = array<i32>} : memref<2560x128xf32, #tpu.memory_space<vmem>>, vector<2560x128xf32>,
    return
  }
  func.func @transform_0(%arg0: i32) -> (i32, i32) {
    %c0_i32 = arith.constant 0 : i32
    %c0_i32_0 = arith.constant 0 : i32
    return %arg0, %c0_i32 : i32, i32
  }
  func.func @transform_1(%arg0: i32) -> (i32, i32) {
    %c0_i32 = arith.constant 0 : i32
    %c0_i32_0 = arith.constant 0 : i32
    return %arg0, %c0_i32 : i32, i32
  }
  func.func @transform_2(%arg0: i32) -> (i32, i32) {
    %c0_i32 = arith.constant 0 : i32
    %c0_i32_0 = arith.constant 0 : i32
    return %arg0, %c0_i32 : i32, i32
  }
  func.func @transform_3(%arg0: i32) -> (i32, i32) {
    %c0_i32 = arith.constant 0 : i32
    %c0_i32_0 = arith.constant 0 : i32
    return %arg0, %c0_i32 : i32, i32
  }
  func.func @transform_4(%arg0: i32) -> (i32, i32) {
    %c0_i32 = arith.constant 0 : i32
    %c0_i32_0 = arith.constant 0 : i32
    return %arg0, %c0_i32 : i32, i32
  }
  func.func @transform_5(%arg0: i32) -> (i32, i32) {
    %c0_i32 = arith.constant 0 : i32
    %c0_i32_0 = arith.constant 0 : i32
    %c0_i32_1 = arith.constant 0 : i32
    return %c0_i32, %c0_i32_0 : i32, i32
  }
  func.func @transform_6(%arg0: i32) -> (i32, i32) {
    %c0_i32 = arith.constant 0 : i32
    %c0_i32_0 = arith.constant 0 : i32
    %c0_i32_1 = arith.constant 0 : i32
    return %c0_i32, %c0_i32_0 : i32, i32
  }
  func.func @transform_7(%arg0: i32) -> (i32, i32) {
    %c0_i32 = arith.constant 0 : i32
    %c0_i32_0 = arith.constant 0 : i32
    return %arg0, %c0_i32 : i32, i32
  }
}

module attributes {stable_mosaic.version = 14 : i64} {
  func.func @body(%arg0: i32, %arg1: memref<2560x128xf32, #tpu.memory_space<vmem>>, %arg2: memref<2560x128xf32, #tpu.memory_space<vmem>>, %arg3: memref<2560x128xf32, #tpu.memory_space<vmem>>, %arg4: memref<2560x16xf32, #tpu.memory_space<vmem>>, %arg5: memref<2560x16xf32, #tpu.memory_space<vmem>>, %arg6: memref<128x128xf32, #tpu.memory_space<vmem>>, %arg7: memref<1x128xf32, #tpu.memory_space<vmem>>, %arg8: memref<2560x128xf32, #tpu.memory_space<vmem>>, %arg9: memref<2560x128xf32, #tpu.memory_space<vmem>>) attributes {dimension_semantics = [#tpu.dimension_semantics<arbitrary>], iteration_bounds = array<i64: 4>, scalar_prefetch = 0 : i64, scratch_operands = 0 : i64, tpu.core_type = #tpu.core_type<tc>, window_params = [{transform_indices = @transform_0, window_bounds = array<i64: 2560, 128>}, {transform_indices = @transform_1, window_bounds = array<i64: 2560, 128>}, {transform_indices = @transform_2, window_bounds = array<i64: 2560, 128>}, {transform_indices = @transform_3, window_bounds = array<i64: 2560, 16>}, {transform_indices = @transform_4, window_bounds = array<i64: 2560, 16>}, {pipeline_mode = #tpu.pipeline_mode<synchronous>, transform_indices = @transform_5, window_bounds = array<i64: 128, 128>}, {pipeline_mode = #tpu.pipeline_mode<synchronous>, transform_indices = @transform_6, window_bounds = array<i64: 1, 128>}, {transform_indices = @transform_7, window_bounds = array<i64: 2560, 128>}, {transform_indices = @transform_8, window_bounds = array<i64: 2560, 128>}]} {
    %get3A = arith.constant 0 : index
    %get3A_0 = arith.constant 0 : index
    %get3A_1 = vector.load %arg4[%get3A, %get3A_0] : memref<2560x16xf32, #tpu.memory_space<vmem>>, vector<2560x1xf32>
    %get3A_2 = arith.constant 0 : index
    %get3A_3 = arith.constant 0 : index
    %get3A_4 = vector.load %arg5[%get3A_2, %get3A_3] : memref<2560x16xf32, #tpu.memory_space<vmem>>, vector<2560x1xf32>
    %add3A = arith.addf %get3A_1, %get3A_4 : vector<2560x1xf32>
    %add3A_5 = arith.constant 1.000000e+00 : f32
    %add3A_6 = vector.broadcast %add3A_5 : f32 to vector<2560x1xf32>
    %add3A_7 = arith.addf %add3A, %add3A_6 : vector<2560x1xf32>
    %rsqrt3A = math.rsqrt %add3A_7 : vector<2560x1xf32>
    %get3A_8 = arith.constant 0 : index
    %get3A_9 = arith.constant 0 : index
    %get3A_10 = vector.load %arg1[%get3A_8, %get3A_9] : memref<2560x128xf32, #tpu.memory_space<vmem>>, vector<2560x128xf32>
    %get3A_11 = arith.constant 0 : index
    %get3A_12 = arith.constant 0 : index
    %get3A_13 = vector.load %arg2[%get3A_11, %get3A_12] : memref<2560x128xf32, #tpu.memory_space<vmem>>, vector<2560x128xf32>
    %add3A_14 = arith.addf %get3A_10, %get3A_13 : vector<2560x128xf32>
    %get3A_15 = arith.constant 0 : index
    %get3A_16 = arith.constant 0 : index
    %get3A_17 = vector.load %arg3[%get3A_15, %get3A_16] : memref<2560x128xf32, #tpu.memory_space<vmem>>, vector<2560x128xf32>
    %add3A_18 = arith.addf %add3A_14, %get3A_17 : vector<2560x128xf32>
    %mul3A = vector.broadcast %rsqrt3A : vector<2560x1xf32> to vector<2560x128xf32>
    %mul3A_19 = arith.mulf %add3A_18, %mul3A : vector<2560x128xf32>
    %swap3A = arith.constant 0 : index
    %swap3A_20 = arith.constant 0 : index
    %swap3A_21 = vector.load %arg8[%swap3A, %swap3A_20] : memref<2560x128xf32, #tpu.memory_space<vmem>>, vector<2560x128xf32>
    tpu.vector_store %arg8[%swap3A, %swap3A_20], %mul3A_19 {strides = array<i32>} : memref<2560x128xf32, #tpu.memory_space<vmem>>, vector<2560x128xf32>,
    %get3A_22 = arith.constant 0 : index
    %get3A_23 = arith.constant 0 : index
    %get3A_24 = vector.load %arg6[%get3A_22, %get3A_23] : memref<128x128xf32, #tpu.memory_space<vmem>>, vector<128x128xf32>
    %dot_general3A = arith.constant dense<0.000000e+00> : vector<2560x128xf32>
    %dot_general3A_25 = tpu.matmul %mul3A_19, %get3A_24, %dot_general3A {dimension_numbers = #tpu.dot_dimension_numbers<[1], [0], [0], [1], [0, 0, 1, 1], [], []>, precision = #tpu.contract_precision<fp32>, transpose_lhs_hint = false} : vector<2560x128xf32>, vector<128x128xf32>, vector<2560x128xf32> -> vector<2560x128xf32>
    %get3A_26 = arith.constant 0 : index
    %get3A_27 = arith.constant 0 : index
    %get3A_28 = vector.load %arg7[%get3A_26, %get3A_27] : memref<1x128xf32, #tpu.memory_space<vmem>>, vector<1x128xf32>
    %add3A_29 = vector.broadcast %get3A_28 : vector<1x128xf32> to vector<2560x128xf32>
    %add3A_30 = arith.addf %dot_general3A_25, %add3A_29 : vector<2560x128xf32>
    %swap3A_31 = arith.constant 0 : index
    %swap3A_32 = arith.constant 0 : index
    %swap3A_33 = vector.load %arg9[%swap3A_31, %swap3A_32] : memref<2560x128xf32, #tpu.memory_space<vmem>>, vector<2560x128xf32>
    tpu.vector_store %arg9[%swap3A_31, %swap3A_32], %add3A_30 {strides = array<i32>} : memref<2560x128xf32, #tpu.memory_space<vmem>>, vector<2560x128xf32>,
    return
  }
  func.func @transform_0(%arg0: i32) -> (i32, i32) {
    %c0_i32 = arith.constant 0 : i32
    %c0_i32_0 = arith.constant 0 : i32
    return %arg0, %c0_i32 : i32, i32
  }
  func.func @transform_1(%arg0: i32) -> (i32, i32) {
    %c0_i32 = arith.constant 0 : i32
    %c0_i32_0 = arith.constant 0 : i32
    return %arg0, %c0_i32 : i32, i32
  }
  func.func @transform_2(%arg0: i32) -> (i32, i32) {
    %c0_i32 = arith.constant 0 : i32
    %c0_i32_0 = arith.constant 0 : i32
    return %arg0, %c0_i32 : i32, i32
  }
  func.func @transform_3(%arg0: i32) -> (i32, i32) {
    %c0_i32 = arith.constant 0 : i32
    %c0_i32_0 = arith.constant 0 : i32
    return %arg0, %c0_i32 : i32, i32
  }
  func.func @transform_4(%arg0: i32) -> (i32, i32) {
    %c0_i32 = arith.constant 0 : i32
    %c0_i32_0 = arith.constant 0 : i32
    return %arg0, %c0_i32 : i32, i32
  }
  func.func @transform_5(%arg0: i32) -> (i32, i32) {
    %c0_i32 = arith.constant 0 : i32
    %c0_i32_0 = arith.constant 0 : i32
    %c0_i32_1 = arith.constant 0 : i32
    return %c0_i32, %c0_i32_0 : i32, i32
  }
  func.func @transform_6(%arg0: i32) -> (i32, i32) {
    %c0_i32 = arith.constant 0 : i32
    %c0_i32_0 = arith.constant 0 : i32
    %c0_i32_1 = arith.constant 0 : i32
    return %c0_i32, %c0_i32_0 : i32, i32
  }
  func.func @transform_7(%arg0: i32) -> (i32, i32) {
    %c0_i32 = arith.constant 0 : i32
    %c0_i32_0 = arith.constant 0 : i32
    return %arg0, %c0_i32 : i32, i32
  }
  func.func @transform_8(%arg0: i32) -> (i32, i32) {
    %c0_i32 = arith.constant 0 : i32
    %c0_i32_0 = arith.constant 0 : i32
    return %arg0, %c0_i32 : i32, i32
  }
}

module attributes {stable_mosaic.version = 14 : i64} {
  func.func @body(%arg0: i32, %arg1: memref<224x128x16xf32, #tpu.memory_space<vmem>>, %arg2: memref<224x128xf32, #tpu.memory_space<vmem>>) attributes {dimension_semantics = [#tpu.dimension_semantics<arbitrary>], iteration_bounds = array<i64: 4>, scalar_prefetch = 0 : i64, scratch_operands = 0 : i64, tpu.core_type = #tpu.core_type<tc>, window_params = [{transform_indices = @transform_0, window_bounds = array<i64: 224, 128, 16>}, {transform_indices = @transform_1, window_bounds = array<i64: 224, 128>}]} {
    %get3A = arith.constant 0 : index
    %get3A_0 = arith.constant 0 : index
    %get3A_1 = arith.constant 0 : index
    %get3A_2 = vector.load %arg1[%get3A, %get3A_0, %get3A_1] : memref<224x128x16xf32, #tpu.memory_space<vmem>>, vector<224x128x16xf32>
    %reduce_sum3A = arith.constant dense<0.000000e+00> : vector<224x128xf32>
    %reduce_sum3A_3 = vector.multi_reduction <add>, %get3A_2, %reduce_sum3A [2] : vector<224x128x16xf32> to vector<224x128xf32>
    %logistic3A = arith.negf %reduce_sum3A_3 : vector<224x128xf32>
    %logistic3A_4 = math.exp %logistic3A : vector<224x128xf32>
    %logistic3A_5 = arith.constant 1.000000e+00 : f32
    %logistic3A_6 = vector.broadcast %logistic3A_5 : f32 to vector<224x128xf32>
    %logistic3A_7 = arith.addf %logistic3A_6, %logistic3A_4 : vector<224x128xf32>
    %logistic3A_8 = arith.divf %logistic3A_6, %logistic3A_7 : vector<224x128xf32>
    %swap3A = arith.constant 0 : index
    %swap3A_9 = arith.constant 0 : index
    %swap3A_10 = vector.load %arg2[%swap3A, %swap3A_9] : memref<224x128xf32, #tpu.memory_space<vmem>>, vector<224x128xf32>
    tpu.vector_store %arg2[%swap3A, %swap3A_9], %logistic3A_8 {strides = array<i32>} : memref<224x128xf32, #tpu.memory_space<vmem>>, vector<224x128xf32>,
    return
  }
  func.func @transform_0(%arg0: i32) -> (i32, i32, i32) {
    %c0_i32 = arith.constant 0 : i32
    %c0_i32_0 = arith.constant 0 : i32
    %c0_i32_1 = arith.constant 0 : i32
    return %arg0, %c0_i32, %c0_i32_0 : i32, i32, i32
  }
  func.func @transform_1(%arg0: i32) -> (i32, i32) {
    %c0_i32 = arith.constant 0 : i32
    %c0_i32_0 = arith.constant 0 : i32
    return %arg0, %c0_i32 : i32, i32
  }
}

</mosaic_0001>

<sc_bundles>
// kernel: sc_decode.3.cloned.1.call-start
scs
__scs_entry_jumppad:
0x0: {  	(pc) =	sbr.rel $0x88, $3  }
0x1: {  	(tag) =	ssettag $0x0;
	lr =	simm.s32 $0x1  }
0x2: {  	[smem:$0x3F9A] =	sst lr;
	_ =	strace $0xD0000000  }
0x3: {  	_ = 	snop  }
0x4: {  	_ = 	snop  }
0x5: {  	_ = 	snop  }
0x6: {  	_ = 	snop  }
0x7: {  	_ = 	snop  }
__scs_overlays_trampoline_lowered:
0x8: {  	[smem:$0x3FA9] =	sst s0  }
0x9: {  	[smem:$0x3FAA] =	sst s1  }
0xa: {  	[smem:$0x3FAB] =	sst s2  }
0xb: {  	[smem:$0x3FAC] =	sst s3  }
0xc: {  	[smem:$0x3FAD] =	sst s4  }
0xd: {  	[smem:$0x3FAE] =	sst s5  }
0xe: {  	[smem:$0x3FAF] =	sst s6  }
0xf: {  	[smem:$0x3FB0] =	sst s7  }
0x10: {  	[smem:$0x3FB1] =	sst s8  }
0x11: {  	[smem:$0x3FB2] =	sst s9;
	s0 =	simm.s32 @!p0 $0x0  }
0x12: {  	s1 =	sld [smem:$0x3F98];
	s0 =	simm.s32 @p0 $0x1  }
0x13: {  	[smem:$0x3FB3] =	sst s0;
	s0 =	simm.s32 @!p1 $0x0  }
0x14: {  	s2 =	sld [smem:$0x3F97];
	s0 =	simm.s32 @p1 $0x1  }
0x15: {  	[smem:$0x3FB4] =	sst s0;
	s0 =	simm.s32 @!p2 $0x0  }
0x16: {  	s3 =	sld [smem:$0x3FDB];
	s0 =	simm.s32 @p2 $0x1  }
0x17: {  	s4 =	simm.s32 $0x1BF5;
	[smem:$0x3FB6] =	sst s0  }
0x18: {  	s0 =	sld [smem:$0x3F99];
	_ =	swait.ge [sflag:s4], $0x0  }
0x19: {  	s7 =	sld [smem:$0x3F9A]  }
0x1a: {  	s8 =	sadd.s32 $0xFFFFE003, lr  }
0x1b: {  	s9 =	sadd.s32 $0xFFFFFEF7, lr;
	s5 =	simm.s32 $0xFFFFFFFF;
	p2 =	slt.u32 s8, $0xFFFFF086  }
0x1c: {  	p1 =	slt.u32 s9, $0xF7A;
	s5 =	simm.s32 @!p2 $0x0  }
0x1d: {  	s5 =	simm.s32 @p1 $0x1;
	p0 =	seq.s32 s7, s2  }
0x1e: {  	s7 =	smul.u32 @!p0 $0xF7A, s2;
	p2 =	seq.s32 @!p0 s5, $0x0  }
0x1f: {  	s9 =	smul.u32 $0xF7A, s1;
	s8 =	simm.s32 @!p0 $0x1BF5;
	p2 =	por !p2, p0  }
0x20: {  	[sflag:s8] =	ssyncset.s32 @!p0 $0xFFFFF086;
	s6 =	sadd.s32 @!p0 s3, s7;
	s7 =	simm.s32 @!p0 $0x108  }
0x21: {  	s3 =	sadd.s32 s3, s9;
	s6 =	sadd.s32 @!p0 $0x88, s6;
	s7 =	simm.s32 @p2 $0x1082  }
0x22: {  	[simem:s7], [sflag:s8] =	dma.local @!p0 [hbm:s6], $0xF7A  }
0x23: {  	s9 =	sor.u32 $0xD0000000, s2;
	s6 =	simm.s32 $0x108;
	_ =	swait.ge @!p0 [sflag:s8], $0x0  }
0x24: {  	s3 =	sadd.s32 $0x88, s3;
	s6 =	simm.s32 @!p1 $0x1082;
	[sflag:s4] =	ssyncset.s32 $0xFFFFF086  }
0x25: {  	[simem:s6], [sflag:s4] =	dma.local [hbm:s3], $0xF7A  }
0x26: {  	[smem:$0x3F9A] =	sst s1;
	(tag) =	ssettag s2;
	_ =	strace s9  }
0x27: {  	s1 =	sld [smem:$0x3FAA]  }
0x28: {  	s2 =	sld [smem:$0x3FAB]  }
0x29: {  	s4 =	sld [smem:$0x3FAD]  }
0x2a: {  	p0 =	seq.s32 s5, $0x0;
	s5 =	sld [smem:$0x3FAE]  }
0x2b: {  	s6 =	sld [smem:$0x3FAF]  }
0x2c: {  	s7 =	sld [smem:$0x3FB0]  }
0x2d: {  	s3 =	simm.s32 $0x108;
	s8 =	sld [smem:$0x3FB1]  }
0x2e: {  	s3 =	simm.s32 @!p0 $0x1082;
	s9 =	sld [smem:$0x3FB2]  }
0x2f: {  	lr =	sadd.s32 s0, s3;
	s0 =	sld [smem:$0x3FA9]  }
0x30: {  	s3 =	sld [smem:$0x3FAC]  }
0x31: {  	[smem:$0x3FB5] =	sst s10  }
0x32: {  	s10 =	sld [smem:$0x3FB3];
	_ =	sdelay $0x3  }
0x33: {  	p0 =	seq.s32 s10, $0x1;
	s10 =	sld [smem:$0x3FB5];
	_ =	sdelay $0x3  }
0x34: {  	[smem:$0x3FB5] =	sst s10  }
0x35: {  	s10 =	sld [smem:$0x3FB4];
	_ =	sdelay $0x3  }
0x36: {  	p1 =	seq.s32 s10, $0x1;
	s10 =	sld [smem:$0x3FB5];
	_ =	sdelay $0x3  }
0x37: {  	[smem:$0x3FB5] =	sst s10  }
0x38: {  	s10 =	sld [smem:$0x3FB6]  }
0x39: {  	_ = 	snop;
	(pc) =	sbr.ind lr, $3  }
0x3a: {  	_ = 	snop  }
0x3b: {  	_ = 	snop  }
0x3c: {  	p2 =	seq.s32 s10, $0x1;
	s10 =	sld [smem:$0x3FB5]  }
0x3d: {  	_ =	shalt  }
0x3e: {  	_ =	shalt  }
0x3f: {  	_ =	shalt  }
0x40: {  	_ =	shalt  }
0x41: {  	_ =	shalt  }
0x42: {  	_ =	shalt  }
0x43: {  	_ =	shalt  }
0x44: {  	_ =	shalt  }
0x45: {  	_ =	shalt  }
0x46: {  	_ =	shalt  }
0x47: {  	_ =	shalt  }
0x48: {  	_ =	shalt  }
0x49: {  	_ =	shalt  }
0x4a: {  	_ =	shalt  }
0x4b: {  	_ =	shalt  }
0x4c: {  	_ =	shalt  }
0x4d: {  	_ =	shalt  }
0x4e: {  	_ =	shalt  }
0x4f: {  	_ =	shalt  }
0x50: {  	_ =	shalt  }
0x51: {  	_ =	shalt  }
0x52: {  	_ =	shalt  }
0x53: {  	_ =	shalt  }
0x54: {  	_ =	shalt  }
0x55: {  	_ =	shalt  }
0x56: {  	_ =	shalt  }
0x57: {  	_ =	shalt  }
0x58: {  	_ =	shalt  }
0x59: {  	_ =	shalt  }
0x5a: {  	_ =	shalt  }
0x5b: {  	_ =	shalt  }
0x5c: {  	_ =	shalt  }
0x5d: {  	_ =	shalt  }
0x5e: {  	_ =	shalt  }
0x5f: {  	_ =	shalt  }
0x60: {  	_ =	shalt  }
0x61: {  	_ =	shalt  }
0x62: {  	_ =	shalt  }
0x63: {  	_ =	shalt  }
0x64: {  	_ =	shalt  }
0x65: {  	_ =	shalt  }
0x66: {  	_ =	shalt  }
0x67: {  	_ =	shalt  }
0x68: {  	_ =	shalt  }
0x69: {  	_ =	shalt  }
0x6a: {  	_ =	shalt  }
0x6b: {  	_ =	shalt  }
0x6c: {  	_ =	shalt  }
0x6d: {  	_ =	shalt  }
0x6e: {  	_ =	shalt  }
0x6f: {  	_ =	shalt  }
0x70: {  	_ =	shalt  }
0x71: {  	_ =	shalt  }
0x72: {  	_ =	shalt  }
0x73: {  	_ =	shalt  }
0x74: {  	_ =	shalt  }
0x75: {  	_ =	shalt  }
0x76: {  	_ =	shalt  }
0x77: {  	_ =	shalt  }
0x78: {  	_ =	shalt  }
0x79: {  	_ =	shalt  }
0x7a: {  	_ =	shalt  }
0x7b: {  	_ =	shalt  }
0x7c: {  	_ =	shalt  }
0x7d: {  	_ =	shalt  }
0x7e: {  	_ =	shalt  }
0x7f: {  	_ =	shalt  }
0x80: {  	_ =	shalt  }
0x81: {  	_ =	shalt  }
0x82: {  	_ =	shalt  }
0x83: {  	_ =	shalt  }
0x84: {  	_ =	shalt  }
0x85: {  	_ =	shalt  }
0x86: {  	_ =	shalt  }
0x87: {  	_ =	shalt  }
.Lfunc_end0:
.L_simem_size_0:
called_computation.3_lowered:
.L_overlay_start_0:
0x88: {  	s2 =	sld [smem:$0x3FD9]  }
0x89: {  	s3 =	sld [smem:$0x3FFE];
	_ =	sdelay $0x1  }
0x8a: {  	s1 =	srdreg.scid  }
0x8b: {  	s0 =	sand.u32 $0x1, s1  }
0x8c: {  	s14 =	sshll.u32 s0, $0xA;
	s2 =	sadd.s32 s3, s2  }
0x8d: {  	s2 =	sadd.s32 s2, s14  }
0x8e: {  	[smem:$0x3FC1] =	sst s2  }
0x8f: {  	_ = 	snop  }
0x90: {  	s2 =	sld [smem:$0x3FD0];
	_ =	sdelay $0x2  }
0x91: {  	s15 =	simm.s32 $0xA;
	s4 =	simm.s32 $0x10  }
0x92: {  	[smem:s4], [sflag:s15] =	dma.local [hbm:s2], $0x1  }
0x93: {  	_ =	swait.eq [sflag:s15], $0x1  }
0x94: {  	[sflag:s15] =	ssyncset.done $0x0  }
0x95: {  	[sflag:s15] =	ssyncadd.s32 $0xFFFFFFFF  }
0x96: {  	s16 =	sld [smem:$0x11];
	(tm) =	ssettm $0x1  }
0x97: {  	s17 =	sld [smem:$0x3FFB];
	_ =	sdelay $0x3  }
0x98: {  	_ =	strace s17  }
0x99: {  	s3 =	sld [smem:$0x3FFC];
	_ =	sdelay $0x3  }
0x9a: {  	_ =	strace s3  }
0x9b: {  	s3 =	sld [smem:$0x3FFD];
	_ =	sdelay $0x3  }
0x9c: {  	_ =	strace s3  }
0x9d: {  	_ =	strace $0x8FFFFFFF  }
0x9e: {  	s18 =	sld [smem:$0x3FDB];
	_ =	sdelay $0x1  }
0x9f: {  	s19 =	simm.s32 $_scs_section_size  }
0xa0: {  	s5 =	simm.s32 $_size__tile_overlayer_lowered;
	s6 =	simm.s32 $_tile_overlayer_lowered  }
0xa1: {  	s22 =	simm.s32 $0x1BFF;
	s21 =	sshll.u32 s6, $0x1;
	s3 =	sadd.s32 s19, s18  }
0xa2: {  	s7 =	simm.s32 $0x0;
	s20 =	sshll.u32 s5, $0x1;
	s5 =	sadd.s32 s21, s3  }
0xa3: {  	[timem:s7], [sflag:s22] =	dma.local [hbm:s5], s20  }
0xa4: {  	_ =	swait.ge [sflag:s22], s20  }
0xa5: {  	s4 =	ssub.s32 $0x0, s20;
	[sflag:s22] =	ssyncset.done $0x0  }
0xa6: {  	[sflag:s22] =	ssyncadd.s32 s4;
	_ =	sdelay $0x1  }
0xa7: {  	s23 =	simm.s32 $0x1B8B  }
0xa8: {  	_ =	swait.ge [sflag:s23], $0x1  }
0xa9: {  	[sflag:s23] =	ssyncset.done $0x0  }
0xaa: {  	s25 =	simm.s32 $0x1B8E;
	s24 =	sld [smem:$0x3FFE];
	[sflag:s23] =	ssyncadd.s32 $0xFFFFFFFF  }
0xab: {  	s26 =	simm.s32 $execute0_lowered;
	[smem:$0x3FD2] =	sst s25  }
0xac: {  	s5 =	sshll.u32 s26, $0x1;
	_ =	strace $0x8000004F;
	[dreg:$0x1] =	wrdreg $0xFFFFFFFF  }
0xad: {  	s28 =	simm.s32 $_size_execute0_lowered;
	s3 =	sadd.s32 s3, s5;
	[dreg:$0x0] =	wrdreg $0x0  }
0xae: {  	s5 =	sshll.u32 s28, $0x1;
	[dreg:$0x2] =	wrdreg s3  }
0xaf: {  	[dreg:$0x3] =	wrdreg s5  }
0xb0: {  	[dreg:$0x4] =	wrdreg $0xC0  }
0xb1: {  	_ =	task [dreg:s7], $0x5FFFF  }
0xb2: {  	[dreg:$0x1] =	wrdreg $0xFFFFFFFF  }
0xb3: {  	[dreg:$0x0] =	wrdreg $0x60  }
0xb4: {  	[dreg:$0x2] =	wrdreg s24  }
0xb5: {  	[dreg:$0x3] =	wrdreg s16  }
0xb6: {  	[dreg:$0x4] =	wrdreg $0x9  }
0xb7: {  	_ =	task.clear_ibuf [dreg:s7], $0x5FFFF;
	_ =	strace $0x9000004F  }
0xb8: {  	s29 =	simm.s32 $0x9;
	_ =	strace $0x80000051  }
0xb9: {  	_ =	swait.ge [sflag:s29], $0x1  }
0xba: {  	[sflag:s29] =	ssyncadd.s32 $0xFFFFFFFF  }
0xbb: {  	_ =	strace $0x90000051  }
0xbc: {  	_ =	sfence  }
0xbd: {  	s30 =	sld [smem:$0x0];
	_ =	sdelay $0x2  }
0xbe: {  	s31 =	sshll.u32 s1, $0xD;
	s1 =	sshrl.u32 s1, $0x2  }
0xbf: {  	s3 =	sand.u32 $0x4000, s31;
	s1 =	sadd.s32 s1, s30  }
0xc0: {  	s0 =	sor.u32 s3, s0;
	s1 =	sshll.u32 s1, $0x11  }
0xc1: {  	s0 =	sor.u32 s1, s0  }
0xc2: {  	s0 =	sadd.s32 $0x8F2B, s0  }
0xc3: {  	[sflag:s0] =	ssyncadd.remote.s32 $0x1  }
0xc4: {  	_ =	sfence.sel $0xFFFF  }
0xc5: {  	[dreg:$0x0] =	wrdreg $0xFFFFFFFF;
	(pc) =	sbr.abs _section_cstart, $3  }
0xc6: {  	[dreg:$0x1] =	wrdreg $0xFFFFFFFF  }
0xc7: {  	_ =	task.clear_ibuf [dreg:s7], $0x2FFFF;
	_ =	strace $0x9FFFFFFF  }
0xc8: {  	(tm) =	ssettm $0x7FFFFFFF  }
0xc9: {  	_ =	shalt  }
tec
execute0_lowered:
.L_overlay_start_1:
0x0: {  	(tag) =	ssettag $0x1  }
0x1: {  	s0 =	rddreg [dreg:$0x0]  }
0x2: {  	s6 =	rddreg [dreg:$0x1]  }
0x3: {  	s2 =	simm.s32 $0x0;
	s1 =	stileid.u32;
	s4 =	srdreg.scid  }
0x4: {  	s13 =	simm.s32 $0x4;
	s14 =	simm.s32 $0x2C00;
	s15 =	simm.s32 $0x80  }
0x5: {  	s16 =	simm.s32 $0x3800;
	s17 =	simm.s32 $0x7800;
	s18 =	simm.s32 $0x1  }
0x6: {  	s19 =	simm.s32 $0x2;
	s20 =	simm.s32 $0x3;
	s21 =	simm.s32 $0x1000  }
0x7: {  	s22 =	simm.s32 $0x0;
	[smem:$0x7FF] =	sst s2;
	s3 =	sadd.s32 $0x3400, s0  }
0x8: {  	s7 =	sshll.u32 s1, $0x9;
	s5 =	smul.u32 $0x180, s1;
	s8 =	sand.u32 $0x1, s4  }
0x9: {  	s29 =	sshll.u32 s1, $0xD;
	s4 =	sadd.s32 $0x4B400, s0;
	_ =	strace $0x80000050  }
.Ltmp0:
0xa: {  	s9 =	sadd.s32 s7, s0;
	s10 =	ssub.s32 $0x2, s8;
	(pc) =	sbr.rel .LBB2_1-.Ltmp0, $4  }
0xb: {  	s12 =	sadd.s32 s29, s0;
	p0 =	seq.s32 s8, $0x1;
	s6 =	sadd.s32 s6, s7  }
0xc: {  	s11 =	sadd.s32 s5, s0;
	s30 =	sshrl.u32 s10, $0x1;
	s5 =	sadd.s32 $0x100400, s9  }
0xd: {  	s7 =	sadd.s32 $0x2B400, s12;
	s31 =	ssub.s32 s10, s30;
	s8 =	sadd.s32 $0xFEC00, s11  }
0xe: {  	s9 =	sadd.s32 $0xFD400, s11;
	s10 =	smul.u32 $0xC000, s1;
	s11 =	smax.u32 s31, $0x1  }
.LBB2_10:
0xf: {  	s22 =	sadd.s32 $0x1, s22  }
0x10: {  	_ =	swait.ge [sflag:s20], $0x800;
	p1 =	sne.s32 s22, s11  }
.Ltmp1:
0x11: {  	[sflag:s20] =	ssyncset.done $0x0;
	(pc) =	sbr.rel @!p1 .LBB2_11-.Ltmp1, $4  }
0x12: {  	[sflag:s20] =	ssyncadd.s32 $0xFFFFF800  }
0x13: {  	_ =	swait.ge [sflag:s20], $0x800  }
0x14: {  	[sflag:s20] =	ssyncset.done $0x0  }
0x15: {  	[sflag:s20] =	ssyncadd.s32 $0xFFFFF800  }
.LBB2_1:
.Ltmp2:
0x16: {  	(pc) =	sbr.rel @!p0 .LBB2_2-.Ltmp2, $2  }
0x17: {  	_ =	sdelay $0x2  }
0x18: {  	s23 =	simm.s32 $0x0  }
0x19: {  	s0 =	simm.s32 $0x2000  }
0x1a: {  	[tilespmem:s0], [sflag:$0x4] =	stream.linear.gather [hbm4b:s8+s23], $0xC00, $0x38;
	[tilespmem:$0xC800] =	vst v63  }
0x1b: {  	_ =	swait.ge [sflag:s13], $0xC00  }
0x1c: {  	[sflag:s13] =	ssyncset.done $0x0  }
0x1d: {  	[sflag:s13] =	ssyncadd.s32 $0xFFFFF400  }
0x1e: {  	[tilespmem:s14], [sflag:$0x4] =	stream.linear.gather [hbm4b:s9+s23], $0xC00, $0x38;
	[tilespmem:$0xC800] =	vst v63  }
0x1f: {  	_ =	swait.ge [sflag:s13], $0xC00  }
0x20: {  	[sflag:s13] =	ssyncset.done $0x0  }
0x21: {  	s24 =	simm.s32 $0x0;
	[sflag:s13] =	ssyncadd.s32 $0xFFFFF400  }
.LBB2_7:
0x22: {  	s0 =	sshll.u32 s24, $0x7  }
0x23: {  	s1 =	sadd.s32 $0x2000, s0  }
0x24: {  	[tilespmem:s16], [sflag:$0x1] =	stream.indirect.gather [hbm4b:s3+s15], $0x80, s1, s15, $0xb8;
	[tilespmem:$0xC800] =	vst v63  }
0x25: {  	s0 =	sadd.s32 $0x2C00, s0  }
0x26: {  	[tilespmem:s17], [sflag:$0x2] =	stream.indirect.gather [hbm4b:s3+s15], $0x80, s0, s15, $0xb8;
	[tilespmem:$0xC800] =	vst v63  }
0x27: {  	_ =	swait.ge [sflag:s18], $0x4000  }
0x28: {  	[sflag:s18] =	ssyncset.done $0x0  }
0x29: {  	[sflag:s18] =	ssyncadd.s32 $0xFFFFC000  }
0x2a: {  	_ =	swait.ge [sflag:s19], $0x4000  }
0x2b: {  	p1 =	slt.u32 s24, $0x2;
	[sflag:s19] =	ssyncset.done $0x0  }
0x2c: {  	s0 =	simm.s32 @!p1 $0x3;
	[sflag:s19] =	ssyncadd.s32 $0xFFFFC000  }
0x2d: {  	_ =	swait.ge @!p1 [sflag:s0], $0x800  }
0x2e: {  	[sflag:s0] =	ssyncset.done @!p1 $0x0  }
0x2f: {  	s25 =	simm.s32 $0x7840;
	[sflag:s0] =	ssyncadd.s32 @!p1 $0xFFFFF800  }
0x30: {  	s26 =	simm.s32 $0x3840;
	v0 =	vld [tilespmem:s25+$0xFFFFFFC0]  }
0x31: {  	v1 =	vld [tilespmem:s26+$0xFFFFFFC0]  }
0x32: {  	v2 =	vld [tilespmem:s26+$0xFFFFFFD0]  }
0x33: {  	v3 =	vld [tilespmem:s25+$0xFFFFFFD0]  }
0x34: {  	v4 =	vld [tilespmem:s26+$0xFFFFFFE0]  }
0x35: {  	v5 =	vld [tilespmem:s25+$0xFFFFFFE0]  }
0x36: {  	v6 =	vld [tilespmem:s26+$0xFFFFFFF0]  }
0x37: {  	v7 =	vld [tilespmem:s25+$0xFFFFFFF0]  }
0x38: {  	v0 =	vmul.f32 v0, v1;
	v1 =	vmul.f32 v3, v2;
	v2 =	vld [tilespmem:s26+$0x0]  }
0x39: {  	v3 =	vld [tilespmem:s25+$0x0]  }
0x3a: {  	v0 =	vadd.f32 v1, v0;
	v1 =	vmul.f32 v5, v4;
	v4 =	vld [tilespmem:s26+$0x10]  }
0x3b: {  	v5 =	vld [tilespmem:s25+$0x10]  }
0x3c: {  	v62 =	vld [tilespmem:s26+$0x20];
	v0 =	vadd.f32 v1, v0;
	v1 =	vmul.f32 v7, v6  }
0x3d: {  	v63 =	vld [tilespmem:s25+$0x20]  }
0x3e: {  	v0 =	vadd.f32 v1, v0;
	v1 =	vmul.f32 v3, v2;
	v2 =	vld [tilespmem:s26+$0x30]  }
0x3f: {  	v3 =	vld [tilespmem:s25+$0x30]  }
0x40: {  	v0 =	vadd.f32 v1, v0;
	v1 =	vmul.f32 v5, v4;
	_ =	sdelay $0x1  }
0x41: {  	v0 =	vadd.f32 v1, v0;
	v1 =	vmul.f32 v63, v62  }
0x42: {  	s26 =	sshll.u32 s24, $0xB  }
0x43: {  	s12 =	sand.u32 $0x1E00, s23;
	s1 =	sand.u32 $0x800, s26;
	v0 =	vadd.f32 v1, v0;
	v1 =	vmul.f32 v3, v2  }
0x44: {  	s25 =	sadd.s32 $0xB800, s1;
	s1 =	sshrl.u32 s12, $0x2  }
0x45: {  	s12 =	sand.u32 $0x70, s23;
	s0 =	sadd.s32 s1, s25;
	v0 =	vadd.f32 v1, v0  }
0x46: {  	s0 =	sadd.s32 s12, s0  }
0x47: {  	s30 =	simm.s32 $0x78C0;
	[tilespmem:s0+$0x0] =	vst v0  }
0x48: {  	s31 =	simm.s32 $0x38C0;
	v0 =	vld [tilespmem:s30+$0xFFFFFFC0]  }
0x49: {  	v1 =	vld [tilespmem:s31+$0xFFFFFFC0]  }
0x4a: {  	v2 =	vld [tilespmem:s31+$0xFFFFFFD0]  }
0x4b: {  	s28 =	simm.s32 $0x40;
	s29 =	simm.s32 $0x0;
	s0 =	simm.s32 $0x80;
	v3 =	vld [tilespmem:s30+$0xFFFFFFD0]  }
.LBB2_8:
0x4c: {  	p1 =	sne.s32 s0, $0x1FC0;
	v4 =	vld [tilespmem:s31+$0xFFFFFFE0]  }
0x4d: {  	v5 =	vld [tilespmem:s30+$0xFFFFFFE0]  }
0x4e: {  	v6 =	vld [tilespmem:s31+$0xFFFFFFF0]  }
0x4f: {  	v7 =	vld [tilespmem:s30+$0xFFFFFFF0]  }
0x50: {  	v0 =	vmul.f32 v0, v1;
	v1 =	vmul.f32 v3, v2;
	v2 =	vld [tilespmem:s31+$0x0]  }
0x51: {  	v3 =	vld [tilespmem:s30+$0x0]  }
0x52: {  	v0 =	vadd.f32 v1, v0;
	v1 =	vmul.f32 v5, v4;
	v4 =	vld [tilespmem:s31+$0x10]  }
0x53: {  	v5 =	vld [tilespmem:s30+$0x10]  }
0x54: {  	v0 =	vadd.f32 v1, v0;
	v1 =	vmul.f32 v7, v6;
	v6 =	vld [tilespmem:s31+$0x20]  }
0x55: {  	v7 =	vld [tilespmem:s30+$0x20]  }
0x56: {  	v0 =	vadd.f32 v1, v0;
	v1 =	vmul.f32 v3, v2;
	v2 =	vld [tilespmem:s31+$0x30]  }
0x57: {  	v3 =	vld [tilespmem:s30+$0x30]  }
0x58: {  	v0 =	vadd.f32 v1, v0;
	v1 =	vmul.f32 v5, v4;
	_ =	sdelay $0x1  }
0x59: {  	v0 =	vadd.f32 v1, v0;
	v1 =	vmul.f32 v7, v6;
	_ =	sdelay $0x1  }
0x5a: {  	s1 =	sand.u32 $0x1E00, s28;
	s28 =	smov.u32 s0;
	v0 =	vadd.f32 v1, v0;
	v1 =	vmul.f32 v3, v2  }
0x5b: {  	s29 =	sadd.s32 $0x10, s29;
	s1 =	sshrl.u32 s1, $0x2  }
0x5c: {  	s12 =	sand.u32 $0x70, s29;
	s1 =	sadd.s32 s1, s25;
	v0 =	vadd.f32 v1, v0  }
0x5d: {  	s1 =	sadd.s32 s12, s1  }
.Ltmp3:
0x5e: {  	s30 =	sadd.s32 $0x80, s30;
	[tilespmem:s1+$0x0] =	vst v0;
	(pc) =	sbr.rel @p1 .LBB2_8-.Ltmp3, $4  }
0x5f: {  	s31 =	sadd.s32 $0x80, s31;
	v0 =	vld [tilespmem:s30+$0xFFFFFFC0]  }
0x60: {  	v1 =	vld [tilespmem:s31+$0xFFFFFFC0]  }
0x61: {  	v2 =	vld [tilespmem:s31+$0xFFFFFFD0]  }
0x62: {  	s0 =	sadd.s32 $0x40, s0;
	v3 =	vld [tilespmem:s30+$0xFFFFFFD0]  }
0x63: {  	v4 =	vld [tilespmem:s31+$0xFFFFFFE0]  }
0x64: {  	v5 =	vld [tilespmem:s30+$0xFFFFFFE0]  }
0x65: {  	v6 =	vld [tilespmem:s31+$0xFFFFFFF0]  }
0x66: {  	v7 =	vld [tilespmem:s30+$0xFFFFFFF0]  }
0x67: {  	v50 =	vld [tilespmem:s31+$0x0];
	v0 =	vmul.f32 v0, v1;
	v49 =	vmul.f32 v3, v2  }
0x68: {  	v51 =	vld [tilespmem:s30+$0x0]  }
0x69: {  	v53 =	vld [tilespmem:s31+$0x10];
	v52 =	vmul.f32 v5, v4;
	v0 =	vadd.f32 v49, v0  }
0x6a: {  	v54 =	vld [tilespmem:s30+$0x10]  }
0x6b: {  	v56 =	vld [tilespmem:s31+$0x20];
	v55 =	vmul.f32 v7, v6;
	v0 =	vadd.f32 v52, v0  }
0x6c: {  	v57 =	vld [tilespmem:s30+$0x20]  }
0x6d: {  	v59 =	vld [tilespmem:s31+$0x30];
	v58 =	vmul.f32 v51, v50;
	v0 =	vadd.f32 v55, v0  }
0x6e: {  	v60 =	vld [tilespmem:s30+$0x30]  }
0x6f: {  	v61 =	vmul.f32 v54, v53;
	v0 =	vadd.f32 v58, v0;
	_ =	sdelay $0x1  }
0x70: {  	v62 =	vmul.f32 v57, v56;
	v0 =	vadd.f32 v61, v0  }
0x71: {  	s24 =	sadd.s32 $0x1, s24  }
0x72: {  	s0 =	sand.u32 $0x1E00, s28;
	s1 =	sadd.s32 $0x10, s29;
	p1 =	sne.s32 s24, $0x18;
	v63 =	vmul.f32 v60, v59;
	v0 =	vadd.f32 v62, v0  }
.Ltmp4:
0x73: {  	s12 =	sadd.s32 s10, s26;
	s0 =	sshrl.u32 s0, $0x2;
	(pc) =	sbr.rel @p1 .LBB2_7-.Ltmp4, $4  }
.Ltmp5:
0x74: {  	s1 =	sand.u32 $0x70, s1;
	s0 =	sadd.s32 s0, s25;
	v0 =	vadd.f32 v63, v0;
	(pc) =	sbr.rel @!p1 .LBB2_10-.Ltmp5, $4  }
0x75: {  	s30 =	sshrl.u32 s12, $0x3;
	s0 =	sadd.s32 s1, s0  }
0x76: {  	s31 =	sadd.s32 s4, s30;
	[tilespmem:s0+$0x0] =	vst v0  }
0x77: {  	[hbm4b:s31+s2] =	stream.linear.scatter [tilespmem:s25], [sflag:$0x3], $0x800, $0x38;
	[tilespmem:$0xC800] =	vst v63  }
0x78: {  	_ = 	snop  }
.LBB2_2:
0x79: {  	[tilespmem:s23], [sflag:$0x4] =	stream.linear.gather [hbm4b:s5+s23], $0x1000, $0x38;
	[tilespmem:$0xC800] =	vst v63  }
0x7a: {  	_ =	swait.ge [sflag:s13], $0x1000  }
0x7b: {  	[sflag:s13] =	ssyncset.done $0x0  }
0x7c: {  	[sflag:s13] =	ssyncadd.s32 $0xFFFFF000  }
0x7d: {  	[tilespmem:s21], [sflag:$0x4] =	stream.linear.gather [hbm4b:s6+s23], $0x1000, $0x38;
	[tilespmem:$0xC800] =	vst v63  }
0x7e: {  	_ =	swait.ge [sflag:s13], $0x1000  }
0x7f: {  	[sflag:s13] =	ssyncset.done $0x0  }
0x80: {  	s24 =	simm.s32 $0x0;
	[sflag:s13] =	ssyncadd.s32 $0xFFFFF000  }
.LBB2_3:
0x81: {  	s0 =	sshll.u32 s24, $0x7  }
0x82: {  	[tilespmem:s16], [sflag:$0x1] =	stream.indirect.gather [hbm4b:s3+s15], $0x80, s0, s15, $0xb8;
	[tilespmem:$0xC800] =	vst v63  }
0x83: {  	s0 =	sadd.s32 $0x1000, s0  }
0x84: {  	[tilespmem:s17], [sflag:$0x2] =	stream.indirect.gather [hbm4b:s3+s15], $0x80, s0, s15, $0xb8;
	[tilespmem:$0xC800] =	vst v63  }
0x85: {  	_ =	swait.ge [sflag:s18], $0x4000  }
0x86: {  	[sflag:s18] =	ssyncset.done $0x0  }
0x87: {  	[sflag:s18] =	ssyncadd.s32 $0xFFFFC000  }
0x88: {  	_ =	swait.ge [sflag:s19], $0x4000  }
0x89: {  	p1 =	slt.u32 s24, $0x2;
	[sflag:s19] =	ssyncset.done $0x0  }
0x8a: {  	s0 =	simm.s32 @!p1 $0x3;
	[sflag:s19] =	ssyncadd.s32 $0xFFFFC000  }
0x8b: {  	_ =	swait.ge @!p1 [sflag:s0], $0x800  }
0x8c: {  	[sflag:s0] =	ssyncset.done @!p1 $0x0  }
0x8d: {  	s12 =	simm.s32 $0x7840;
	[sflag:s0] =	ssyncadd.s32 @!p1 $0xFFFFF800  }
0x8e: {  	s25 =	simm.s32 $0x3840;
	v0 =	vld [tilespmem:s12+$0xFFFFFFC0]  }
0x8f: {  	v1 =	vld [tilespmem:s25+$0xFFFFFFC0]  }
0x90: {  	v2 =	vld [tilespmem:s25+$0xFFFFFFD0]  }
0x91: {  	v3 =	vld [tilespmem:s12+$0xFFFFFFD0]  }
0x92: {  	v4 =	vld [tilespmem:s25+$0xFFFFFFE0]  }
0x93: {  	v5 =	vld [tilespmem:s12+$0xFFFFFFE0]  }
0x94: {  	v6 =	vld [tilespmem:s25+$0xFFFFFFF0]  }
0x95: {  	v7 =	vld [tilespmem:s12+$0xFFFFFFF0]  }
0x96: {  	v0 =	vmul.f32 v0, v1;
	v1 =	vmul.f32 v3, v2;
	v2 =	vld [tilespmem:s25+$0x0]  }
0x97: {  	v3 =	vld [tilespmem:s12+$0x0]  }
0x98: {  	v0 =	vadd.f32 v1, v0;
	v1 =	vmul.f32 v5, v4;
	v4 =	vld [tilespmem:s25+$0x10]  }
0x99: {  	v5 =	vld [tilespmem:s12+$0x10]  }
0x9a: {  	v62 =	vld [tilespmem:s25+$0x20];
	v0 =	vadd.f32 v1, v0;
	v1 =	vmul.f32 v7, v6  }
0x9b: {  	v63 =	vld [tilespmem:s12+$0x20]  }
0x9c: {  	v0 =	vadd.f32 v1, v0;
	v1 =	vmul.f32 v3, v2;
	v2 =	vld [tilespmem:s25+$0x30]  }
0x9d: {  	v3 =	vld [tilespmem:s12+$0x30]  }
0x9e: {  	v0 =	vadd.f32 v1, v0;
	v1 =	vmul.f32 v5, v4;
	_ =	sdelay $0x1  }
0x9f: {  	v0 =	vadd.f32 v1, v0;
	v1 =	vmul.f32 v63, v62  }
0xa0: {  	s26 =	sshll.u32 s24, $0xB  }
0xa1: {  	s0 =	sand.u32 $0x800, s26;
	s26 =	sand.u32 $0x1E00, s23;
	v0 =	vadd.f32 v1, v0;
	v1 =	vmul.f32 v3, v2  }
0xa2: {  	s1 =	sshrl.u32 s26, $0x2;
	s25 =	sadd.s32 $0xB800, s0  }
0xa3: {  	s12 =	sand.u32 $0x70, s23;
	s0 =	sadd.s32 s1, s25;
	v0 =	vadd.f32 v1, v0  }
0xa4: {  	s0 =	sadd.s32 s12, s0  }
0xa5: {  	s29 =	simm.s32 $0x78C0;
	[tilespmem:s0+$0x0] =	vst v0  }
0xa6: {  	s30 =	simm.s32 $0x38C0;
	v0 =	vld [tilespmem:s29+$0xFFFFFFC0]  }
0xa7: {  	v1 =	vld [tilespmem:s30+$0xFFFFFFC0]  }
0xa8: {  	v2 =	vld [tilespmem:s30+$0xFFFFFFD0]  }
0xa9: {  	s31 =	simm.s32 $0x80;
	s28 =	simm.s32 $0x0;
	s26 =	simm.s32 $0x40;
	v3 =	vld [tilespmem:s29+$0xFFFFFFD0]  }
.LBB2_4:
0xaa: {  	p1 =	sne.s32 s31, $0x1FC0;
	v4 =	vld [tilespmem:s30+$0xFFFFFFE0]  }
0xab: {  	v5 =	vld [tilespmem:s29+$0xFFFFFFE0]  }
0xac: {  	v6 =	vld [tilespmem:s30+$0xFFFFFFF0]  }
0xad: {  	v7 =	vld [tilespmem:s29+$0xFFFFFFF0]  }
0xae: {  	v0 =	vmul.f32 v0, v1;
	v1 =	vmul.f32 v3, v2;
	v2 =	vld [tilespmem:s30+$0x0]  }
0xaf: {  	v3 =	vld [tilespmem:s29+$0x0]  }
0xb0: {  	v0 =	vadd.f32 v1, v0;
	v1 =	vmul.f32 v5, v4;
	v4 =	vld [tilespmem:s30+$0x10]  }
0xb1: {  	v5 =	vld [tilespmem:s29+$0x10]  }
0xb2: {  	v0 =	vadd.f32 v1, v0;
	v1 =	vmul.f32 v7, v6;
	v6 =	vld [tilespmem:s30+$0x20]  }
0xb3: {  	v7 =	vld [tilespmem:s29+$0x20]  }
0xb4: {  	v0 =	vadd.f32 v1, v0;
	v1 =	vmul.f32 v3, v2;
	v2 =	vld [tilespmem:s30+$0x30]  }
0xb5: {  	v3 =	vld [tilespmem:s29+$0x30]  }
0xb6: {  	v0 =	vadd.f32 v1, v0;
	v1 =	vmul.f32 v5, v4;
	_ =	sdelay $0x1  }
0xb7: {  	v0 =	vadd.f32 v1, v0;
	v1 =	vmul.f32 v7, v6;
	_ =	sdelay $0x1  }
0xb8: {  	s0 =	sand.u32 $0x1E00, s26;
	s26 =	smov.u32 s31;
	v0 =	vadd.f32 v1, v0;
	v1 =	vmul.f32 v3, v2  }
0xb9: {  	s28 =	sadd.s32 $0x10, s28;
	s0 =	sshrl.u32 s0, $0x2  }
0xba: {  	s1 =	sand.u32 $0x70, s28;
	s0 =	sadd.s32 s0, s25;
	v0 =	vadd.f32 v1, v0  }
0xbb: {  	s0 =	sadd.s32 s1, s0  }
.Ltmp6:
0xbc: {  	s29 =	sadd.s32 $0x80, s29;
	[tilespmem:s0+$0x0] =	vst v0;
	(pc) =	sbr.rel @p1 .LBB2_4-.Ltmp6, $4  }
0xbd: {  	s30 =	sadd.s32 $0x80, s30;
	v0 =	vld [tilespmem:s29+$0xFFFFFFC0]  }
0xbe: {  	v1 =	vld [tilespmem:s30+$0xFFFFFFC0]  }
0xbf: {  	v2 =	vld [tilespmem:s30+$0xFFFFFFD0]  }
0xc0: {  	s31 =	sadd.s32 $0x40, s31;
	v3 =	vld [tilespmem:s29+$0xFFFFFFD0]  }
0xc1: {  	v4 =	vld [tilespmem:s30+$0xFFFFFFE0]  }
0xc2: {  	v5 =	vld [tilespmem:s29+$0xFFFFFFE0]  }
0xc3: {  	v6 =	vld [tilespmem:s30+$0xFFFFFFF0]  }
0xc4: {  	v7 =	vld [tilespmem:s29+$0xFFFFFFF0]  }
0xc5: {  	v50 =	vld [tilespmem:s30+$0x0];
	v0 =	vmul.f32 v0, v1;
	v49 =	vmul.f32 v3, v2  }
0xc6: {  	v51 =	vld [tilespmem:s29+$0x0]  }
0xc7: {  	v53 =	vld [tilespmem:s30+$0x10];
	v52 =	vmul.f32 v5, v4;
	v0 =	vadd.f32 v49, v0  }
0xc8: {  	v54 =	vld [tilespmem:s29+$0x10]  }
0xc9: {  	v56 =	vld [tilespmem:s30+$0x20];
	v55 =	vmul.f32 v7, v6;
	v0 =	vadd.f32 v52, v0  }
0xca: {  	v57 =	vld [tilespmem:s29+$0x20]  }
0xcb: {  	v59 =	vld [tilespmem:s30+$0x30];
	v58 =	vmul.f32 v51, v50;
	v0 =	vadd.f32 v55, v0  }
0xcc: {  	v60 =	vld [tilespmem:s29+$0x30]  }
0xcd: {  	v61 =	vmul.f32 v54, v53;
	v0 =	vadd.f32 v58, v0;
	_ =	sdelay $0x1  }
0xce: {  	v62 =	vmul.f32 v57, v56;
	v0 =	vadd.f32 v61, v0  }
0xcf: {  	s30 =	sshll.u32 s24, $0x8;
	s24 =	sadd.s32 $0x1, s24  }
0xd0: {  	s0 =	sand.u32 $0x1E00, s26;
	p1 =	seq.s32 s24, $0x20;
	v63 =	vmul.f32 v60, v59;
	v0 =	vadd.f32 v62, v0  }
.Ltmp7:
0xd1: {  	s1 =	sadd.s32 $0x10, s28;
	s0 =	sshrl.u32 s0, $0x2;
	(pc) =	sbr.rel @!p1 .LBB2_3-.Ltmp7, $4  }
.Ltmp8:
0xd2: {  	s1 =	sand.u32 $0x70, s1;
	s0 =	sadd.s32 s0, s25;
	v0 =	vadd.f32 v63, v0;
	(pc) =	sbr.rel @p1 .LBB2_10-.Ltmp8, $4  }
0xd3: {  	s0 =	sadd.s32 s1, s0  }
0xd4: {  	s31 =	sadd.s32 s30, s7;
	[tilespmem:s0+$0x0] =	vst v0  }
0xd5: {  	[hbm4b:s31+s2] =	stream.linear.scatter [tilespmem:s25], [sflag:$0x3], $0x800, $0x38;
	[tilespmem:$0xC800] =	vst v63  }
0xd6: {  	_ = 	snop  }
.LBB2_11:
0xd7: {  	_ =	sfence.sel $0x180000  }
0xd8: {  	[bflag:$0x0] =	sbarrier.arrive $0xFFFF  }
0xd9: {  	_ =	strace $0x90000050  }
0xda: {  	s0 =	stileid.u32;
	[bflag:$0x2] =	sbarrier.arrive $0xFFFF  }
0xdb: {  	p0 =	sne.s32 s0, $0x0;
	s0 =	rddreg [dreg:$0x2]  }
0xdc: {  	s0 =	sadd.s32 @!p0 $0x100000, s0  }
0xdd: {  	[sflag:s0] =	ssyncadd.tile.s32 @!p0 $0x1;
	_ =	shalt  }
.Lfunc_end2:
_tile_overlayer_lowered:
.L_overlay_start_2:
0xde: {  	(tag) =	ssettag $0x2  }
0xdf: {  	s0 =	rddreg [dreg:$0x0];
	s2 =	stileid.u32  }
0xe0: {  	s1 =	rddreg [dreg:$0x1];
	p0 =	sne.s32 s2, $0x0  }
0xe1: {  	s3 =	rddreg [dreg:$0x2];
	[bflag:$0x3] =	sbarrier.arrive $0xFFFF;
	s2 =	simm.s32 @!p0 $0x1C04  }
0xe2: {  	[timem:s3], [sflag:s2] =	dma.local @!p0 [hbm:s0], s1  }
0xe3: {  	s0 =	simm.s32 @!p0 $0x4  }
0xe4: {  	_ =	swait.ge @!p0 [sflag:s0], s1  }
0xe5: {  	s1 =	ssub.s32 @!p0 $0x0, s1;
	[sflag:s0] =	ssyncset.done @!p0 $0x0  }
0xe6: {  	[sflag:s0] =	ssyncadd.s32 @!p0 s1  }
0xe7: {  	[bflag:$0x3] =	sbarrier.arrive $0xFFFF  }
0xe8: {  	_ =	shalt  }

// kernel: sc_deg.3.cloned.1.call-start
scs
__scs_entry_jumppad:
0x0: {  	(pc) =	sbr.rel $0x88, $3  }
0x1: {  	(tag) =	ssettag $0x0;
	lr =	simm.s32 $0x1  }
0x2: {  	[smem:$0x3F9A] =	sst lr;
	_ =	strace $0xD0000000  }
0x3: {  	_ = 	snop  }
0x4: {  	_ = 	snop  }
0x5: {  	_ = 	snop  }
0x6: {  	_ = 	snop  }
0x7: {  	_ = 	snop  }
__scs_overlays_trampoline_lowered:
0x8: {  	[smem:$0x3FA9] =	sst s0  }
0x9: {  	[smem:$0x3FAA] =	sst s1  }
0xa: {  	[smem:$0x3FAB] =	sst s2  }
0xb: {  	[smem:$0x3FAC] =	sst s3  }
0xc: {  	[smem:$0x3FAD] =	sst s4  }
0xd: {  	[smem:$0x3FAE] =	sst s5  }
0xe: {  	[smem:$0x3FAF] =	sst s6  }
0xf: {  	[smem:$0x3FB0] =	sst s7  }
0x10: {  	[smem:$0x3FB1] =	sst s8  }
0x11: {  	[smem:$0x3FB2] =	sst s9;
	s0 =	simm.s32 @!p0 $0x0  }
0x12: {  	s1 =	sld [smem:$0x3F98];
	s0 =	simm.s32 @p0 $0x1  }
0x13: {  	[smem:$0x3FB3] =	sst s0;
	s0 =	simm.s32 @!p1 $0x0  }
0x14: {  	s2 =	sld [smem:$0x3F97];
	s0 =	simm.s32 @p1 $0x1  }
0x15: {  	[smem:$0x3FB4] =	sst s0;
	s0 =	simm.s32 @!p2 $0x0  }
0x16: {  	s3 =	sld [smem:$0x3FDB];
	s0 =	simm.s32 @p2 $0x1  }
0x17: {  	s4 =	simm.s32 $0x1BF5;
	[smem:$0x3FB6] =	sst s0  }
0x18: {  	s0 =	sld [smem:$0x3F99];
	_ =	swait.ge [sflag:s4], $0x0  }
0x19: {  	s7 =	sld [smem:$0x3F9A]  }
0x1a: {  	s8 =	sadd.s32 $0xFFFFE003, lr  }
0x1b: {  	s9 =	sadd.s32 $0xFFFFFEF7, lr;
	s5 =	simm.s32 $0xFFFFFFFF;
	p2 =	slt.u32 s8, $0xFFFFF086  }
0x1c: {  	p1 =	slt.u32 s9, $0xF7A;
	s5 =	simm.s32 @!p2 $0x0  }
0x1d: {  	s5 =	simm.s32 @p1 $0x1;
	p0 =	seq.s32 s7, s2  }
0x1e: {  	s7 =	smul.u32 @!p0 $0xF7A, s2;
	p2 =	seq.s32 @!p0 s5, $0x0  }
0x1f: {  	s9 =	smul.u32 $0xF7A, s1;
	s8 =	simm.s32 @!p0 $0x1BF5;
	p2 =	por !p2, p0  }
0x20: {  	[sflag:s8] =	ssyncset.s32 @!p0 $0xFFFFF086;
	s6 =	sadd.s32 @!p0 s3, s7;
	s7 =	simm.s32 @!p0 $0x108  }
0x21: {  	s3 =	sadd.s32 s3, s9;
	s6 =	sadd.s32 @!p0 $0x88, s6;
	s7 =	simm.s32 @p2 $0x1082  }
0x22: {  	[simem:s7], [sflag:s8] =	dma.local @!p0 [hbm:s6], $0xF7A  }
0x23: {  	s9 =	sor.u32 $0xD0000000, s2;
	s6 =	simm.s32 $0x108;
	_ =	swait.ge @!p0 [sflag:s8], $0x0  }
0x24: {  	s3 =	sadd.s32 $0x88, s3;
	s6 =	simm.s32 @!p1 $0x1082;
	[sflag:s4] =	ssyncset.s32 $0xFFFFF086  }
0x25: {  	[simem:s6], [sflag:s4] =	dma.local [hbm:s3], $0xF7A  }
0x26: {  	[smem:$0x3F9A] =	sst s1;
	(tag) =	ssettag s2;
	_ =	strace s9  }
0x27: {  	s1 =	sld [smem:$0x3FAA]  }
0x28: {  	s2 =	sld [smem:$0x3FAB]  }
0x29: {  	s4 =	sld [smem:$0x3FAD]  }
0x2a: {  	p0 =	seq.s32 s5, $0x0;
	s5 =	sld [smem:$0x3FAE]  }
0x2b: {  	s6 =	sld [smem:$0x3FAF]  }
0x2c: {  	s7 =	sld [smem:$0x3FB0]  }
0x2d: {  	s3 =	simm.s32 $0x108;
	s8 =	sld [smem:$0x3FB1]  }
0x2e: {  	s3 =	simm.s32 @!p0 $0x1082;
	s9 =	sld [smem:$0x3FB2]  }
0x2f: {  	lr =	sadd.s32 s0, s3;
	s0 =	sld [smem:$0x3FA9]  }
0x30: {  	s3 =	sld [smem:$0x3FAC]  }
0x31: {  	[smem:$0x3FB5] =	sst s10  }
0x32: {  	s10 =	sld [smem:$0x3FB3];
	_ =	sdelay $0x3  }
0x33: {  	p0 =	seq.s32 s10, $0x1;
	s10 =	sld [smem:$0x3FB5];
	_ =	sdelay $0x3  }
0x34: {  	[smem:$0x3FB5] =	sst s10  }
0x35: {  	s10 =	sld [smem:$0x3FB4];
	_ =	sdelay $0x3  }
0x36: {  	p1 =	seq.s32 s10, $0x1;
	s10 =	sld [smem:$0x3FB5];
	_ =	sdelay $0x3  }
0x37: {  	[smem:$0x3FB5] =	sst s10  }
0x38: {  	s10 =	sld [smem:$0x3FB6]  }
0x39: {  	_ = 	snop;
	(pc) =	sbr.ind lr, $3  }
0x3a: {  	_ = 	snop  }
0x3b: {  	_ = 	snop  }
0x3c: {  	p2 =	seq.s32 s10, $0x1;
	s10 =	sld [smem:$0x3FB5]  }
0x3d: {  	_ =	shalt  }
0x3e: {  	_ =	shalt  }
0x3f: {  	_ =	shalt  }
0x40: {  	_ =	shalt  }
0x41: {  	_ =	shalt  }
0x42: {  	_ =	shalt  }
0x43: {  	_ =	shalt  }
0x44: {  	_ =	shalt  }
0x45: {  	_ =	shalt  }
0x46: {  	_ =	shalt  }
0x47: {  	_ =	shalt  }
0x48: {  	_ =	shalt  }
0x49: {  	_ =	shalt  }
0x4a: {  	_ =	shalt  }
0x4b: {  	_ =	shalt  }
0x4c: {  	_ =	shalt  }
0x4d: {  	_ =	shalt  }
0x4e: {  	_ =	shalt  }
0x4f: {  	_ =	shalt  }
0x50: {  	_ =	shalt  }
0x51: {  	_ =	shalt  }
0x52: {  	_ =	shalt  }
0x53: {  	_ =	shalt  }
0x54: {  	_ =	shalt  }
0x55: {  	_ =	shalt  }
0x56: {  	_ =	shalt  }
0x57: {  	_ =	shalt  }
0x58: {  	_ =	shalt  }
0x59: {  	_ =	shalt  }
0x5a: {  	_ =	shalt  }
0x5b: {  	_ =	shalt  }
0x5c: {  	_ =	shalt  }
0x5d: {  	_ =	shalt  }
0x5e: {  	_ =	shalt  }
0x5f: {  	_ =	shalt  }
0x60: {  	_ =	shalt  }
0x61: {  	_ =	shalt  }
0x62: {  	_ =	shalt  }
0x63: {  	_ =	shalt  }
0x64: {  	_ =	shalt  }
0x65: {  	_ =	shalt  }
0x66: {  	_ =	shalt  }
0x67: {  	_ =	shalt  }
0x68: {  	_ =	shalt  }
0x69: {  	_ =	shalt  }
0x6a: {  	_ =	shalt  }
0x6b: {  	_ =	shalt  }
0x6c: {  	_ =	shalt  }
0x6d: {  	_ =	shalt  }
0x6e: {  	_ =	shalt  }
0x6f: {  	_ =	shalt  }
0x70: {  	_ =	shalt  }
0x71: {  	_ =	shalt  }
0x72: {  	_ =	shalt  }
0x73: {  	_ =	shalt  }
0x74: {  	_ =	shalt  }
0x75: {  	_ =	shalt  }
0x76: {  	_ =	shalt  }
0x77: {  	_ =	shalt  }
0x78: {  	_ =	shalt  }
0x79: {  	_ =	shalt  }
0x7a: {  	_ =	shalt  }
0x7b: {  	_ =	shalt  }
0x7c: {  	_ =	shalt  }
0x7d: {  	_ =	shalt  }
0x7e: {  	_ =	shalt  }
0x7f: {  	_ =	shalt  }
0x80: {  	_ =	shalt  }
0x81: {  	_ =	shalt  }
0x82: {  	_ =	shalt  }
0x83: {  	_ =	shalt  }
0x84: {  	_ =	shalt  }
0x85: {  	_ =	shalt  }
0x86: {  	_ =	shalt  }
0x87: {  	_ =	shalt  }
.Lfunc_end0:
.L_simem_size_0:
called_computation_lowered:
.L_overlay_start_0:
0x88: {  	s2 =	sld [smem:$0x3FD9]  }
0x89: {  	s3 =	sld [smem:$0x3FFE];
	_ =	sdelay $0x1  }
0x8a: {  	s1 =	srdreg.scid  }
0x8b: {  	s0 =	sand.u32 $0x1, s1  }
0x8c: {  	s16 =	sshll.u32 s0, $0xA;
	s2 =	sadd.s32 s3, s2  }
0x8d: {  	s2 =	sadd.s32 s2, s16  }
0x8e: {  	[smem:$0x3FC1] =	sst s2  }
0x8f: {  	_ = 	snop  }
0x90: {  	(tm) =	ssettm $0x1  }
0x91: {  	s17 =	sld [smem:$0x3FFB];
	_ =	sdelay $0x3  }
0x92: {  	_ =	strace s17  }
0x93: {  	s2 =	sld [smem:$0x3FFC];
	_ =	sdelay $0x3  }
0x94: {  	_ =	strace s2  }
0x95: {  	s2 =	sld [smem:$0x3FFD];
	_ =	sdelay $0x3  }
0x96: {  	_ =	strace s2  }
0x97: {  	_ =	strace $0x8FFFFFFF  }
0x98: {  	s18 =	sld [smem:$0x3FDB];
	_ =	sdelay $0x1  }
0x99: {  	s19 =	simm.s32 $_scs_section_size  }
0x9a: {  	s4 =	simm.s32 $_size__tile_overlayer_lowered;
	s5 =	simm.s32 $_tile_overlayer_lowered  }
0x9b: {  	s22 =	simm.s32 $0x1BFF;
	s21 =	sshll.u32 s5, $0x1;
	s2 =	sadd.s32 s19, s18  }
0x9c: {  	s6 =	simm.s32 $0x0;
	s20 =	sshll.u32 s4, $0x1;
	s4 =	sadd.s32 s21, s2  }
0x9d: {  	[timem:s6], [sflag:s22] =	dma.local [hbm:s4], s20  }
0x9e: {  	_ =	swait.ge [sflag:s22], s20  }
0x9f: {  	s3 =	ssub.s32 $0x0, s20;
	[sflag:s22] =	ssyncset.done $0x0  }
0xa0: {  	[sflag:s22] =	ssyncadd.s32 s3;
	_ =	sdelay $0x1  }
0xa1: {  	s23 =	simm.s32 $0x1B8B  }
0xa2: {  	_ =	swait.ge [sflag:s23], $0x1  }
0xa3: {  	[sflag:s23] =	ssyncset.done $0x0  }
0xa4: {  	s25 =	simm.s32 $0x1B8E;
	s24 =	sld [smem:$0x3FFE];
	[sflag:s23] =	ssyncadd.s32 $0xFFFFFFFF  }
0xa5: {  	s26 =	simm.s32 $execute0_lowered;
	[smem:$0x3FD2] =	sst s25  }
0xa6: {  	s4 =	sshll.u32 s26, $0x1;
	_ =	strace $0x80000046;
	[dreg:$0x1] =	wrdreg $0xFFFFFFFF  }
0xa7: {  	s28 =	simm.s32 $_size_execute0_lowered;
	s2 =	sadd.s32 s2, s4;
	[dreg:$0x0] =	wrdreg $0x0  }
0xa8: {  	s4 =	sshll.u32 s28, $0x1;
	[dreg:$0x2] =	wrdreg s2  }
0xa9: {  	[dreg:$0x3] =	wrdreg s4  }
0xaa: {  	[dreg:$0x4] =	wrdreg $0xC0  }
0xab: {  	_ =	task [dreg:s6], $0x5FFFF  }
0xac: {  	[dreg:$0x1] =	wrdreg $0xFFFFFFFF  }
0xad: {  	[dreg:$0x0] =	wrdreg $0x60  }
0xae: {  	[dreg:$0x2] =	wrdreg s24  }
0xaf: {  	[dreg:$0x3] =	wrdreg $0x68000  }
0xb0: {  	[dreg:$0x4] =	wrdreg $0x9  }
0xb1: {  	_ =	task.clear_ibuf [dreg:s6], $0x5FFFF;
	_ =	strace $0x90000046  }
0xb2: {  	s29 =	simm.s32 $0x9;
	_ =	strace $0x80000048  }
0xb3: {  	_ =	swait.ge [sflag:s29], $0x1  }
0xb4: {  	[sflag:s29] =	ssyncadd.s32 $0xFFFFFFFF  }
0xb5: {  	_ =	strace $0x90000048  }
0xb6: {  	_ =	sfence  }
0xb7: {  	s30 =	sld [smem:$0x0];
	_ =	sdelay $0x2  }
0xb8: {  	s31 =	sshll.u32 s1, $0xD;
	s1 =	sshrl.u32 s1, $0x2  }
0xb9: {  	s3 =	sand.u32 $0x4000, s31;
	s1 =	sadd.s32 s1, s30  }
0xba: {  	s0 =	sor.u32 s3, s0;
	s1 =	sshll.u32 s1, $0x11  }
0xbb: {  	s0 =	sor.u32 s1, s0  }
0xbc: {  	s0 =	sadd.s32 $0x8F2B, s0  }
0xbd: {  	[sflag:s0] =	ssyncadd.remote.s32 $0x1  }
0xbe: {  	_ =	sfence.sel $0xFFFF  }
0xbf: {  	[dreg:$0x0] =	wrdreg $0xFFFFFFFF;
	(pc) =	sbr.abs _section_cstart, $3  }
0xc0: {  	[dreg:$0x1] =	wrdreg $0xFFFFFFFF  }
0xc1: {  	_ =	task.clear_ibuf [dreg:s6], $0x2FFFF;
	_ =	strace $0x9FFFFFFF  }
0xc2: {  	(tm) =	ssettm $0x7FFFFFFF  }
0xc3: {  	_ =	shalt  }
tec
execute0_lowered:
.L_overlay_start_1:
0x0: {  	(tag) =	ssettag $0x1  }
0x1: {  	s1 =	srdreg.scid;
	s5 =	rddreg [dreg:$0x0]  }
0x2: {  	s0 =	stileid.u32;
	s2 =	rddreg [dreg:$0x1]  }
0x3: {  	s3 =	simm.s32 $0x0;
	s11 =	simm.s32 $0x80;
	s12 =	simm.s32 $0x2800  }
0x4: {  	s4 =	sand.u32 $0x1, s1;
	s30 =	sshll.u32 s0, $0x1;
	s13 =	smul.u32 $0x2800, s0  }
0x5: {  	[smem:$0x7FF] =	sst s3;
	s8 =	smul.u32 $0x50000, s0;
	s14 =	sshll.u32 s0, $0x6  }
0x6: {  	s1 =	sor.u32 s4, s30;
	s7 =	smul.u32 $0x28000, s4;
	s4 =	ssub.s32 $0x2, s4  }
0x7: {  	s6 =	smul.u32 $0x500, s1;
	s1 =	rddreg [dreg:$0x2];
	_ =	strace $0x80000047  }
0x8: {  	s9 =	sadd.s32 s13, s5;
	s10 =	sshrl.u32 s4, $0x1;
	s31 =	sshrl.u32 s8, $0x2  }
0x9: {  	s7 =	sadd.s32 s7, s5;
	s10 =	ssub.s32 s4, s10;
	s8 =	sadd.s32 s31, s2  }
0xa: {  	s4 =	sadd.s32 $0xD400, s9;
	s9 =	simm.s32 $0x2;
	s6 =	sadd.s32 s6, s5  }
0xb: {  	s5 =	sor.u32 $0x1C01, s14;
	s15 =	sadd.s32 $0x35400, s7;
	s7 =	smax.u32 s10, $0x1  }
0xc: {  	s8 =	sshrl.u32 s8, $0x3;
	s10 =	simm.s32 $0x1;
	s14 =	sor.u32 $0x1C02, s14  }
0xd: {  	v0 =	vimm.f32 $1.000000000e+00;
	s6 =	sadd.s32 $0x3400, s6;
	s13 =	sadd.s32 s13, s15;
	s15 =	simm.s32 $0x0  }
.LBB2_1:
0xe: {  	[spmem:s8], [sflag:s5] =	dma.local [hbm:s4], $0x2800  }
0xf: {  	[tilespmem:s3], [sflag:$0x2] =	stream.linear.gather [hbm4b:s6+s3], $0x2800, $0x38;
	[tilespmem:$0x9000] =	vst v63  }
0x10: {  	_ =	swait.ge [sflag:s9], $0x2800  }
0x11: {  	[sflag:s9] =	ssyncset.done $0x0  }
0x12: {  	s16 =	simm.s32 $0x200;
	s17 =	simm.s32 $0x0;
	[sflag:s9] =	ssyncadd.s32 $0xFFFFD800  }
.LBB2_2:
0x13: {  	p0 =	sne.s32 s16, $0xFE00;
	[tilespmem:s17+$0x2800] =	vst v0;
	s17 =	smov.u32 s16;
	s16 =	sadd.s32 $0x200, s16  }
.Ltmp0:
0x14: {  	(pc) =	sbr.rel @p0 .LBB2_2-.Ltmp0, $2  }
0x15: {  	_ =	sdelay $0x2  }
0x16: {  	s17 =	sshra.s32 s17, $0x2  }
0x17: {  	[tilespmem:s17+$0x2800] =	vst v0  }
0x18: {  	_ =	swait.ge [sflag:s10], $0x2800  }
0x19: {  	[sflag:s10] =	ssyncset.done $0x0  }
0x1a: {  	[sflag:s10] =	ssyncadd.s32 $0xFFFFD800  }
0x1b: {  	s16 =	simm.s32 $0x0;
	[bflag:$0x0] =	sbarrier.arrive $0xFFFF  }
0x1c: {  	[spmem:s2] =	stream.indirect.scatter.add.f32 [tilespmem:s12], [sflag:$0x2], $0x10, s16, s11, $0xb8;
	[tilespmem:$0x9000] =	vst v63  }
0x1d: {  	_ =	swait.ge [sflag:s9], $0x800  }
0x1e: {  	s16 =	simm.s32 $0x200;
	[sflag:s9] =	ssyncset.done $0x0  }
.LBB2_4:
0x1f: {  	s17 =	sshra.s32 s16, $0x2;
	[sflag:s9] =	ssyncadd.s32 $0xFFFFF800;
	p0 =	sne.s32 s16, $0x9E00  }
0x20: {  	[spmem:s2] =	stream.indirect.scatter.add.f32 [tilespmem:s12], [sflag:$0x2], $0x10, s17, s11, $0xb8;
	[tilespmem:$0x9000] =	vst v63  }
.Ltmp1:
0x21: {  	_ = 	snop;
	(pc) =	sbr.rel @p0 .LBB2_4-.Ltmp1, $4  }
0x22: {  	_ = 	snop  }
0x23: {  	s16 =	sadd.s32 $0x200, s16  }
0x24: {  	_ =	swait.ge [sflag:s9], $0x800  }
0x25: {  	[sflag:s9] =	ssyncset.done $0x0  }
0x26: {  	s15 =	sadd.s32 $0x1, s15  }
0x27: {  	[sflag:s9] =	ssyncadd.s32 $0xFFFFF800;
	p0 =	sne.s32 s15, s7  }
.Ltmp2:
0x28: {  	[bflag:$0x0] =	sbarrier.arrive $0xFFFF;
	(pc) =	sbr.rel @p0 .LBB2_1-.Ltmp2, $4  }
0x29: {  	[hbm:s13], [sflag:s14] =	dma.local [spmem:s8], $0x2800  }
0x2a: {  	_ =	swait.ge [sflag:s9], $0x2800  }
0x2b: {  	[sflag:s9] =	ssyncset.done $0x0  }
0x2c: {  	[sflag:s9] =	ssyncadd.s32 $0xFFFFD800  }
0x2d: {  	_ =	sfence.sel $0x180000  }
0x2e: {  	[bflag:$0x0] =	sbarrier.arrive $0xFFFF  }
0x2f: {  	p0 =	sne.s32 s0, $0x0;
	_ =	strace $0x90000047  }
0x30: {  	s0 =	sadd.s32 @!p0 $0x100000, s1;
	[bflag:$0x2] =	sbarrier.arrive $0xFFFF  }
0x31: {  	[sflag:s0] =	ssyncadd.tile.s32 @!p0 $0x1;
	_ =	shalt  }
.Lfunc_end2:
_tile_overlayer_lowered:
.L_overlay_start_2:
0x32: {  	(tag) =	ssettag $0x2  }
0x33: {  	s0 =	rddreg [dreg:$0x0];
	s2 =	stileid.u32  }
0x34: {  	s1 =	rddreg [dreg:$0x1];
	p0 =	sne.s32 s2, $0x0  }
0x35: {  	s3 =	rddreg [dreg:$0x2];
	[bflag:$0x3] =	sbarrier.arrive $0xFFFF;
	s2 =	simm.s32 @!p0 $0x1C02  }
0x36: {  	[timem:s3], [sflag:s2] =	dma.local @!p0 [hbm:s0], s1  }
0x37: {  	s0 =	simm.s32 @!p0 $0x2  }
0x38: {  	_ =	swait.ge @!p0 [sflag:s0], s1  }
0x39: {  	s1 =	ssub.s32 @!p0 $0x0, s1;
	[sflag:s0] =	ssyncset.done @!p0 $0x0  }
0x3a: {  	[sflag:s0] =	ssyncadd.s32 @!p0 s1  }
0x3b: {  	[bflag:$0x3] =	sbarrier.arrive $0xFFFF  }
0x3c: {  	_ =	shalt  }

// kernel: sc_prop.4.cloned.1.call-start
scs
__scs_entry_jumppad:
0x0: {  	(pc) =	sbr.rel $0x88, $3  }
0x1: {  	(tag) =	ssettag $0x0;
	lr =	simm.s32 $0x1  }
0x2: {  	[smem:$0x3F9A] =	sst lr;
	_ =	strace $0xD0000000  }
0x3: {  	_ = 	snop  }
0x4: {  	_ = 	snop  }
0x5: {  	_ = 	snop  }
0x6: {  	_ = 	snop  }
0x7: {  	_ = 	snop  }
__scs_overlays_trampoline_lowered:
0x8: {  	[smem:$0x3FA9] =	sst s0  }
0x9: {  	[smem:$0x3FAA] =	sst s1  }
0xa: {  	[smem:$0x3FAB] =	sst s2  }
0xb: {  	[smem:$0x3FAC] =	sst s3  }
0xc: {  	[smem:$0x3FAD] =	sst s4  }
0xd: {  	[smem:$0x3FAE] =	sst s5  }
0xe: {  	[smem:$0x3FAF] =	sst s6  }
0xf: {  	[smem:$0x3FB0] =	sst s7  }
0x10: {  	[smem:$0x3FB1] =	sst s8  }
0x11: {  	[smem:$0x3FB2] =	sst s9;
	s0 =	simm.s32 @!p0 $0x0  }
0x12: {  	s1 =	sld [smem:$0x3F98];
	s0 =	simm.s32 @p0 $0x1  }
0x13: {  	[smem:$0x3FB3] =	sst s0;
	s0 =	simm.s32 @!p1 $0x0  }
0x14: {  	s2 =	sld [smem:$0x3F97];
	s0 =	simm.s32 @p1 $0x1  }
0x15: {  	[smem:$0x3FB4] =	sst s0;
	s0 =	simm.s32 @!p2 $0x0  }
0x16: {  	s3 =	sld [smem:$0x3FDB];
	s0 =	simm.s32 @p2 $0x1  }
0x17: {  	s4 =	simm.s32 $0x1BF5;
	[smem:$0x3FB6] =	sst s0  }
0x18: {  	s0 =	sld [smem:$0x3F99];
	_ =	swait.ge [sflag:s4], $0x0  }
0x19: {  	s7 =	sld [smem:$0x3F9A]  }
0x1a: {  	s8 =	sadd.s32 $0xFFFFE003, lr  }
0x1b: {  	s9 =	sadd.s32 $0xFFFFFEF7, lr;
	s5 =	simm.s32 $0xFFFFFFFF;
	p2 =	slt.u32 s8, $0xFFFFF086  }
0x1c: {  	p1 =	slt.u32 s9, $0xF7A;
	s5 =	simm.s32 @!p2 $0x0  }
0x1d: {  	s5 =	simm.s32 @p1 $0x1;
	p0 =	seq.s32 s7, s2  }
0x1e: {  	s7 =	smul.u32 @!p0 $0xF7A, s2;
	p2 =	seq.s32 @!p0 s5, $0x0  }
0x1f: {  	s9 =	smul.u32 $0xF7A, s1;
	s8 =	simm.s32 @!p0 $0x1BF5;
	p2 =	por !p2, p0  }
0x20: {  	[sflag:s8] =	ssyncset.s32 @!p0 $0xFFFFF086;
	s6 =	sadd.s32 @!p0 s3, s7;
	s7 =	simm.s32 @!p0 $0x108  }
0x21: {  	s3 =	sadd.s32 s3, s9;
	s6 =	sadd.s32 @!p0 $0x88, s6;
	s7 =	simm.s32 @p2 $0x1082  }
0x22: {  	[simem:s7], [sflag:s8] =	dma.local @!p0 [hbm:s6], $0xF7A  }
0x23: {  	s9 =	sor.u32 $0xD0000000, s2;
	s6 =	simm.s32 $0x108;
	_ =	swait.ge @!p0 [sflag:s8], $0x0  }
0x24: {  	s3 =	sadd.s32 $0x88, s3;
	s6 =	simm.s32 @!p1 $0x1082;
	[sflag:s4] =	ssyncset.s32 $0xFFFFF086  }
0x25: {  	[simem:s6], [sflag:s4] =	dma.local [hbm:s3], $0xF7A  }
0x26: {  	[smem:$0x3F9A] =	sst s1;
	(tag) =	ssettag s2;
	_ =	strace s9  }
0x27: {  	s1 =	sld [smem:$0x3FAA]  }
0x28: {  	s2 =	sld [smem:$0x3FAB]  }
0x29: {  	s4 =	sld [smem:$0x3FAD]  }
0x2a: {  	p0 =	seq.s32 s5, $0x0;
	s5 =	sld [smem:$0x3FAE]  }
0x2b: {  	s6 =	sld [smem:$0x3FAF]  }
0x2c: {  	s7 =	sld [smem:$0x3FB0]  }
0x2d: {  	s3 =	simm.s32 $0x108;
	s8 =	sld [smem:$0x3FB1]  }
0x2e: {  	s3 =	simm.s32 @!p0 $0x1082;
	s9 =	sld [smem:$0x3FB2]  }
0x2f: {  	lr =	sadd.s32 s0, s3;
	s0 =	sld [smem:$0x3FA9]  }
0x30: {  	s3 =	sld [smem:$0x3FAC]  }
0x31: {  	[smem:$0x3FB5] =	sst s10  }
0x32: {  	s10 =	sld [smem:$0x3FB3];
	_ =	sdelay $0x3  }
0x33: {  	p0 =	seq.s32 s10, $0x1;
	s10 =	sld [smem:$0x3FB5];
	_ =	sdelay $0x3  }
0x34: {  	[smem:$0x3FB5] =	sst s10  }
0x35: {  	s10 =	sld [smem:$0x3FB4];
	_ =	sdelay $0x3  }
0x36: {  	p1 =	seq.s32 s10, $0x1;
	s10 =	sld [smem:$0x3FB5];
	_ =	sdelay $0x3  }
0x37: {  	[smem:$0x3FB5] =	sst s10  }
0x38: {  	s10 =	sld [smem:$0x3FB6]  }
0x39: {  	_ = 	snop;
	(pc) =	sbr.ind lr, $3  }
0x3a: {  	_ = 	snop  }
0x3b: {  	_ = 	snop  }
0x3c: {  	p2 =	seq.s32 s10, $0x1;
	s10 =	sld [smem:$0x3FB5]  }
0x3d: {  	_ =	shalt  }
0x3e: {  	_ =	shalt  }
0x3f: {  	_ =	shalt  }
0x40: {  	_ =	shalt  }
0x41: {  	_ =	shalt  }
0x42: {  	_ =	shalt  }
0x43: {  	_ =	shalt  }
0x44: {  	_ =	shalt  }
0x45: {  	_ =	shalt  }
0x46: {  	_ =	shalt  }
0x47: {  	_ =	shalt  }
0x48: {  	_ =	shalt  }
0x49: {  	_ =	shalt  }
0x4a: {  	_ =	shalt  }
0x4b: {  	_ =	shalt  }
0x4c: {  	_ =	shalt  }
0x4d: {  	_ =	shalt  }
0x4e: {  	_ =	shalt  }
0x4f: {  	_ =	shalt  }
0x50: {  	_ =	shalt  }
0x51: {  	_ =	shalt  }
0x52: {  	_ =	shalt  }
0x53: {  	_ =	shalt  }
0x54: {  	_ =	shalt  }
0x55: {  	_ =	shalt  }
0x56: {  	_ =	shalt  }
0x57: {  	_ =	shalt  }
0x58: {  	_ =	shalt  }
0x59: {  	_ =	shalt  }
0x5a: {  	_ =	shalt  }
0x5b: {  	_ =	shalt  }
0x5c: {  	_ =	shalt  }
0x5d: {  	_ =	shalt  }
0x5e: {  	_ =	shalt  }
0x5f: {  	_ =	shalt  }
0x60: {  	_ =	shalt  }
0x61: {  	_ =	shalt  }
0x62: {  	_ =	shalt  }
0x63: {  	_ =	shalt  }
0x64: {  	_ =	shalt  }
0x65: {  	_ =	shalt  }
0x66: {  	_ =	shalt  }
0x67: {  	_ =	shalt  }
0x68: {  	_ =	shalt  }
0x69: {  	_ =	shalt  }
0x6a: {  	_ =	shalt  }
0x6b: {  	_ =	shalt  }
0x6c: {  	_ =	shalt  }
0x6d: {  	_ =	shalt  }
0x6e: {  	_ =	shalt  }
0x6f: {  	_ =	shalt  }
0x70: {  	_ =	shalt  }
0x71: {  	_ =	shalt  }
0x72: {  	_ =	shalt  }
0x73: {  	_ =	shalt  }
0x74: {  	_ =	shalt  }
0x75: {  	_ =	shalt  }
0x76: {  	_ =	shalt  }
0x77: {  	_ =	shalt  }
0x78: {  	_ =	shalt  }
0x79: {  	_ =	shalt  }
0x7a: {  	_ =	shalt  }
0x7b: {  	_ =	shalt  }
0x7c: {  	_ =	shalt  }
0x7d: {  	_ =	shalt  }
0x7e: {  	_ =	shalt  }
0x7f: {  	_ =	shalt  }
0x80: {  	_ =	shalt  }
0x81: {  	_ =	shalt  }
0x82: {  	_ =	shalt  }
0x83: {  	_ =	shalt  }
0x84: {  	_ =	shalt  }
0x85: {  	_ =	shalt  }
0x86: {  	_ =	shalt  }
0x87: {  	_ =	shalt  }
.Lfunc_end0:
.L_simem_size_0:
called_computation.1_lowered:
.L_overlay_start_0:
0x88: {  	s2 =	sld [smem:$0x3FD9]  }
0x89: {  	s3 =	sld [smem:$0x3FFE];
	_ =	sdelay $0x1  }
0x8a: {  	s1 =	srdreg.scid  }
0x8b: {  	s0 =	sand.u32 $0x1, s1  }
0x8c: {  	s14 =	sshll.u32 s0, $0xA;
	s2 =	sadd.s32 s3, s2  }
0x8d: {  	s2 =	sadd.s32 s2, s14  }
0x8e: {  	[smem:$0x3FC1] =	sst s2  }
0x8f: {  	_ = 	snop  }
0x90: {  	s2 =	sld [smem:$0x3FD0];
	_ =	sdelay $0x2  }
0x91: {  	s15 =	simm.s32 $0xA;
	s4 =	simm.s32 $0x10  }
0x92: {  	[smem:s4], [sflag:s15] =	dma.local [hbm:s2], $0x1  }
0x93: {  	_ =	swait.eq [sflag:s15], $0x1  }
0x94: {  	[sflag:s15] =	ssyncset.done $0x0  }
0x95: {  	[sflag:s15] =	ssyncadd.s32 $0xFFFFFFFF  }
0x96: {  	s16 =	sld [smem:$0x10];
	(tm) =	ssettm $0x1  }
0x97: {  	s17 =	sld [smem:$0x3FFB];
	_ =	sdelay $0x3  }
0x98: {  	_ =	strace s17  }
0x99: {  	s3 =	sld [smem:$0x3FFC];
	_ =	sdelay $0x3  }
0x9a: {  	_ =	strace s3  }
0x9b: {  	s3 =	sld [smem:$0x3FFD];
	_ =	sdelay $0x3  }
0x9c: {  	_ =	strace s3  }
0x9d: {  	_ =	strace $0x8FFFFFFF  }
0x9e: {  	s18 =	sld [smem:$0x3FDB];
	_ =	sdelay $0x1  }
0x9f: {  	s19 =	simm.s32 $_scs_section_size  }
0xa0: {  	s5 =	simm.s32 $_size__tile_overlayer_lowered;
	s6 =	simm.s32 $_tile_overlayer_lowered  }
0xa1: {  	s22 =	simm.s32 $0x1BFF;
	s21 =	sshll.u32 s6, $0x1;
	s3 =	sadd.s32 s19, s18  }
0xa2: {  	s7 =	simm.s32 $0x0;
	s20 =	sshll.u32 s5, $0x1;
	s5 =	sadd.s32 s21, s3  }
0xa3: {  	[timem:s7], [sflag:s22] =	dma.local [hbm:s5], s20  }
0xa4: {  	_ =	swait.ge [sflag:s22], s20  }
0xa5: {  	s4 =	ssub.s32 $0x0, s20;
	[sflag:s22] =	ssyncset.done $0x0  }
0xa6: {  	[sflag:s22] =	ssyncadd.s32 s4;
	_ =	sdelay $0x1  }
0xa7: {  	s23 =	simm.s32 $0x1B8B  }
0xa8: {  	_ =	swait.ge [sflag:s23], $0x1  }
0xa9: {  	[sflag:s23] =	ssyncset.done $0x0  }
0xaa: {  	s25 =	simm.s32 $0x1B8E;
	s24 =	sld [smem:$0x3FFE];
	[sflag:s23] =	ssyncadd.s32 $0xFFFFFFFF  }
0xab: {  	s26 =	simm.s32 $execute0_lowered;
	[smem:$0x3FD2] =	sst s25  }
0xac: {  	s5 =	sshll.u32 s26, $0x1;
	_ =	strace $0x80000049;
	[dreg:$0x1] =	wrdreg $0xFFFFFFFF  }
0xad: {  	s28 =	simm.s32 $_size_execute0_lowered;
	s3 =	sadd.s32 s3, s5;
	[dreg:$0x0] =	wrdreg $0x0  }
0xae: {  	s5 =	sshll.u32 s28, $0x1;
	[dreg:$0x2] =	wrdreg s3  }
0xaf: {  	[dreg:$0x3] =	wrdreg s5  }
0xb0: {  	[dreg:$0x4] =	wrdreg $0xC0  }
0xb1: {  	_ =	task [dreg:s7], $0x5FFFF  }
0xb2: {  	[dreg:$0x1] =	wrdreg $0xFFFFFFFF  }
0xb3: {  	[dreg:$0x0] =	wrdreg $0x60  }
0xb4: {  	[dreg:$0x2] =	wrdreg s24  }
0xb5: {  	[dreg:$0x3] =	wrdreg s16  }
0xb6: {  	[dreg:$0x4] =	wrdreg $0x90000  }
0xb7: {  	[dreg:$0x5] =	wrdreg $0x9  }
0xb8: {  	_ =	task.clear_ibuf [dreg:s7], $0x6FFFF;
	_ =	strace $0x90000049  }
0xb9: {  	s29 =	simm.s32 $0x9;
	_ =	strace $0x8000004B  }
0xba: {  	_ =	swait.ge [sflag:s29], $0x1  }
0xbb: {  	[sflag:s29] =	ssyncadd.s32 $0xFFFFFFFF  }
0xbc: {  	_ =	strace $0x9000004B  }
0xbd: {  	_ =	sfence  }
0xbe: {  	s30 =	sld [smem:$0x0];
	_ =	sdelay $0x2  }
0xbf: {  	s31 =	sshll.u32 s1, $0xD;
	s1 =	sshrl.u32 s1, $0x2  }
0xc0: {  	s3 =	sand.u32 $0x4000, s31;
	s1 =	sadd.s32 s1, s30  }
0xc1: {  	s0 =	sor.u32 s3, s0;
	s1 =	sshll.u32 s1, $0x11  }
0xc2: {  	s0 =	sor.u32 s1, s0  }
0xc3: {  	s0 =	sadd.s32 $0x8F2B, s0  }
0xc4: {  	[sflag:s0] =	ssyncadd.remote.s32 $0x1  }
0xc5: {  	_ =	sfence.sel $0xFFFF  }
0xc6: {  	[dreg:$0x0] =	wrdreg $0xFFFFFFFF;
	(pc) =	sbr.abs _section_cstart, $3  }
0xc7: {  	[dreg:$0x1] =	wrdreg $0xFFFFFFFF  }
0xc8: {  	_ =	task.clear_ibuf [dreg:s7], $0x2FFFF;
	_ =	strace $0x9FFFFFFF  }
0xc9: {  	(tm) =	ssettm $0x7FFFFFFF  }
tec
execute0_lowered:
.L_overlay_start_1:
0x0: {  	(tag) =	ssettag $0x1  }
0x1: {  	s5 =	rddreg [dreg:$0x0]  }
0x2: {  	s8 =	rddreg [dreg:$0x1]  }
0x3: {  	s2 =	rddreg [dreg:$0x2]  }
0x4: {  	s0 =	rddreg [dreg:$0x3];
	s3 =	simm.s32 $0x0  }
0x5: {  	s1 =	stileid.u32;
	s4 =	srdreg.scid;
	s16 =	simm.s32 $0x1  }
0x6: {  	s17 =	simm.s32 $0x80;
	s18 =	simm.s32 $0x1000;
	s19 =	simm.s32 $0x2  }
0x7: {  	s20 =	simm.s32 $0x5000;
	s21 =	simm.s32 $0x3;
	s6 =	smul.u32 $0x50, s1  }
0x8: {  	[smem:$0x7FF] =	sst s3;
	s7 =	sand.u32 $0x1, s4;
	s22 =	smul.u32 $0x2800, s1  }
0x9: {  	s4 =	sadd.s32 $0x5D400, s5;
	s10 =	smul.u32 $0x50000, s1;
	_ =	strace $0x8000004A  }
0xa: {  	p0 =	seq.s32 s7, $0x0;
	s30 =	smul.u32 $0x28000, s7;
	s7 =	ssub.s32 $0x2, s7  }
0xb: {  	s9 =	sadd.s32 $0x500, s6;
	s12 =	sadd.s32 s22, s5;
	s13 =	sshrl.u32 s7, $0x1  }
0xc: {  	s31 =	sshrl.u32 s10, $0x2;
	s9 =	smov.u32 @p0 s6;
	s14 =	sadd.s32 s30, s5  }
0xd: {  	s13 =	ssub.s32 s7, s13;
	s15 =	sadd.s32 s31, s2;
	s6 =	sshll.u32 s1, $0x6  }
0xe: {  	s9 =	sshll.u32 s9, $0x4;
	s7 =	sor.u32 $0x1C01, s6;
	s23 =	sadd.s32 $0xAD400, s14  }
0xf: {  	s10 =	smax.u32 s13, $0x1;
	s13 =	sshrl.u32 s15, $0x3;
	s14 =	simm.s32 $0x6  }
0x10: {  	s15 =	simm.s32 $0x800;
	s11 =	sadd.s32 s9, s5;
	s5 =	sadd.s32 $0x85400, s12  }
0x11: {  	s8 =	sadd.s32 s8, s9;
	s22 =	sadd.s32 s22, s23;
	s23 =	simm.s32 $0x0  }
0x12: {  	s9 =	sadd.s32 $0x3400, s11;
	s11 =	sadd.s32 $0x3480, s11;
	s12 =	sadd.s32 $0x80, s8  }
.LBB2_1:
0x13: {  	[spmem:s13], [sflag:s7] =	dma.local [hbm:s5], $0x2800  }
0x14: {  	[tilespmem:s3], [sflag:$0x6] =	stream.linear.gather [hbm4b:s8+s3], $0x400, $0x38;
	[tilespmem:$0x1D000] =	vst v63  }
0x15: {  	_ =	swait.ge [sflag:s14], $0x400  }
0x16: {  	[sflag:s14] =	ssyncset.done $0x0  }
0x17: {  	[sflag:s14] =	ssyncadd.s32 $0xFFFFFC00  }
0x18: {  	[tilespmem:s15], [sflag:$0x6] =	stream.linear.gather [hbm4b:s9+s3], $0x400, $0x38;
	[tilespmem:$0x1D000] =	vst v63  }
0x19: {  	_ =	swait.ge [sflag:s14], $0x400  }
0x1a: {  	[sflag:s14] =	ssyncset.done $0x0  }
0x1b: {  	[sflag:s14] =	ssyncadd.s32 $0xFFFFFC00  }
0x1c: {  	_ =	swait.ge [sflag:s16], $0x2800  }
0x1d: {  	[sflag:s16] =	ssyncset.done $0x0  }
0x1e: {  	s24 =	smov.u32 s12;
	[sflag:s16] =	ssyncadd.s32 $0xFFFFD800  }
0x1f: {  	s25 =	smov.u32 s11;
	s26 =	simm.s32 $0x0;
	[bflag:$0x0] =	sbarrier.arrive $0xFFFF  }
0x20: {  	[tilespmem:s18], [sflag:$0x2] =	stream.indirect.gather [hbm4b:s4+s17], $0x80, s3, s17, $0xb8;
	[tilespmem:$0x1D000] =	vst v63  }
.LBB2_2:
0x21: {  	s29 =	sand.u32 $0x8, s26  }
0x22: {  	p0 =	seq.s32 s26, $0x48;
	s28 =	sxor.u32 $0x8, s29  }
0x23: {  	s30 =	simm.s32 @!p0 $0x0;
	s28 =	sshll.u32 @!p0 s28, $0x7  }
0x24: {  	[tilespmem:s28], [sflag:$0x4] =	stream.linear.gather @!p0 [hbm4b:s24+s30], $0x400, $0x38;
	[tilespmem:$0x1D000] =	vst v63  }
0x25: {  	s31 =	sor.u32 @!p0 $0x800, s28  }
0x26: {  	[tilespmem:s31], [sflag:$0x5] =	stream.linear.gather @!p0 [hbm4b:s25+s30], $0x400, $0x38;
	[tilespmem:$0x1D000] =	vst v63  }
0x27: {  	_ =	swait.ge [sflag:s19], $0x4000  }
0x28: {  	s29 =	sshll.u32 s29, $0x7;
	[sflag:s19] =	ssyncset.done $0x0  }
0x29: {  	s31 =	sor.u32 $0x80, s29;
	[sflag:s19] =	ssyncadd.s32 $0xFFFFC000  }
0x2a: {  	[tilespmem:s20], [sflag:$0x3] =	stream.indirect.gather [hbm4b:s4+s17], $0x80, s31, s17, $0xb8;
	[tilespmem:$0x1D000] =	vst v63  }
0x2b: {  	s31 =	sor.u32 $0x800, s29  }
0x2c: {  	[spmem:s2] =	stream.indirect.scatter.add.f32 [tilespmem:s18], [sflag:$0x6], $0x80, s31, s17, $0xb8;
	[tilespmem:$0x1D000] =	vst v63  }
0x2d: {  	_ =	swait.ge [sflag:s14], $0x4000  }
0x2e: {  	[sflag:s14] =	ssyncset.done $0x0  }
0x2f: {  	[sflag:s14] =	ssyncadd.s32 $0xFFFFC000  }
0x30: {  	_ =	swait.ge [sflag:s21], $0x4000  }
0x31: {  	[sflag:s21] =	ssyncset.done $0x0  }
0x32: {  	s31 =	sadd.s32 $0x100, s29;
	[sflag:s21] =	ssyncadd.s32 $0xFFFFC000  }
0x33: {  	[tilespmem:s18], [sflag:$0x2] =	stream.indirect.gather [hbm4b:s4+s17], $0x80, s31, s17, $0xb8;
	[tilespmem:$0x1D000] =	vst v63  }
0x34: {  	s31 =	sor.u32 $0x880, s29  }
0x35: {  	[spmem:s2] =	stream.indirect.scatter.add.f32 [tilespmem:s20], [sflag:$0x6], $0x80, s31, s17, $0xb8;
	[tilespmem:$0x1D000] =	vst v63  }
0x36: {  	_ =	swait.ge [sflag:s14], $0x4000  }
0x37: {  	[sflag:s14] =	ssyncset.done $0x0  }
0x38: {  	[sflag:s14] =	ssyncadd.s32 $0xFFFFC000  }
0x39: {  	_ =	swait.ge [sflag:s19], $0x4000  }
0x3a: {  	[sflag:s19] =	ssyncset.done $0x0  }
0x3b: {  	s31 =	sor.u32 $0x180, s29;
	[sflag:s19] =	ssyncadd.s32 $0xFFFFC000  }
0x3c: {  	[tilespmem:s20], [sflag:$0x3] =	stream.indirect.gather [hbm4b:s4+s17], $0x80, s31, s17, $0xb8;
	[tilespmem:$0x1D000] =	vst v63  }
0x3d: {  	s31 =	sor.u32 $0x900, s29  }
0x3e: {  	[spmem:s2] =	stream.indirect.scatter.add.f32 [tilespmem:s18], [sflag:$0x6], $0x80, s31, s17, $0xb8;
	[tilespmem:$0x1D000] =	vst v63  }
0x3f: {  	_ =	swait.ge [sflag:s14], $0x4000  }
0x40: {  	[sflag:s14] =	ssyncset.done $0x0  }
0x41: {  	[sflag:s14] =	ssyncadd.s32 $0xFFFFC000  }
0x42: {  	_ =	swait.ge [sflag:s21], $0x4000  }
0x43: {  	[sflag:s21] =	ssyncset.done $0x0  }
0x44: {  	s31 =	sadd.s32 $0x200, s29;
	[sflag:s21] =	ssyncadd.s32 $0xFFFFC000  }
0x45: {  	[tilespmem:s18], [sflag:$0x2] =	stream.indirect.gather [hbm4b:s4+s17], $0x80, s31, s17, $0xb8;
	[tilespmem:$0x1D000] =	vst v63  }
0x46: {  	s31 =	sor.u32 $0x980, s29  }
0x47: {  	[spmem:s2] =	stream.indirect.scatter.add.f32 [tilespmem:s20], [sflag:$0x6], $0x80, s31, s17, $0xb8;
	[tilespmem:$0x1D000] =	vst v63  }
0x48: {  	_ =	swait.ge [sflag:s14], $0x4000  }
0x49: {  	[sflag:s14] =	ssyncset.done $0x0  }
0x4a: {  	[sflag:s14] =	ssyncadd.s32 $0xFFFFC000  }
0x4b: {  	_ =	swait.ge [sflag:s19], $0x4000  }
0x4c: {  	[sflag:s19] =	ssyncset.done $0x0  }
0x4d: {  	s31 =	sor.u32 $0x280, s29;
	[sflag:s19] =	ssyncadd.s32 $0xFFFFC000  }
0x4e: {  	[tilespmem:s20], [sflag:$0x3] =	stream.indirect.gather [hbm4b:s4+s17], $0x80, s31, s17, $0xb8;
	[tilespmem:$0x1D000] =	vst v63  }
0x4f: {  	s31 =	sor.u32 $0xA00, s29  }
0x50: {  	[spmem:s2] =	stream.indirect.scatter.add.f32 [tilespmem:s18], [sflag:$0x6], $0x80, s31, s17, $0xb8;
	[tilespmem:$0x1D000] =	vst v63  }
0x51: {  	_ =	swait.ge [sflag:s14], $0x4000  }
0x52: {  	[sflag:s14] =	ssyncset.done $0x0  }
0x53: {  	[sflag:s14] =	ssyncadd.s32 $0xFFFFC000  }
0x54: {  	_ =	swait.ge [sflag:s21], $0x4000  }
0x55: {  	[sflag:s21] =	ssyncset.done $0x0  }
0x56: {  	s31 =	sadd.s32 $0x300, s29;
	[sflag:s21] =	ssyncadd.s32 $0xFFFFC000  }
0x57: {  	[tilespmem:s18], [sflag:$0x2] =	stream.indirect.gather [hbm4b:s4+s17], $0x80, s31, s17, $0xb8;
	[tilespmem:$0x1D000] =	vst v63  }
0x58: {  	s31 =	sor.u32 $0xA80, s29  }
0x59: {  	[spmem:s2] =	stream.indirect.scatter.add.f32 [tilespmem:s20], [sflag:$0x6], $0x80, s31, s17, $0xb8;
	[tilespmem:$0x1D000] =	vst v63  }
0x5a: {  	_ =	swait.ge [sflag:s14], $0x4000  }
0x5b: {  	[sflag:s14] =	ssyncset.done $0x0  }
0x5c: {  	[sflag:s14] =	ssyncadd.s32 $0xFFFFC000  }
0x5d: {  	_ =	swait.ge [sflag:s19], $0x4000  }
0x5e: {  	[sflag:s19] =	ssyncset.done $0x0  }
0x5f: {  	s31 =	sor.u32 $0x380, s29;
	[sflag:s19] =	ssyncadd.s32 $0xFFFFC000  }
0x60: {  	[tilespmem:s20], [sflag:$0x3] =	stream.indirect.gather [hbm4b:s4+s17], $0x80, s31, s17, $0xb8;
	[tilespmem:$0x1D000] =	vst v63  }
0x61: {  	s31 =	sor.u32 $0xB00, s29  }
0x62: {  	[spmem:s2] =	stream.indirect.scatter.add.f32 [tilespmem:s18], [sflag:$0x6], $0x80, s31, s17, $0xb8;
	[tilespmem:$0x1D000] =	vst v63  }
0x63: {  	_ =	swait.ge [sflag:s14], $0x4000  }
0x64: {  	[sflag:s14] =	ssyncset.done $0x0  }
0x65: {  	[sflag:s14] =	ssyncadd.s32 $0xFFFFC000  }
0x66: {  	_ =	swait.ge [sflag:s21], $0x4000  }
0x67: {  	[sflag:s21] =	ssyncset.done $0x0  }
0x68: {  	s29 =	sor.u32 $0xB80, s29;
	[sflag:s21] =	ssyncadd.s32 $0xFFFFC000  }
0x69: {  	[spmem:s2] =	stream.indirect.scatter.add.f32 [tilespmem:s20], [sflag:$0x6], $0x80, s29, s17, $0xb8;
	[tilespmem:$0x1D000] =	vst v63  }
0x6a: {  	_ =	swait.ge [sflag:s14], $0x4000  }
0x6b: {  	[sflag:s14] =	ssyncset.done $0x0  }
0x6c: {  	s26 =	sadd.s32 @!p0 $0x8, s26;
	s29 =	simm.s32 @!p0 $0x4;
	[sflag:s14] =	ssyncadd.s32 $0xFFFFC000  }
0x6d: {  	p1 =	sne.s32 @!p0 s26, $0x50;
	_ =	swait.ge @!p0 [sflag:s29], $0x400  }
0x6e: {  	p1 =	por p0, !p1;
	[sflag:s29] =	ssyncset.done @!p0 $0x0  }
.Ltmp0:
0x6f: {  	[sflag:s29] =	ssyncadd.s32 @!p0 $0xFFFFFC00;
	s29 =	simm.s32 @!p0 $0x5;
	(pc) =	sbr.rel @!p1 .LBB2_2-.Ltmp0, $4  }
0x70: {  	_ =	swait.ge @!p0 [sflag:s29], $0x400  }
0x71: {  	s24 =	sadd.s32 @!p0 $0x80, s24;
	s30 =	simm.s32 @!p0 $0x1000;
	[sflag:s29] =	ssyncset.done @!p0 $0x0  }
0x72: {  	s25 =	sadd.s32 @!p0 $0x80, s25;
	[sflag:s29] =	ssyncadd.s32 @!p0 $0xFFFFFC00;
	s29 =	simm.s32 @!p0 $0x80  }
0x73: {  	[tilespmem:s30], [sflag:$0x2] =	stream.indirect.gather @!p0 [hbm4b:s4+s29], $0x80, s28, s29, $0xb8;
	[tilespmem:$0x1D000] =	vst v63  }
0x74: {  	s23 =	sadd.s32 $0x1, s23  }
0x75: {  	p0 =	sne.s32 s23, s10  }
.Ltmp1:
0x76: {  	[bflag:$0x0] =	sbarrier.arrive $0xFFFF;
	s24 =	sor.u32 $0x1C06, s6;
	(pc) =	sbr.rel @p0 .LBB2_1-.Ltmp1, $4  }
0x77: {  	[hbm:s22], [sflag:s24] =	dma.local [spmem:s13], $0x2800  }
0x78: {  	_ =	swait.ge [sflag:s14], $0x2800  }
0x79: {  	[sflag:s14] =	ssyncset.done $0x0  }
0x7a: {  	[sflag:s14] =	ssyncadd.s32 $0xFFFFD800  }
0x7b: {  	_ =	sfence.sel $0x180000  }
0x7c: {  	[bflag:$0x0] =	sbarrier.arrive $0xFFFF  }
0x7d: {  	p0 =	sne.s32 s1, $0x0;
	_ =	strace $0x9000004A  }
0x7e: {  	s0 =	sadd.s32 @!p0 $0x100000, s0;
	[bflag:$0x2] =	sbarrier.arrive $0xFFFF  }
0x7f: {  	[sflag:s0] =	ssyncadd.tile.s32 @!p0 $0x1;
	_ =	shalt  }
.Lfunc_end2:
_tile_overlayer_lowered:
.L_overlay_start_2:
0x80: {  	(tag) =	ssettag $0x2  }
0x81: {  	s0 =	rddreg [dreg:$0x0];
	s2 =	stileid.u32  }
0x82: {  	s1 =	rddreg [dreg:$0x1];
	p0 =	sne.s32 s2, $0x0  }
0x83: {  	s3 =	rddreg [dreg:$0x2];
	[bflag:$0x3] =	sbarrier.arrive $0xFFFF;
	s2 =	simm.s32 @!p0 $0x1C06  }
0x84: {  	[timem:s3], [sflag:s2] =	dma.local @!p0 [hbm:s0], s1  }
0x85: {  	s0 =	simm.s32 @!p0 $0x6  }
0x86: {  	_ =	swait.ge @!p0 [sflag:s0], s1  }
0x87: {  	s1 =	ssub.s32 @!p0 $0x0, s1;
	[sflag:s0] =	ssyncset.done @!p0 $0x0  }
0x88: {  	[sflag:s0] =	ssyncadd.s32 @!p0 s1  }
0x89: {  	[bflag:$0x3] =	sbarrier.arrive $0xFFFF  }
0x8a: {  	_ =	shalt  }

// kernel: sc_prop.7.cloned.1.call-start
scs
__scs_entry_jumppad:
0x0: {  	(pc) =	sbr.rel $0x88, $3  }
0x1: {  	(tag) =	ssettag $0x0;
	lr =	simm.s32 $0x1  }
0x2: {  	[smem:$0x3F9A] =	sst lr;
	_ =	strace $0xD0000000  }
0x3: {  	_ = 	snop  }
0x4: {  	_ = 	snop  }
0x5: {  	_ = 	snop  }
0x6: {  	_ = 	snop  }
0x7: {  	_ = 	snop  }
__scs_overlays_trampoline_lowered:
0x8: {  	[smem:$0x3FA9] =	sst s0  }
0x9: {  	[smem:$0x3FAA] =	sst s1  }
0xa: {  	[smem:$0x3FAB] =	sst s2  }
0xb: {  	[smem:$0x3FAC] =	sst s3  }
0xc: {  	[smem:$0x3FAD] =	sst s4  }
0xd: {  	[smem:$0x3FAE] =	sst s5  }
0xe: {  	[smem:$0x3FAF] =	sst s6  }
0xf: {  	[smem:$0x3FB0] =	sst s7  }
0x10: {  	[smem:$0x3FB1] =	sst s8  }
0x11: {  	[smem:$0x3FB2] =	sst s9;
	s0 =	simm.s32 @!p0 $0x0  }
0x12: {  	s1 =	sld [smem:$0x3F98];
	s0 =	simm.s32 @p0 $0x1  }
0x13: {  	[smem:$0x3FB3] =	sst s0;
	s0 =	simm.s32 @!p1 $0x0  }
0x14: {  	s2 =	sld [smem:$0x3F97];
	s0 =	simm.s32 @p1 $0x1  }
0x15: {  	[smem:$0x3FB4] =	sst s0;
	s0 =	simm.s32 @!p2 $0x0  }
0x16: {  	s3 =	sld [smem:$0x3FDB];
	s0 =	simm.s32 @p2 $0x1  }
0x17: {  	s4 =	simm.s32 $0x1BF5;
	[smem:$0x3FB6] =	sst s0  }
0x18: {  	s0 =	sld [smem:$0x3F99];
	_ =	swait.ge [sflag:s4], $0x0  }
0x19: {  	s7 =	sld [smem:$0x3F9A]  }
0x1a: {  	s8 =	sadd.s32 $0xFFFFE003, lr  }
0x1b: {  	s9 =	sadd.s32 $0xFFFFFEF7, lr;
	s5 =	simm.s32 $0xFFFFFFFF;
	p2 =	slt.u32 s8, $0xFFFFF086  }
0x1c: {  	p1 =	slt.u32 s9, $0xF7A;
	s5 =	simm.s32 @!p2 $0x0  }
0x1d: {  	s5 =	simm.s32 @p1 $0x1;
	p0 =	seq.s32 s7, s2  }
0x1e: {  	s7 =	smul.u32 @!p0 $0xF7A, s2;
	p2 =	seq.s32 @!p0 s5, $0x0  }
0x1f: {  	s9 =	smul.u32 $0xF7A, s1;
	s8 =	simm.s32 @!p0 $0x1BF5;
	p2 =	por !p2, p0  }
0x20: {  	[sflag:s8] =	ssyncset.s32 @!p0 $0xFFFFF086;
	s6 =	sadd.s32 @!p0 s3, s7;
	s7 =	simm.s32 @!p0 $0x108  }
0x21: {  	s3 =	sadd.s32 s3, s9;
	s6 =	sadd.s32 @!p0 $0x88, s6;
	s7 =	simm.s32 @p2 $0x1082  }
0x22: {  	[simem:s7], [sflag:s8] =	dma.local @!p0 [hbm:s6], $0xF7A  }
0x23: {  	s9 =	sor.u32 $0xD0000000, s2;
	s6 =	simm.s32 $0x108;
	_ =	swait.ge @!p0 [sflag:s8], $0x0  }
0x24: {  	s3 =	sadd.s32 $0x88, s3;
	s6 =	simm.s32 @!p1 $0x1082;
	[sflag:s4] =	ssyncset.s32 $0xFFFFF086  }
0x25: {  	[simem:s6], [sflag:s4] =	dma.local [hbm:s3], $0xF7A  }
0x26: {  	[smem:$0x3F9A] =	sst s1;
	(tag) =	ssettag s2;
	_ =	strace s9  }
0x27: {  	s1 =	sld [smem:$0x3FAA]  }
0x28: {  	s2 =	sld [smem:$0x3FAB]  }
0x29: {  	s4 =	sld [smem:$0x3FAD]  }
0x2a: {  	p0 =	seq.s32 s5, $0x0;
	s5 =	sld [smem:$0x3FAE]  }
0x2b: {  	s6 =	sld [smem:$0x3FAF]  }
0x2c: {  	s7 =	sld [smem:$0x3FB0]  }
0x2d: {  	s3 =	simm.s32 $0x108;
	s8 =	sld [smem:$0x3FB1]  }
0x2e: {  	s3 =	simm.s32 @!p0 $0x1082;
	s9 =	sld [smem:$0x3FB2]  }
0x2f: {  	lr =	sadd.s32 s0, s3;
	s0 =	sld [smem:$0x3FA9]  }
0x30: {  	s3 =	sld [smem:$0x3FAC]  }
0x31: {  	[smem:$0x3FB5] =	sst s10  }
0x32: {  	s10 =	sld [smem:$0x3FB3];
	_ =	sdelay $0x3  }
0x33: {  	p0 =	seq.s32 s10, $0x1;
	s10 =	sld [smem:$0x3FB5];
	_ =	sdelay $0x3  }
0x34: {  	[smem:$0x3FB5] =	sst s10  }
0x35: {  	s10 =	sld [smem:$0x3FB4];
	_ =	sdelay $0x3  }
0x36: {  	p1 =	seq.s32 s10, $0x1;
	s10 =	sld [smem:$0x3FB5];
	_ =	sdelay $0x3  }
0x37: {  	[smem:$0x3FB5] =	sst s10  }
0x38: {  	s10 =	sld [smem:$0x3FB6]  }
0x39: {  	_ = 	snop;
	(pc) =	sbr.ind lr, $3  }
0x3a: {  	_ = 	snop  }
0x3b: {  	_ = 	snop  }
0x3c: {  	p2 =	seq.s32 s10, $0x1;
	s10 =	sld [smem:$0x3FB5]  }
0x3d: {  	_ =	shalt  }
0x3e: {  	_ =	shalt  }
0x3f: {  	_ =	shalt  }
0x40: {  	_ =	shalt  }
0x41: {  	_ =	shalt  }
0x42: {  	_ =	shalt  }
0x43: {  	_ =	shalt  }
0x44: {  	_ =	shalt  }
0x45: {  	_ =	shalt  }
0x46: {  	_ =	shalt  }
0x47: {  	_ =	shalt  }
0x48: {  	_ =	shalt  }
0x49: {  	_ =	shalt  }
0x4a: {  	_ =	shalt  }
0x4b: {  	_ =	shalt  }
0x4c: {  	_ =	shalt  }
0x4d: {  	_ =	shalt  }
0x4e: {  	_ =	shalt  }
0x4f: {  	_ =	shalt  }
0x50: {  	_ =	shalt  }
0x51: {  	_ =	shalt  }
0x52: {  	_ =	shalt  }
0x53: {  	_ =	shalt  }
0x54: {  	_ =	shalt  }
0x55: {  	_ =	shalt  }
0x56: {  	_ =	shalt  }
0x57: {  	_ =	shalt  }
0x58: {  	_ =	shalt  }
0x59: {  	_ =	shalt  }
0x5a: {  	_ =	shalt  }
0x5b: {  	_ =	shalt  }
0x5c: {  	_ =	shalt  }
0x5d: {  	_ =	shalt  }
0x5e: {  	_ =	shalt  }
0x5f: {  	_ =	shalt  }
0x60: {  	_ =	shalt  }
0x61: {  	_ =	shalt  }
0x62: {  	_ =	shalt  }
0x63: {  	_ =	shalt  }
0x64: {  	_ =	shalt  }
0x65: {  	_ =	shalt  }
0x66: {  	_ =	shalt  }
0x67: {  	_ =	shalt  }
0x68: {  	_ =	shalt  }
0x69: {  	_ =	shalt  }
0x6a: {  	_ =	shalt  }
0x6b: {  	_ =	shalt  }
0x6c: {  	_ =	shalt  }
0x6d: {  	_ =	shalt  }
0x6e: {  	_ =	shalt  }
0x6f: {  	_ =	shalt  }
0x70: {  	_ =	shalt  }
0x71: {  	_ =	shalt  }
0x72: {  	_ =	shalt  }
0x73: {  	_ =	shalt  }
0x74: {  	_ =	shalt  }
0x75: {  	_ =	shalt  }
0x76: {  	_ =	shalt  }
0x77: {  	_ =	shalt  }
0x78: {  	_ =	shalt  }
0x79: {  	_ =	shalt  }
0x7a: {  	_ =	shalt  }
0x7b: {  	_ =	shalt  }
0x7c: {  	_ =	shalt  }
0x7d: {  	_ =	shalt  }
0x7e: {  	_ =	shalt  }
0x7f: {  	_ =	shalt  }
0x80: {  	_ =	shalt  }
0x81: {  	_ =	shalt  }
0x82: {  	_ =	shalt  }
0x83: {  	_ =	shalt  }
0x84: {  	_ =	shalt  }
0x85: {  	_ =	shalt  }
0x86: {  	_ =	shalt  }
0x87: {  	_ =	shalt  }
.Lfunc_end0:
.L_simem_size_0:
called_computation.2_lowered:
.L_overlay_start_0:
0x88: {  	s2 =	sld [smem:$0x3FD9]  }
0x89: {  	s3 =	sld [smem:$0x3FFE];
	_ =	sdelay $0x1  }
0x8a: {  	s1 =	srdreg.scid  }
0x8b: {  	s0 =	sand.u32 $0x1, s1  }
0x8c: {  	s14 =	sshll.u32 s0, $0xA;
	s2 =	sadd.s32 s3, s2  }
0x8d: {  	s2 =	sadd.s32 s2, s14  }
0x8e: {  	[smem:$0x3FC1] =	sst s2  }
0x8f: {  	_ = 	snop  }
0x90: {  	s2 =	sld [smem:$0x3FD0];
	_ =	sdelay $0x2  }
0x91: {  	s15 =	simm.s32 $0xA;
	s4 =	simm.s32 $0x10  }
0x92: {  	[smem:s4], [sflag:s15] =	dma.local [hbm:s2], $0x1  }
0x93: {  	_ =	swait.eq [sflag:s15], $0x1  }
0x94: {  	[sflag:s15] =	ssyncset.done $0x0  }
0x95: {  	[sflag:s15] =	ssyncadd.s32 $0xFFFFFFFF  }
0x96: {  	s16 =	sld [smem:$0x10];
	(tm) =	ssettm $0x1  }
0x97: {  	s17 =	sld [smem:$0x3FFB];
	_ =	sdelay $0x3  }
0x98: {  	_ =	strace s17  }
0x99: {  	s3 =	sld [smem:$0x3FFC];
	_ =	sdelay $0x3  }
0x9a: {  	_ =	strace s3  }
0x9b: {  	s3 =	sld [smem:$0x3FFD];
	_ =	sdelay $0x3  }
0x9c: {  	_ =	strace s3  }
0x9d: {  	_ =	strace $0x8FFFFFFF  }
0x9e: {  	s18 =	sld [smem:$0x3FDB];
	_ =	sdelay $0x1  }
0x9f: {  	s19 =	simm.s32 $_scs_section_size  }
0xa0: {  	s5 =	simm.s32 $_size__tile_overlayer_lowered;
	s6 =	simm.s32 $_tile_overlayer_lowered  }
0xa1: {  	s22 =	simm.s32 $0x1BFF;
	s21 =	sshll.u32 s6, $0x1;
	s3 =	sadd.s32 s19, s18  }
0xa2: {  	s7 =	simm.s32 $0x0;
	s20 =	sshll.u32 s5, $0x1;
	s5 =	sadd.s32 s21, s3  }
0xa3: {  	[timem:s7], [sflag:s22] =	dma.local [hbm:s5], s20  }
0xa4: {  	_ =	swait.ge [sflag:s22], s20  }
0xa5: {  	s4 =	ssub.s32 $0x0, s20;
	[sflag:s22] =	ssyncset.done $0x0  }
0xa6: {  	[sflag:s22] =	ssyncadd.s32 s4;
	_ =	sdelay $0x1  }
0xa7: {  	s23 =	simm.s32 $0x1B8B  }
0xa8: {  	_ =	swait.ge [sflag:s23], $0x1  }
0xa9: {  	[sflag:s23] =	ssyncset.done $0x0  }
0xaa: {  	s25 =	simm.s32 $0x1B8E;
	s24 =	sld [smem:$0x3FFE];
	[sflag:s23] =	ssyncadd.s32 $0xFFFFFFFF  }
0xab: {  	s26 =	simm.s32 $execute0_lowered;
	[smem:$0x3FD2] =	sst s25  }
0xac: {  	s5 =	sshll.u32 s26, $0x1;
	_ =	strace $0x8000004C;
	[dreg:$0x1] =	wrdreg $0xFFFFFFFF  }
0xad: {  	s28 =	simm.s32 $_size_execute0_lowered;
	s3 =	sadd.s32 s3, s5;
	[dreg:$0x0] =	wrdreg $0x0  }
0xae: {  	s5 =	sshll.u32 s28, $0x1;
	[dreg:$0x2] =	wrdreg s3  }
0xaf: {  	[dreg:$0x3] =	wrdreg s5  }
0xb0: {  	[dreg:$0x4] =	wrdreg $0xC0  }
0xb1: {  	_ =	task [dreg:s7], $0x5FFFF  }
0xb2: {  	[dreg:$0x1] =	wrdreg $0xFFFFFFFF  }
0xb3: {  	[dreg:$0x0] =	wrdreg $0x60  }
0xb4: {  	[dreg:$0x2] =	wrdreg s24  }
0xb5: {  	[dreg:$0x3] =	wrdreg s16  }
0xb6: {  	[dreg:$0x4] =	wrdreg $0x90000  }
0xb7: {  	[dreg:$0x5] =	wrdreg $0x9  }
0xb8: {  	_ =	task.clear_ibuf [dreg:s7], $0x6FFFF;
	_ =	strace $0x9000004C  }
0xb9: {  	s29 =	simm.s32 $0x9;
	_ =	strace $0x8000004E  }
0xba: {  	_ =	swait.ge [sflag:s29], $0x1  }
0xbb: {  	[sflag:s29] =	ssyncadd.s32 $0xFFFFFFFF  }
0xbc: {  	_ =	strace $0x9000004E  }
0xbd: {  	_ =	sfence  }
0xbe: {  	s30 =	sld [smem:$0x0];
	_ =	sdelay $0x2  }
0xbf: {  	s31 =	sshll.u32 s1, $0xD;
	s1 =	sshrl.u32 s1, $0x2  }
0xc0: {  	s3 =	sand.u32 $0x4000, s31;
	s1 =	sadd.s32 s1, s30  }
0xc1: {  	s0 =	sor.u32 s3, s0;
	s1 =	sshll.u32 s1, $0x11  }
0xc2: {  	s0 =	sor.u32 s1, s0  }
0xc3: {  	s0 =	sadd.s32 $0x8F2B, s0  }
0xc4: {  	[sflag:s0] =	ssyncadd.remote.s32 $0x1  }
0xc5: {  	_ =	sfence.sel $0xFFFF  }
0xc6: {  	[dreg:$0x0] =	wrdreg $0xFFFFFFFF;
	(pc) =	sbr.abs _section_cstart, $3  }
0xc7: {  	[dreg:$0x1] =	wrdreg $0xFFFFFFFF  }
0xc8: {  	_ =	task.clear_ibuf [dreg:s7], $0x2FFFF;
	_ =	strace $0x9FFFFFFF  }
0xc9: {  	(tm) =	ssettm $0x7FFFFFFF  }
tec
execute0_lowered:
.L_overlay_start_1:
0x0: {  	(tag) =	ssettag $0x1  }
0x1: {  	s5 =	rddreg [dreg:$0x0]  }
0x2: {  	s8 =	rddreg [dreg:$0x1]  }
0x3: {  	s2 =	rddreg [dreg:$0x2]  }
0x4: {  	s0 =	rddreg [dreg:$0x3];
	s3 =	simm.s32 $0x0  }
0x5: {  	s1 =	stileid.u32;
	s4 =	srdreg.scid;
	s16 =	simm.s32 $0x1  }
0x6: {  	s17 =	simm.s32 $0x80;
	s18 =	simm.s32 $0x1000;
	s19 =	simm.s32 $0x2  }
0x7: {  	s20 =	simm.s32 $0x5000;
	s21 =	simm.s32 $0x3;
	s6 =	smul.u32 $0x50, s1  }
0x8: {  	[smem:$0x7FF] =	sst s3;
	s7 =	sand.u32 $0x1, s4;
	s22 =	smul.u32 $0x2800, s1  }
0x9: {  	s4 =	sadd.s32 $0x5D400, s5;
	s10 =	smul.u32 $0x50000, s1;
	_ =	strace $0x8000004D  }
0xa: {  	p0 =	seq.s32 s7, $0x0;
	s30 =	smul.u32 $0x28000, s7;
	s7 =	ssub.s32 $0x2, s7  }
0xb: {  	s9 =	sadd.s32 $0x500, s6;
	s12 =	sadd.s32 s22, s5;
	s13 =	sshrl.u32 s7, $0x1  }
0xc: {  	s31 =	sshrl.u32 s10, $0x2;
	s9 =	smov.u32 @p0 s6;
	s14 =	sadd.s32 s30, s5  }
0xd: {  	s13 =	ssub.s32 s7, s13;
	s15 =	sadd.s32 s31, s2;
	s6 =	sshll.u32 s1, $0x6  }
0xe: {  	s9 =	sshll.u32 s9, $0x4;
	s7 =	sor.u32 $0x1C01, s6;
	s23 =	sadd.s32 $0xAD400, s14  }
0xf: {  	s10 =	smax.u32 s13, $0x1;
	s13 =	sshrl.u32 s15, $0x3;
	s14 =	simm.s32 $0x6  }
0x10: {  	s15 =	simm.s32 $0x800;
	s11 =	sadd.s32 s9, s5;
	s5 =	sadd.s32 $0x85400, s12  }
0x11: {  	s8 =	sadd.s32 s8, s9;
	s22 =	sadd.s32 s22, s23;
	s23 =	simm.s32 $0x0  }
0x12: {  	s9 =	sadd.s32 $0x3400, s11;
	s11 =	sadd.s32 $0x3480, s11;
	s12 =	sadd.s32 $0x80, s8  }
.LBB2_1:
0x13: {  	[spmem:s13], [sflag:s7] =	dma.local [hbm:s5], $0x2800  }
0x14: {  	[tilespmem:s3], [sflag:$0x6] =	stream.linear.gather [hbm4b:s8+s3], $0x400, $0x38;
	[tilespmem:$0x1D000] =	vst v63  }
0x15: {  	_ =	swait.ge [sflag:s14], $0x400  }
0x16: {  	[sflag:s14] =	ssyncset.done $0x0  }
0x17: {  	[sflag:s14] =	ssyncadd.s32 $0xFFFFFC00  }
0x18: {  	[tilespmem:s15], [sflag:$0x6] =	stream.linear.gather [hbm4b:s9+s3], $0x400, $0x38;
	[tilespmem:$0x1D000] =	vst v63  }
0x19: {  	_ =	swait.ge [sflag:s14], $0x400  }
0x1a: {  	[sflag:s14] =	ssyncset.done $0x0  }
0x1b: {  	[sflag:s14] =	ssyncadd.s32 $0xFFFFFC00  }
0x1c: {  	_ =	swait.ge [sflag:s16], $0x2800  }
0x1d: {  	[sflag:s16] =	ssyncset.done $0x0  }
0x1e: {  	s24 =	smov.u32 s12;
	[sflag:s16] =	ssyncadd.s32 $0xFFFFD800  }
0x1f: {  	s25 =	smov.u32 s11;
	s26 =	simm.s32 $0x0;
	[bflag:$0x0] =	sbarrier.arrive $0xFFFF  }
0x20: {  	[tilespmem:s18], [sflag:$0x2] =	stream.indirect.gather [hbm4b:s4+s17], $0x80, s3, s17, $0xb8;
	[tilespmem:$0x1D000] =	vst v63  }
.LBB2_2:
0x21: {  	s29 =	sand.u32 $0x8, s26  }
0x22: {  	p0 =	seq.s32 s26, $0x48;
	s28 =	sxor.u32 $0x8, s29  }
0x23: {  	s30 =	simm.s32 @!p0 $0x0;
	s28 =	sshll.u32 @!p0 s28, $0x7  }
0x24: {  	[tilespmem:s28], [sflag:$0x4] =	stream.linear.gather @!p0 [hbm4b:s24+s30], $0x400, $0x38;
	[tilespmem:$0x1D000] =	vst v63  }
0x25: {  	s31 =	sor.u32 @!p0 $0x800, s28  }
0x26: {  	[tilespmem:s31], [sflag:$0x5] =	stream.linear.gather @!p0 [hbm4b:s25+s30], $0x400, $0x38;
	[tilespmem:$0x1D000] =	vst v63  }
0x27: {  	_ =	swait.ge [sflag:s19], $0x4000  }
0x28: {  	s29 =	sshll.u32 s29, $0x7;
	[sflag:s19] =	ssyncset.done $0x0  }
0x29: {  	s31 =	sor.u32 $0x80, s29;
	[sflag:s19] =	ssyncadd.s32 $0xFFFFC000  }
0x2a: {  	[tilespmem:s20], [sflag:$0x3] =	stream.indirect.gather [hbm4b:s4+s17], $0x80, s31, s17, $0xb8;
	[tilespmem:$0x1D000] =	vst v63  }
0x2b: {  	s31 =	sor.u32 $0x800, s29  }
0x2c: {  	[spmem:s2] =	stream.indirect.scatter.add.f32 [tilespmem:s18], [sflag:$0x6], $0x80, s31, s17, $0xb8;
	[tilespmem:$0x1D000] =	vst v63  }
0x2d: {  	_ =	swait.ge [sflag:s14], $0x4000  }
0x2e: {  	[sflag:s14] =	ssyncset.done $0x0  }
0x2f: {  	[sflag:s14] =	ssyncadd.s32 $0xFFFFC000  }
0x30: {  	_ =	swait.ge [sflag:s21], $0x4000  }
0x31: {  	[sflag:s21] =	ssyncset.done $0x0  }
0x32: {  	s31 =	sadd.s32 $0x100, s29;
	[sflag:s21] =	ssyncadd.s32 $0xFFFFC000  }
0x33: {  	[tilespmem:s18], [sflag:$0x2] =	stream.indirect.gather [hbm4b:s4+s17], $0x80, s31, s17, $0xb8;
	[tilespmem:$0x1D000] =	vst v63  }
0x34: {  	s31 =	sor.u32 $0x880, s29  }
0x35: {  	[spmem:s2] =	stream.indirect.scatter.add.f32 [tilespmem:s20], [sflag:$0x6], $0x80, s31, s17, $0xb8;
	[tilespmem:$0x1D000] =	vst v63  }
0x36: {  	_ =	swait.ge [sflag:s14], $0x4000  }
0x37: {  	[sflag:s14] =	ssyncset.done $0x0  }
0x38: {  	[sflag:s14] =	ssyncadd.s32 $0xFFFFC000  }
0x39: {  	_ =	swait.ge [sflag:s19], $0x4000  }
0x3a: {  	[sflag:s19] =	ssyncset.done $0x0  }
0x3b: {  	s31 =	sor.u32 $0x180, s29;
	[sflag:s19] =	ssyncadd.s32 $0xFFFFC000  }
0x3c: {  	[tilespmem:s20], [sflag:$0x3] =	stream.indirect.gather [hbm4b:s4+s17], $0x80, s31, s17, $0xb8;
	[tilespmem:$0x1D000] =	vst v63  }
0x3d: {  	s31 =	sor.u32 $0x900, s29  }
0x3e: {  	[spmem:s2] =	stream.indirect.scatter.add.f32 [tilespmem:s18], [sflag:$0x6], $0x80, s31, s17, $0xb8;
	[tilespmem:$0x1D000] =	vst v63  }
0x3f: {  	_ =	swait.ge [sflag:s14], $0x4000  }
0x40: {  	[sflag:s14] =	ssyncset.done $0x0  }
0x41: {  	[sflag:s14] =	ssyncadd.s32 $0xFFFFC000  }
0x42: {  	_ =	swait.ge [sflag:s21], $0x4000  }
0x43: {  	[sflag:s21] =	ssyncset.done $0x0  }
0x44: {  	s31 =	sadd.s32 $0x200, s29;
	[sflag:s21] =	ssyncadd.s32 $0xFFFFC000  }
0x45: {  	[tilespmem:s18], [sflag:$0x2] =	stream.indirect.gather [hbm4b:s4+s17], $0x80, s31, s17, $0xb8;
	[tilespmem:$0x1D000] =	vst v63  }
0x46: {  	s31 =	sor.u32 $0x980, s29  }
0x47: {  	[spmem:s2] =	stream.indirect.scatter.add.f32 [tilespmem:s20], [sflag:$0x6], $0x80, s31, s17, $0xb8;
	[tilespmem:$0x1D000] =	vst v63  }
0x48: {  	_ =	swait.ge [sflag:s14], $0x4000  }
0x49: {  	[sflag:s14] =	ssyncset.done $0x0  }
0x4a: {  	[sflag:s14] =	ssyncadd.s32 $0xFFFFC000  }
0x4b: {  	_ =	swait.ge [sflag:s19], $0x4000  }
0x4c: {  	[sflag:s19] =	ssyncset.done $0x0  }
0x4d: {  	s31 =	sor.u32 $0x280, s29;
	[sflag:s19] =	ssyncadd.s32 $0xFFFFC000  }
0x4e: {  	[tilespmem:s20], [sflag:$0x3] =	stream.indirect.gather [hbm4b:s4+s17], $0x80, s31, s17, $0xb8;
	[tilespmem:$0x1D000] =	vst v63  }
0x4f: {  	s31 =	sor.u32 $0xA00, s29  }
0x50: {  	[spmem:s2] =	stream.indirect.scatter.add.f32 [tilespmem:s18], [sflag:$0x6], $0x80, s31, s17, $0xb8;
	[tilespmem:$0x1D000] =	vst v63  }
0x51: {  	_ =	swait.ge [sflag:s14], $0x4000  }
0x52: {  	[sflag:s14] =	ssyncset.done $0x0  }
0x53: {  	[sflag:s14] =	ssyncadd.s32 $0xFFFFC000  }
0x54: {  	_ =	swait.ge [sflag:s21], $0x4000  }
0x55: {  	[sflag:s21] =	ssyncset.done $0x0  }
0x56: {  	s31 =	sadd.s32 $0x300, s29;
	[sflag:s21] =	ssyncadd.s32 $0xFFFFC000  }
0x57: {  	[tilespmem:s18], [sflag:$0x2] =	stream.indirect.gather [hbm4b:s4+s17], $0x80, s31, s17, $0xb8;
	[tilespmem:$0x1D000] =	vst v63  }
0x58: {  	s31 =	sor.u32 $0xA80, s29  }
0x59: {  	[spmem:s2] =	stream.indirect.scatter.add.f32 [tilespmem:s20], [sflag:$0x6], $0x80, s31, s17, $0xb8;
	[tilespmem:$0x1D000] =	vst v63  }
0x5a: {  	_ =	swait.ge [sflag:s14], $0x4000  }
0x5b: {  	[sflag:s14] =	ssyncset.done $0x0  }
0x5c: {  	[sflag:s14] =	ssyncadd.s32 $0xFFFFC000  }
0x5d: {  	_ =	swait.ge [sflag:s19], $0x4000  }
0x5e: {  	[sflag:s19] =	ssyncset.done $0x0  }
0x5f: {  	s31 =	sor.u32 $0x380, s29;
	[sflag:s19] =	ssyncadd.s32 $0xFFFFC000  }
0x60: {  	[tilespmem:s20], [sflag:$0x3] =	stream.indirect.gather [hbm4b:s4+s17], $0x80, s31, s17, $0xb8;
	[tilespmem:$0x1D000] =	vst v63  }
0x61: {  	s31 =	sor.u32 $0xB00, s29  }
0x62: {  	[spmem:s2] =	stream.indirect.scatter.add.f32 [tilespmem:s18], [sflag:$0x6], $0x80, s31, s17, $0xb8;
	[tilespmem:$0x1D000] =	vst v63  }
0x63: {  	_ =	swait.ge [sflag:s14], $0x4000  }
0x64: {  	[sflag:s14] =	ssyncset.done $0x0  }
0x65: {  	[sflag:s14] =	ssyncadd.s32 $0xFFFFC000  }
0x66: {  	_ =	swait.ge [sflag:s21], $0x4000  }
0x67: {  	[sflag:s21] =	ssyncset.done $0x0  }
0x68: {  	s29 =	sor.u32 $0xB80, s29;
	[sflag:s21] =	ssyncadd.s32 $0xFFFFC000  }
0x69: {  	[spmem:s2] =	stream.indirect.scatter.add.f32 [tilespmem:s20], [sflag:$0x6], $0x80, s29, s17, $0xb8;
	[tilespmem:$0x1D000] =	vst v63  }
0x6a: {  	_ =	swait.ge [sflag:s14], $0x4000  }
0x6b: {  	[sflag:s14] =	ssyncset.done $0x0  }
0x6c: {  	s26 =	sadd.s32 @!p0 $0x8, s26;
	s29 =	simm.s32 @!p0 $0x4;
	[sflag:s14] =	ssyncadd.s32 $0xFFFFC000  }
0x6d: {  	p1 =	sne.s32 @!p0 s26, $0x50;
	_ =	swait.ge @!p0 [sflag:s29], $0x400  }
0x6e: {  	p1 =	por p0, !p1;
	[sflag:s29] =	ssyncset.done @!p0 $0x0  }
.Ltmp0:
0x6f: {  	[sflag:s29] =	ssyncadd.s32 @!p0 $0xFFFFFC00;
	s29 =	simm.s32 @!p0 $0x5;
	(pc) =	sbr.rel @!p1 .LBB2_2-.Ltmp0, $4  }
0x70: {  	_ =	swait.ge @!p0 [sflag:s29], $0x400  }
0x71: {  	s24 =	sadd.s32 @!p0 $0x80, s24;
	s30 =	simm.s32 @!p0 $0x1000;
	[sflag:s29] =	ssyncset.done @!p0 $0x0  }
0x72: {  	s25 =	sadd.s32 @!p0 $0x80, s25;
	[sflag:s29] =	ssyncadd.s32 @!p0 $0xFFFFFC00;
	s29 =	simm.s32 @!p0 $0x80  }
0x73: {  	[tilespmem:s30], [sflag:$0x2] =	stream.indirect.gather @!p0 [hbm4b:s4+s29], $0x80, s28, s29, $0xb8;
	[tilespmem:$0x1D000] =	vst v63  }
0x74: {  	s23 =	sadd.s32 $0x1, s23  }
0x75: {  	p0 =	sne.s32 s23, s10  }
.Ltmp1:
0x76: {  	[bflag:$0x0] =	sbarrier.arrive $0xFFFF;
	s24 =	sor.u32 $0x1C06, s6;
	(pc) =	sbr.rel @p0 .LBB2_1-.Ltmp1, $4  }
0x77: {  	[hbm:s22], [sflag:s24] =	dma.local [spmem:s13], $0x2800  }
0x78: {  	_ =	swait.ge [sflag:s14], $0x2800  }
0x79: {  	[sflag:s14] =	ssyncset.done $0x0  }
0x7a: {  	[sflag:s14] =	ssyncadd.s32 $0xFFFFD800  }
0x7b: {  	_ =	sfence.sel $0x180000  }
0x7c: {  	[bflag:$0x0] =	sbarrier.arrive $0xFFFF  }
0x7d: {  	p0 =	sne.s32 s1, $0x0;
	_ =	strace $0x9000004D  }
0x7e: {  	s0 =	sadd.s32 @!p0 $0x100000, s0;
	[bflag:$0x2] =	sbarrier.arrive $0xFFFF  }
0x7f: {  	[sflag:s0] =	ssyncadd.tile.s32 @!p0 $0x1;
	_ =	shalt  }
.Lfunc_end2:
_tile_overlayer_lowered:
.L_overlay_start_2:
0x80: {  	(tag) =	ssettag $0x2  }
0x81: {  	s0 =	rddreg [dreg:$0x0];
	s2 =	stileid.u32  }
0x82: {  	s1 =	rddreg [dreg:$0x1];
	p0 =	sne.s32 s2, $0x0  }
0x83: {  	s3 =	rddreg [dreg:$0x2];
	[bflag:$0x3] =	sbarrier.arrive $0xFFFF;
	s2 =	simm.s32 @!p0 $0x1C06  }
0x84: {  	[timem:s3], [sflag:s2] =	dma.local @!p0 [hbm:s0], s1  }
0x85: {  	s0 =	simm.s32 @!p0 $0x6  }
0x86: {  	_ =	swait.ge @!p0 [sflag:s0], s1  }
0x87: {  	s1 =	ssub.s32 @!p0 $0x0, s1;
	[sflag:s0] =	ssyncset.done @!p0 $0x0  }
0x88: {  	[sflag:s0] =	ssyncadd.s32 @!p0 s1  }
0x89: {  	[bflag:$0x3] =	sbarrier.arrive $0xFFFF  }
0x8a: {  	_ =	shalt  }

</sc_bundles>
